<compile_context>
chip_gen: v7x
topology: tpu7x:2x2x1
jax: 0.10.2.dev20260603
libtpu: 0.0.44.dev20260713+nightly
codegen_flags: <defaults>
</compile_context>

<pallas_src>
import functools

import jax
import jax.numpy as jnp
from jax import lax
from jax.experimental import pallas as pl
from jax.experimental.pallas import tpu as pltpu
from jax.experimental.pallas import tpu_sc as plsc

_N = 10000
_E = 320000
_OFF = 1000
_NPAIR = 9000
_D = 128
_B = 1024
_NC, _NS = 2, 16
_K = 128
_CHUNKS = 80
_C0, _C1 = 144, 16
_EPT = _K * _CHUNKS
_E_PAD = _EPT * _NC * _NS
_N_PAD = 10240
_RPT = _N_PAD // _NS
_LBLK = 128
_NLB = 71

_sc_mesh = plsc.VectorSubcoreMesh(core_axis_name="c", subcore_axis_name="s")


@functools.partial(
    pl.kernel,
    out_type=jax.ShapeDtypeStruct((_NC, _N_PAD), jnp.float32),
    mesh=_sc_mesh,
    scratch_types=[
        pltpu.VMEM((_CHUNKS, _K), jnp.int32),
        pltpu.VMEM((_K,), jnp.float32),
        pltpu.VMEM((_RPT,), jnp.float32),
        pltpu.VMEM_SHARED((_N_PAD,), jnp.float32),
    ],
)
def _deg_sc(dst2d_hbm, out_hbm, dst_v, ones_v, zstage_v, acc):
    cid = lax.axis_index("c")
    sid = lax.axis_index("s")
    wid = cid * _NS + sid
    row0 = sid * _RPT

    pltpu.sync_copy(dst2d_hbm.at[pl.ds(wid * _CHUNKS, _CHUNKS)], dst_v)

    def _zb(i, _):
        zstage_v[pl.ds(i * 16, 16)] = jnp.zeros((16,), jnp.float32)
        return 0
    lax.fori_loop(0, _RPT // 16, _zb, 0)
    for j in range(_K // 16):
        ones_v[pl.ds(j * 16, 16)] = jnp.ones((16,), jnp.float32)
    pltpu.sync_copy(zstage_v, acc.at[pl.ds(row0, _RPT)])
    plsc.subcore_barrier()

    def _body(i, _):
        pltpu.sync_copy(ones_v, acc.at[dst_v.at[i]], add=True)
        return 0
    lax.fori_loop(0, _CHUNKS, _body, 0)
    plsc.subcore_barrier()
    pltpu.sync_copy(acc.at[pl.ds(row0, _RPT)],
                    out_hbm.at[cid, pl.ds(row0, _RPT)])


@functools.partial(
    pl.kernel,
    out_type=jax.ShapeDtypeStruct((_NC * _N_PAD, _D), jnp.float32),
    mesh=_sc_mesh,
    scratch_types=[
        pltpu.VMEM((2, _K), jnp.int32),
        pltpu.VMEM((2, _K), jnp.int32),
        pltpu.VMEM((_K, _D), jnp.float32),
        pltpu.VMEM((_K, _D), jnp.float32),
        pltpu.VMEM_SHARED((_N_PAD, _D), jnp.float32),
        pltpu.SemaphoreType.DMA,
        pltpu.SemaphoreType.DMA,
        pltpu.SemaphoreType.DMA,
        pltpu.SemaphoreType.DMA,
    ],
)
def _seg_sc(x_hbm, idx_hbm, out_hbm,
            ib0, ib1, rows0_v, rows1_v, acc, semg0, semg1, semi0, semi1):
    cid = lax.axis_index("c")
    sid = lax.axis_index("s")
    row0 = sid * _RPT
    cnt = jnp.where(cid == 0, _C0, _C1)
    c0 = jnp.where(cid == 0, sid * _C0, _NS * _C0 + sid * _C1)

    def _zrow(i, _):
        for d in range(_D // 16):
            rows0_v[i, pl.ds(d * 16, 16)] = jnp.zeros((16,), jnp.float32)
        return 0
    lax.fori_loop(0, _K, _zrow, 0)
    for b in range(_RPT // _K):
        pltpu.sync_copy(rows0_v, acc.at[pl.ds(row0 + b * _K, _K)])
    plsc.subcore_barrier()

    def _iload(c, ib, sem):
        pltpu.async_copy(idx_hbm.at[c0 + c], ib, sem)

    def _iwait(ib, sem):
        pltpu.make_async_copy(idx_hbm.at[c0], ib, sem).wait()

    def _gath(ib, buf, sem):
        pltpu.async_copy(x_hbm.at[ib.at[0]], buf, sem)

    def _gwait(buf, sem):
        pltpu.make_async_copy(x_hbm.at[ib0.at[0]], buf, sem).wait()

    def _scat(ib, buf):
        pltpu.sync_copy(buf, acc.at[ib.at[1]], add=True)

    pltpu.sync_copy(idx_hbm.at[c0], ib0)
    _gath(ib0, rows0_v, semg0)
    _iload(1, ib1, semi1)

    def _body(i, _):
        c = 2 * i
        _iwait(ib1, semi1)
        _gath(ib1, rows1_v, semg1)
        _gwait(rows0_v, semg0)
        _scat(ib0, rows0_v)
        _iload(c + 2, ib0, semi0)
        _gwait(rows1_v, semg1)
        _scat(ib1, rows1_v)
        _iwait(ib0, semi0)
        _gath(ib0, rows0_v, semg0)
        _iload(c + 3, ib1, semi1)
        return 0
    lax.fori_loop(0, cnt // 2 - 1, _body, 0)

    _iwait(ib1, semi1)
    _gath(ib1, rows1_v, semg1)
    _gwait(rows0_v, semg0)
    _scat(ib0, rows0_v)
    _gwait(rows1_v, semg1)
    _scat(ib1, rows1_v)

    plsc.subcore_barrier()
    pltpu.sync_copy(acc.at[pl.ds(row0, _RPT)],
                    out_hbm.at[pl.ds(cid * _N_PAD + row0, _RPT)])


def _scale_body(p0_ref, p1_ref, emb_ref, xs_ref):
    r = lax.rsqrt(p0_ref[...] + p1_ref[...] + 1.0)
    xs_ref[...] = emb_ref[...] * r


def _scale_rows(p0, p1, emb):
    blk = 1000
    grid = _N // blk
    return pl.pallas_call(
        _scale_body,
        grid=(grid,),
        in_specs=[
            pl.BlockSpec((blk, 1), lambda i: (i, 0)),
            pl.BlockSpec((blk, 1), lambda i: (i, 0)),
            pl.BlockSpec((blk, _D), lambda i: (i, 0)),
        ],
        out_specs=pl.BlockSpec((blk, _D), lambda i: (i, 0)),
        out_shape=jax.ShapeDtypeStruct((_N, _D), jnp.float32),
    )(p0, p1, emb)


def _mlp_body(a0_ref, a1_ref, p0_ref, p1_ref, w1_ref, w2_ref, out_ref):
    r = lax.rsqrt(p0_ref[...] + p1_ref[...] + 1.0)
    agg = (a0_ref[...] + a1_ref[...]) * r
    h = jnp.maximum(
        jnp.dot(agg, w1_ref[...], preferred_element_type=jnp.float32), 0.0)
    g = jnp.dot(h, w2_ref[...], preferred_element_type=jnp.float32)
    out_ref[...] = g * r


def _mlp(a0, a1, p0, p1, w1, w2):
    blk = 1000
    grid = _N // blk
    return pl.pallas_call(
        _mlp_body,
        grid=(grid,),
        in_specs=[
            pl.BlockSpec((blk, _D), lambda i: (i, 0)),
            pl.BlockSpec((blk, _D), lambda i: (i, 0)),
            pl.BlockSpec((blk, 1), lambda i: (i, 0)),
            pl.BlockSpec((blk, 1), lambda i: (i, 0)),
            pl.BlockSpec((_D, 2 * _D), lambda i: (0, 0)),
            pl.BlockSpec((2 * _D, _D), lambda i: (0, 0)),
        ],
        out_specs=pl.BlockSpec((blk, _D), lambda i: (i, 0)),
        out_shape=jax.ShapeDtypeStruct((_N, _D), jnp.float32),
    )(a0, a1, p0, p1, w1, w2)


def _loss_body(b0_ref, b1_ref, p0_ref, p1_ref, img_ref, pairs_ref, out_ref,
               m_ref, s_ref, sel_ref):
    j = pl.program_id(0)

    @pl.when(j == 0)
    def _():
        m_ref[...] = jnp.full((_B, 1), -jnp.inf, jnp.float32)
        s_ref[...] = jnp.zeros((_B, 1), jnp.float32)
        sel_ref[...] = jnp.zeros((_B, 1), jnp.float32)

    r = lax.rsqrt(p0_ref[...] + p1_ref[...] + 1.0)
    pblk = (b0_ref[...] + b1_ref[...]) * r
    pred = lax.dot_general(img_ref[...], pblk,
                           (((1,), (1,)), ((), ())),
                           preferred_element_type=jnp.float32)
    cols = j * _LBLK + lax.broadcasted_iota(jnp.int32, (1, _LBLK), 1)
    predm = jnp.where(cols < _NPAIR, pred, -jnp.inf)
    bm = jnp.max(predm, axis=1, keepdims=True)
    m_new = jnp.maximum(m_ref[...], bm)
    s_ref[...] = (s_ref[...] * jnp.exp(m_ref[...] - m_new)
                  + jnp.sum(jnp.exp(predm - m_new), axis=1, keepdims=True))
    m_ref[...] = m_new
    hit = cols == pairs_ref[...]
    sel_ref[...] += jnp.sum(jnp.where(hit, pred, 0.0), axis=1, keepdims=True)

    @pl.when(j == pl.num_programs(0) - 1)
    def _():
        nll = m_ref[...] + jnp.log(s_ref[...]) - sel_ref[...]
        out_ref[...] = jnp.sum(nll, axis=0, keepdims=True) / _B


def _loss(b0p, b1p, p0p, p1p, img, pairs2d):
    return pl.pallas_call(
        _loss_body,
        grid=(_NLB,),
        in_specs=[
            pl.BlockSpec((_LBLK, _D), lambda j: (j, 0)),
            pl.BlockSpec((_LBLK, _D), lambda j: (j, 0)),
            pl.BlockSpec((_LBLK, 1), lambda j: (j, 0)),
            pl.BlockSpec((_LBLK, 1), lambda j: (j, 0)),
            pl.BlockSpec((_B, _D), lambda j: (0, 0)),
            pl.BlockSpec((_B, 1), lambda j: (0, 0)),
        ],
        out_specs=pl.BlockSpec((1, 1), lambda j: (0, 0)),
        out_shape=jax.ShapeDtypeStruct((1, 1), jnp.float32),
        scratch_shapes=[
            pltpu.VMEM((_B, 1), jnp.float32),
            pltpu.VMEM((_B, 1), jnp.float32),
            pltpu.VMEM((_B, 1), jnp.float32),
        ],
    )(b0p, b1p, p0p, p1p, img, pairs2d)


def kernel(embeddings, edge_index, img, pairs, W1, W2):
    src = edge_index[0].astype(jnp.int32)
    dst = edge_index[1].astype(jnp.int32)
    npad = _E_PAD - _E
    src_p = jnp.concatenate([src, jnp.zeros((npad,), jnp.int32)])
    dst_p = jnp.concatenate([dst, jnp.full((npad,), _N, jnp.int32)])
    dst2d = dst_p.reshape(_E_PAD // _K, _K)
    idx_pairs = jnp.stack([src_p.reshape(_E_PAD // _K, _K), dst2d], axis=1)

    deg_parts = _deg_sc(dst2d)
    p0 = deg_parts[0].reshape(_N_PAD, 1)
    p1 = deg_parts[1].reshape(_N_PAD, 1)

    xs = _scale_rows(p0[:_N], p1[:_N], embeddings)
    a = _seg_sc(xs, idx_pairs)
    g1s = _mlp(a[:_N], a[_N_PAD:_N_PAD + _N],
               p0[:_N], p1[:_N], W1, W2)
    b = _seg_sc(g1s, idx_pairs)

    nrows = _NLB * _LBLK
    b0p = b[_OFF:_OFF + nrows]
    b1p = b[_N_PAD + _OFF:_N_PAD + _OFF + nrows]
    p0p = p0[_OFF:_OFF + nrows]
    p1p = p1[_OFF:_OFF + nrows]
    pairs2d = pairs.astype(jnp.int32).reshape(_B, 1)
    loss2d = _loss(b0p, b1p, p0p, p1p, img, pairs2d)
    return loss2d[0, 0]

# --- scband reference (transcript-rebuilt; emitter-appended) ---
"""Pipeline reference for scband-graph-full-42958262895417 (READ-ONLY COPY).

The authoritative reference and input builder live on the scoring server;
editing this copy changes nothing except your own understanding.
"""

import jax, jax.numpy as jnp
import numpy as np

N = 10000
NA = 300
NO = 700
NP = 9000
E = 320000
D_IN = 128
H = 256
D_OUT = 128
B = 1024


def setup_inputs(seed: int = 0) -> dict:
    key = jax.random.key(seed)
    k1, k2, k3, k4, k5, k6 = jax.random.split(key, 6)
    embeddings = jax.random.normal(k1, (N, D_IN), dtype=jnp.float32)
    edge_index = jax.random.randint(k2, (2, E), 0, N, dtype=jnp.int32).astype(jnp.int64)
    img = jax.random.normal(k3, (B, D_OUT), dtype=jnp.float32)
    pairs = jax.random.randint(k4, (B,), 0, NP, dtype=jnp.int32).astype(jnp.int64)
    W1 = jax.random.normal(k5, (D_IN, H), dtype=jnp.float32) * (1.0 / np.sqrt(D_IN))
    W2 = jax.random.normal(k6, (H, D_OUT), dtype=jnp.float32) * (1.0 / np.sqrt(H))
    return {"embeddings": embeddings, "edge_index": edge_index, "img": img, "pairs": pairs, "W1": W1, "W2": W2}


def _gcn_layer(x, src, dst, norm, W):
    # sparse adjacency matmul: gather messages from src, scatter-add to dst
    msg = jnp.take(x, src, axis=0) * norm[:, None]
    agg = jax.ops.segment_sum(msg, dst, num_segments=N)
    return agg @ W


def reference(embeddings, edge_index, img, pairs, W1, W2):
    src = edge_index[0].astype(jnp.int32)
    dst = edge_index[1].astype(jnp.int32)
    # symmetric degree normalization (self-loop weight of 1 baked in via +1)
    deg = jax.ops.segment_sum(jnp.ones((E,), dtype=jnp.float32), dst, num_segments=N) + 1.0
    norm = jax.lax.rsqrt(jnp.take(deg, src) * jnp.take(deg, dst))
    # 2-layer GCN over the compositional graph embeddings
    h1 = jax.nn.relu(_gcn_layer(embeddings, src, dst, norm, W1))
    h2 = _gcn_layer(h1, src, dst, norm, W2)
    # slice pair-node embeddings and score images against all pairs
    pair_embed = h2[NA + NO:NA + NO + NP]
    pair_pred = img @ pair_embed.T
    # F.cross_entropy(pair_pred, pairs)
    logp = jax.nn.log_softmax(pair_pred, axis=-1)
    nll = -jnp.take_along_axis(logp, pairs[:, None].astype(jnp.int32), axis=1)[:, 0]
    loss = jnp.mean(nll)
    return loss

if __name__ == "__main__":
    import jax
    _d = setup_inputs()
    print(jax.jit(kernel)(*tuple(_d.values())))

</pallas_src>

<mosaic_0001>
#map = affine_map<(d0, d1) -> (0, 0)>
#map1 = affine_map<(d0, d1) -> (0, 0, 0)>
module attributes {stable_mosaic.version = 14 : i64} {
  func.func @_seg_sc(%arg0: i32, %arg1: i32, %arg2: memref<10000x128xf32, #tpu.memory_space<hbm>>, %arg3: memref<2560x2x128xi32, #tpu.memory_space<hbm>>, %arg4: memref<20480x128xf32, #tpu.memory_space<hbm>>, %arg5: memref<2x128xi32, #tpu.memory_space<vmem>>, %arg6: memref<2x128xi32, #tpu.memory_space<vmem>>, %arg7: memref<128x128xf32, #tpu.memory_space<vmem>>, %arg8: memref<128x128xf32, #tpu.memory_space<vmem>>, %arg9: memref<10240x128xf32, #tpu.memory_space<vmem_shared>>, %arg10: memref<!tpu.dma_semaphore, #tpu.memory_space<semaphore_mem>>, %arg11: memref<!tpu.dma_semaphore, #tpu.memory_space<semaphore_mem>>, %arg12: memref<!tpu.dma_semaphore, #tpu.memory_space<semaphore_mem>>, %arg13: memref<!tpu.dma_semaphore, #tpu.memory_space<semaphore_mem>>) attributes {dimension_semantics = [#tpu.dimension_semantics<core_parallel>, #tpu.dimension_semantics<subcore_parallel>], iteration_bounds = array<i64: 2, 16>, scalar_prefetch = 0 : i64, scratch_operands = 9 : i64, tpu.core_type = #tpu.core_type<sc_vector_subcore>, window_params = [{transform_indices = #map}, {transform_indices = #map1}, {transform_indices = #map}]} {
    %mul3A = arith.constant 640 : i32
    %mul3A_0 = arith.muli %arg1, %mul3A : i32
    %eq3A = arith.constant 0 : i32
    %eq3A_1 = arith.cmpi eq, %arg0, %eq3A : i32
    %jit3A = arith.constant 144 : i32
    %jit3A_2 = arith.constant 16 : i32
    %select_n3A = arith.select %eq3A_1, %jit3A, %jit3A_2 : i32
    %eq3A_3 = arith.constant 0 : i32
    %eq3A_4 = arith.cmpi eq, %arg0, %eq3A_3 : i32
    %mul3A_5 = arith.constant 144 : i32
    %mul3A_6 = arith.muli %arg1, %mul3A_5 : i32
    %mul3A_7 = arith.constant 16 : i32
    %mul3A_8 = arith.muli %arg1, %mul3A_7 : i32
    %add3A = arith.constant 2304 : i32
    %add3A_9 = arith.addi %add3A, %mul3A_8 : i32
    %select_n3A_10 = arith.select %eq3A_4, %mul3A_6, %add3A_9 : i32
    %scan3A = arith.constant 0 : i32
    %scan3A_11 = arith.constant 0 : i32
    %scan3A_12 = arith.constant 128 : i32
    %scan3A_13 = arith.addi %scan3A_11, %scan3A_12 : i32
    %scan3A_14 = arith.constant 1 : i32
    %scan3A_15 = scf.for %scan3A_107 = %scan3A_11 to %scan3A_13 step %scan3A_14 iter_args(%scan3A_108 = %scan3A) -> (i32)  : i32 {
      %broadcast_in_dim3A = arith.constant 0.000000e+00 : f32
      %broadcast_in_dim3A_109 = vector.broadcast %broadcast_in_dim3A : f32 to vector<16xf32>
      %swap3A = arith.index_cast %scan3A_107 : i32 to index
      %swap3A_110 = arith.constant 0 : index
      %swap3A_111 = tpu.vector_load %arg7[%swap3A, %swap3A_110] {strides = array<i32>} : memref<128x128xf32, #tpu.memory_space<vmem>>, vector<1x16xf32>,
      %swap3A_112 = vector.shape_cast %swap3A_111 : vector<1x16xf32> to vector<16xf32>
      %swap3A_113 = vector.shape_cast %broadcast_in_dim3A_109 : vector<16xf32> to vector<1x16xf32>
      tpu.vector_store %arg7[%swap3A, %swap3A_110], %swap3A_113 {strides = array<i32>} : memref<128x128xf32, #tpu.memory_space<vmem>>, vector<1x16xf32>,
      %broadcast_in_dim3A_114 = arith.constant 0.000000e+00 : f32
      %broadcast_in_dim3A_115 = vector.broadcast %broadcast_in_dim3A_114 : f32 to vector<16xf32>
      %swap3A_116 = arith.index_cast %scan3A_107 : i32 to index
      %swap3A_117 = arith.constant 16 : index
      %swap3A_118 = tpu.vector_load %arg7[%swap3A_116, %swap3A_117] {strides = array<i32>} : memref<128x128xf32, #tpu.memory_space<vmem>>, vector<1x16xf32>,
      %swap3A_119 = vector.shape_cast %swap3A_118 : vector<1x16xf32> to vector<16xf32>
      %swap3A_120 = vector.shape_cast %broadcast_in_dim3A_115 : vector<16xf32> to vector<1x16xf32>
      tpu.vector_store %arg7[%swap3A_116, %swap3A_117], %swap3A_120 {strides = array<i32>} : memref<128x128xf32, #tpu.memory_space<vmem>>, vector<1x16xf32>,
      %broadcast_in_dim3A_121 = arith.constant 0.000000e+00 : f32
      %broadcast_in_dim3A_122 = vector.broadcast %broadcast_in_dim3A_121 : f32 to vector<16xf32>
      %swap3A_123 = arith.index_cast %scan3A_107 : i32 to index
      %swap3A_124 = arith.constant 32 : index
      %swap3A_125 = tpu.vector_load %arg7[%swap3A_123, %swap3A_124] {strides = array<i32>} : memref<128x128xf32, #tpu.memory_space<vmem>>, vector<1x16xf32>,
      %swap3A_126 = vector.shape_cast %swap3A_125 : vector<1x16xf32> to vector<16xf32>
      %swap3A_127 = vector.shape_cast %broadcast_in_dim3A_122 : vector<16xf32> to vector<1x16xf32>
      tpu.vector_store %arg7[%swap3A_123, %swap3A_124], %swap3A_127 {strides = array<i32>} : memref<128x128xf32, #tpu.memory_space<vmem>>, vector<1x16xf32>,
      %broadcast_in_dim3A_128 = arith.constant 0.000000e+00 : f32
      %broadcast_in_dim3A_129 = vector.broadcast %broadcast_in_dim3A_128 : f32 to vector<16xf32>
      %swap3A_130 = arith.index_cast %scan3A_107 : i32 to index
      %swap3A_131 = arith.constant 48 : index
      %swap3A_132 = tpu.vector_load %arg7[%swap3A_130, %swap3A_131] {strides = array<i32>} : memref<128x128xf32, #tpu.memory_space<vmem>>, vector<1x16xf32>,
      %swap3A_133 = vector.shape_cast %swap3A_132 : vector<1x16xf32> to vector<16xf32>
      %swap3A_134 = vector.shape_cast %broadcast_in_dim3A_129 : vector<16xf32> to vector<1x16xf32>
      tpu.vector_store %arg7[%swap3A_130, %swap3A_131], %swap3A_134 {strides = array<i32>} : memref<128x128xf32, #tpu.memory_space<vmem>>, vector<1x16xf32>,
      %broadcast_in_dim3A_135 = arith.constant 0.000000e+00 : f32
      %broadcast_in_dim3A_136 = vector.broadcast %broadcast_in_dim3A_135 : f32 to vector<16xf32>
      %swap3A_137 = arith.index_cast %scan3A_107 : i32 to index
      %swap3A_138 = arith.constant 64 : index
      %swap3A_139 = tpu.vector_load %arg7[%swap3A_137, %swap3A_138] {strides = array<i32>} : memref<128x128xf32, #tpu.memory_space<vmem>>, vector<1x16xf32>,
      %swap3A_140 = vector.shape_cast %swap3A_139 : vector<1x16xf32> to vector<16xf32>
      %swap3A_141 = vector.shape_cast %broadcast_in_dim3A_136 : vector<16xf32> to vector<1x16xf32>
      tpu.vector_store %arg7[%swap3A_137, %swap3A_138], %swap3A_141 {strides = array<i32>} : memref<128x128xf32, #tpu.memory_space<vmem>>, vector<1x16xf32>,
      %broadcast_in_dim3A_142 = arith.constant 0.000000e+00 : f32
      %broadcast_in_dim3A_143 = vector.broadcast %broadcast_in_dim3A_142 : f32 to vector<16xf32>
      %swap3A_144 = arith.index_cast %scan3A_107 : i32 to index
      %swap3A_145 = arith.constant 80 : index
      %swap3A_146 = tpu.vector_load %arg7[%swap3A_144, %swap3A_145] {strides = array<i32>} : memref<128x128xf32, #tpu.memory_space<vmem>>, vector<1x16xf32>,
      %swap3A_147 = vector.shape_cast %swap3A_146 : vector<1x16xf32> to vector<16xf32>
      %swap3A_148 = vector.shape_cast %broadcast_in_dim3A_143 : vector<16xf32> to vector<1x16xf32>
      tpu.vector_store %arg7[%swap3A_144, %swap3A_145], %swap3A_148 {strides = array<i32>} : memref<128x128xf32, #tpu.memory_space<vmem>>, vector<1x16xf32>,
      %broadcast_in_dim3A_149 = arith.constant 0.000000e+00 : f32
      %broadcast_in_dim3A_150 = vector.broadcast %broadcast_in_dim3A_149 : f32 to vector<16xf32>
      %swap3A_151 = arith.index_cast %scan3A_107 : i32 to index
      %swap3A_152 = arith.constant 96 : index
      %swap3A_153 = tpu.vector_load %arg7[%swap3A_151, %swap3A_152] {strides = array<i32>} : memref<128x128xf32, #tpu.memory_space<vmem>>, vector<1x16xf32>,
      %swap3A_154 = vector.shape_cast %swap3A_153 : vector<1x16xf32> to vector<16xf32>
      %swap3A_155 = vector.shape_cast %broadcast_in_dim3A_150 : vector<16xf32> to vector<1x16xf32>
      tpu.vector_store %arg7[%swap3A_151, %swap3A_152], %swap3A_155 {strides = array<i32>} : memref<128x128xf32, #tpu.memory_space<vmem>>, vector<1x16xf32>,
      %broadcast_in_dim3A_156 = arith.constant 0.000000e+00 : f32
      %broadcast_in_dim3A_157 = vector.broadcast %broadcast_in_dim3A_156 : f32 to vector<16xf32>
      %swap3A_158 = arith.index_cast %scan3A_107 : i32 to index
      %swap3A_159 = arith.constant 112 : index
      %swap3A_160 = tpu.vector_load %arg7[%swap3A_158, %swap3A_159] {strides = array<i32>} : memref<128x128xf32, #tpu.memory_space<vmem>>, vector<1x16xf32>,
      %swap3A_161 = vector.shape_cast %swap3A_160 : vector<1x16xf32> to vector<16xf32>
      %swap3A_162 = vector.shape_cast %broadcast_in_dim3A_157 : vector<16xf32> to vector<1x16xf32>
      tpu.vector_store %arg7[%swap3A_158, %swap3A_159], %swap3A_162 {strides = array<i32>} : memref<128x128xf32, #tpu.memory_space<vmem>>, vector<1x16xf32>,
      %scan3A_163 = arith.constant 0 : i32
      scf.yield %scan3A_163 : i32
    }
    %scan3A_16 = arith.constant 128 : i32
    %add3A_17 = arith.constant 0 : i32
    %add3A_18 = arith.addi %mul3A_0, %add3A_17 : i32
    "tpu.region"() ({
      %run_scoped3A_107 = tpu.sem_alloc : memref<!tpu.dma_semaphore, #tpu.memory_space<semaphore_mem>>
      %dma_start3A_108 = arith.constant 0 : i32
      %dma_start3A_109 = tpu.memref_slice %arg9[%add3A_18, %dma_start3A_108] : memref<10240x128xf32, #tpu.memory_space<vmem_shared>> -> memref<128x128xf32, #tpu.memory_space<vmem_shared>>
      %dma_start3A_110 = arith.constant 0 : i32
      %dma_start3A_111 = tpu.memref_slice %arg9[%add3A_18, %dma_start3A_110] : memref<10240x128xf32, #tpu.memory_space<vmem_shared>> -> memref<128x128xf32, #tpu.memory_space<vmem_shared>>
      tpu.enqueue_dma source(%arg7 : memref<128x128xf32, #tpu.memory_space<vmem>>) target(%dma_start3A_111 : memref<128x128xf32, #tpu.memory_space<vmem_shared>>) target_semaphore(%run_scoped3A_107 : memref<!tpu.dma_semaphore, #tpu.memory_space<semaphore_mem>>)
      %dma_wait3A_112 = arith.constant 0 : i32
      %dma_wait3A_113 = tpu.memref_slice %arg9[%add3A_18, %dma_wait3A_112] : memref<10240x128xf32, #tpu.memory_space<vmem_shared>> -> memref<128x128xf32, #tpu.memory_space<vmem_shared>>
      %dma_wait3A_114 = arith.constant 0 : i32
      %dma_wait3A_115 = tpu.memref_slice %arg9[%add3A_18, %dma_wait3A_114] : memref<10240x128xf32, #tpu.memory_space<vmem_shared>> -> memref<128x128xf32, #tpu.memory_space<vmem_shared>>
      tpu.wait_dma2 semaphore(%run_scoped3A_107 : memref<!tpu.dma_semaphore, #tpu.memory_space<semaphore_mem>>) src(%arg7 : memref<128x128xf32, #tpu.memory_space<vmem>>) dst(%dma_wait3A_115 : memref<128x128xf32, #tpu.memory_space<vmem_shared>>)
      tpu.yield
    }) : () -> ()
    %add3A_19 = arith.constant 128 : i32
    %add3A_20 = arith.addi %mul3A_0, %add3A_19 : i32
    "tpu.region"() ({
      %run_scoped3A_107 = tpu.sem_alloc : memref<!tpu.dma_semaphore, #tpu.memory_space<semaphore_mem>>
      %dma_start3A_108 = arith.constant 0 : i32
      %dma_start3A_109 = tpu.memref_slice %arg9[%add3A_20, %dma_start3A_108] : memref<10240x128xf32, #tpu.memory_space<vmem_shared>> -> memref<128x128xf32, #tpu.memory_space<vmem_shared>>
      %dma_start3A_110 = arith.constant 0 : i32
      %dma_start3A_111 = tpu.memref_slice %arg9[%add3A_20, %dma_start3A_110] : memref<10240x128xf32, #tpu.memory_space<vmem_shared>> -> memref<128x128xf32, #tpu.memory_space<vmem_shared>>
      tpu.enqueue_dma source(%arg7 : memref<128x128xf32, #tpu.memory_space<vmem>>) target(%dma_start3A_111 : memref<128x128xf32, #tpu.memory_space<vmem_shared>>) target_semaphore(%run_scoped3A_107 : memref<!tpu.dma_semaphore, #tpu.memory_space<semaphore_mem>>)
      %dma_wait3A_112 = arith.constant 0 : i32
      %dma_wait3A_113 = tpu.memref_slice %arg9[%add3A_20, %dma_wait3A_112] : memref<10240x128xf32, #tpu.memory_space<vmem_shared>> -> memref<128x128xf32, #tpu.memory_space<vmem_shared>>
      %dma_wait3A_114 = arith.constant 0 : i32
      %dma_wait3A_115 = tpu.memref_slice %arg9[%add3A_20, %dma_wait3A_114] : memref<10240x128xf32, #tpu.memory_space<vmem_shared>> -> memref<128x128xf32, #tpu.memory_space<vmem_shared>>
      tpu.wait_dma2 semaphore(%run_scoped3A_107 : memref<!tpu.dma_semaphore, #tpu.memory_space<semaphore_mem>>) src(%arg7 : memref<128x128xf32, #tpu.memory_space<vmem>>) dst(%dma_wait3A_115 : memref<128x128xf32, #tpu.memory_space<vmem_shared>>)
      tpu.yield
    }) : () -> ()
    %add3A_21 = arith.constant 256 : i32
    %add3A_22 = arith.addi %mul3A_0, %add3A_21 : i32
    "tpu.region"() ({
      %run_scoped3A_107 = tpu.sem_alloc : memref<!tpu.dma_semaphore, #tpu.memory_space<semaphore_mem>>
      %dma_start3A_108 = arith.constant 0 : i32
      %dma_start3A_109 = tpu.memref_slice %arg9[%add3A_22, %dma_start3A_108] : memref<10240x128xf32, #tpu.memory_space<vmem_shared>> -> memref<128x128xf32, #tpu.memory_space<vmem_shared>>
      %dma_start3A_110 = arith.constant 0 : i32
      %dma_start3A_111 = tpu.memref_slice %arg9[%add3A_22, %dma_start3A_110] : memref<10240x128xf32, #tpu.memory_space<vmem_shared>> -> memref<128x128xf32, #tpu.memory_space<vmem_shared>>
      tpu.enqueue_dma source(%arg7 : memref<128x128xf32, #tpu.memory_space<vmem>>) target(%dma_start3A_111 : memref<128x128xf32, #tpu.memory_space<vmem_shared>>) target_semaphore(%run_scoped3A_107 : memref<!tpu.dma_semaphore, #tpu.memory_space<semaphore_mem>>)
      %dma_wait3A_112 = arith.constant 0 : i32
      %dma_wait3A_113 = tpu.memref_slice %arg9[%add3A_22, %dma_wait3A_112] : memref<10240x128xf32, #tpu.memory_space<vmem_shared>> -> memref<128x128xf32, #tpu.memory_space<vmem_shared>>
      %dma_wait3A_114 = arith.constant 0 : i32
      %dma_wait3A_115 = tpu.memref_slice %arg9[%add3A_22, %dma_wait3A_114] : memref<10240x128xf32, #tpu.memory_space<vmem_shared>> -> memref<128x128xf32, #tpu.memory_space<vmem_shared>>
      tpu.wait_dma2 semaphore(%run_scoped3A_107 : memref<!tpu.dma_semaphore, #tpu.memory_space<semaphore_mem>>) src(%arg7 : memref<128x128xf32, #tpu.memory_space<vmem>>) dst(%dma_wait3A_115 : memref<128x128xf32, #tpu.memory_space<vmem_shared>>)
      tpu.yield
    }) : () -> ()
    %add3A_23 = arith.constant 384 : i32
    %add3A_24 = arith.addi %mul3A_0, %add3A_23 : i32
    "tpu.region"() ({
      %run_scoped3A_107 = tpu.sem_alloc : memref<!tpu.dma_semaphore, #tpu.memory_space<semaphore_mem>>
      %dma_start3A_108 = arith.constant 0 : i32
      %dma_start3A_109 = tpu.memref_slice %arg9[%add3A_24, %dma_start3A_108] : memref<10240x128xf32, #tpu.memory_space<vmem_shared>> -> memref<128x128xf32, #tpu.memory_space<vmem_shared>>
      %dma_start3A_110 = arith.constant 0 : i32
      %dma_start3A_111 = tpu.memref_slice %arg9[%add3A_24, %dma_start3A_110] : memref<10240x128xf32, #tpu.memory_space<vmem_shared>> -> memref<128x128xf32, #tpu.memory_space<vmem_shared>>
      tpu.enqueue_dma source(%arg7 : memref<128x128xf32, #tpu.memory_space<vmem>>) target(%dma_start3A_111 : memref<128x128xf32, #tpu.memory_space<vmem_shared>>) target_semaphore(%run_scoped3A_107 : memref<!tpu.dma_semaphore, #tpu.memory_space<semaphore_mem>>)
      %dma_wait3A_112 = arith.constant 0 : i32
      %dma_wait3A_113 = tpu.memref_slice %arg9[%add3A_24, %dma_wait3A_112] : memref<10240x128xf32, #tpu.memory_space<vmem_shared>> -> memref<128x128xf32, #tpu.memory_space<vmem_shared>>
      %dma_wait3A_114 = arith.constant 0 : i32
      %dma_wait3A_115 = tpu.memref_slice %arg9[%add3A_24, %dma_wait3A_114] : memref<10240x128xf32, #tpu.memory_space<vmem_shared>> -> memref<128x128xf32, #tpu.memory_space<vmem_shared>>
      tpu.wait_dma2 semaphore(%run_scoped3A_107 : memref<!tpu.dma_semaphore, #tpu.memory_space<semaphore_mem>>) src(%arg7 : memref<128x128xf32, #tpu.memory_space<vmem>>) dst(%dma_wait3A_115 : memref<128x128xf32, #tpu.memory_space<vmem_shared>>)
      tpu.yield
    }) : () -> ()
    %add3A_25 = arith.constant 512 : i32
    %add3A_26 = arith.addi %mul3A_0, %add3A_25 : i32
    "tpu.region"() ({
      %run_scoped3A_107 = tpu.sem_alloc : memref<!tpu.dma_semaphore, #tpu.memory_space<semaphore_mem>>
      %dma_start3A_108 = arith.constant 0 : i32
      %dma_start3A_109 = tpu.memref_slice %arg9[%add3A_26, %dma_start3A_108] : memref<10240x128xf32, #tpu.memory_space<vmem_shared>> -> memref<128x128xf32, #tpu.memory_space<vmem_shared>>
      %dma_start3A_110 = arith.constant 0 : i32
      %dma_start3A_111 = tpu.memref_slice %arg9[%add3A_26, %dma_start3A_110] : memref<10240x128xf32, #tpu.memory_space<vmem_shared>> -> memref<128x128xf32, #tpu.memory_space<vmem_shared>>
      tpu.enqueue_dma source(%arg7 : memref<128x128xf32, #tpu.memory_space<vmem>>) target(%dma_start3A_111 : memref<128x128xf32, #tpu.memory_space<vmem_shared>>) target_semaphore(%run_scoped3A_107 : memref<!tpu.dma_semaphore, #tpu.memory_space<semaphore_mem>>)
      %dma_wait3A_112 = arith.constant 0 : i32
      %dma_wait3A_113 = tpu.memref_slice %arg9[%add3A_26, %dma_wait3A_112] : memref<10240x128xf32, #tpu.memory_space<vmem_shared>> -> memref<128x128xf32, #tpu.memory_space<vmem_shared>>
      %dma_wait3A_114 = arith.constant 0 : i32
      %dma_wait3A_115 = tpu.memref_slice %arg9[%add3A_26, %dma_wait3A_114] : memref<10240x128xf32, #tpu.memory_space<vmem_shared>> -> memref<128x128xf32, #tpu.memory_space<vmem_shared>>
      tpu.wait_dma2 semaphore(%run_scoped3A_107 : memref<!tpu.dma_semaphore, #tpu.memory_space<semaphore_mem>>) src(%arg7 : memref<128x128xf32, #tpu.memory_space<vmem>>) dst(%dma_wait3A_115 : memref<128x128xf32, #tpu.memory_space<vmem_shared>>)
      tpu.yield
    }) : () -> ()
    %barrier3A = arith.constant 0 : index
    tpu.barrier barrier_id(%barrier3A)
    "tpu.region"() ({
      %run_scoped3A_107 = tpu.sem_alloc : memref<!tpu.dma_semaphore, #tpu.memory_space<semaphore_mem>>
      %dma_start3A_108 = arith.constant 0 : i32
      %dma_start3A_109 = arith.constant 0 : i32
      %dma_start3A_110 = tpu.memref_slice %arg3[%select_n3A_10, %dma_start3A_108, %dma_start3A_109] : memref<2560x2x128xi32, #tpu.memory_space<hbm>> -> memref<1x2x128xi32, #tpu.memory_space<hbm>>
      %dma_start3A_111 = tpu.memref_squeeze %dma_start3A_110 : memref<1x2x128xi32, #tpu.memory_space<hbm>> -> memref<2x128xi32, #tpu.memory_space<hbm>>
      %dma_start3A_112 = arith.constant 0 : i32
      %dma_start3A_113 = arith.constant 0 : i32
      %dma_start3A_114 = tpu.memref_slice %arg3[%select_n3A_10, %dma_start3A_112, %dma_start3A_113] : memref<2560x2x128xi32, #tpu.memory_space<hbm>> -> memref<1x2x128xi32, #tpu.memory_space<hbm>>
      %dma_start3A_115 = tpu.memref_squeeze %dma_start3A_114 : memref<1x2x128xi32, #tpu.memory_space<hbm>> -> memref<2x128xi32, #tpu.memory_space<hbm>>
      tpu.enqueue_dma source(%dma_start3A_115 : memref<2x128xi32, #tpu.memory_space<hbm>>) target(%arg5 : memref<2x128xi32, #tpu.memory_space<vmem>>) target_semaphore(%run_scoped3A_107 : memref<!tpu.dma_semaphore, #tpu.memory_space<semaphore_mem>>)
      %dma_wait3A_116 = arith.constant 0 : i32
      %dma_wait3A_117 = arith.constant 0 : i32
      %dma_wait3A_118 = tpu.memref_slice %arg3[%select_n3A_10, %dma_wait3A_116, %dma_wait3A_117] : memref<2560x2x128xi32, #tpu.memory_space<hbm>> -> memref<1x2x128xi32, #tpu.memory_space<hbm>>
      %dma_wait3A_119 = tpu.memref_squeeze %dma_wait3A_118 : memref<1x2x128xi32, #tpu.memory_space<hbm>> -> memref<2x128xi32, #tpu.memory_space<hbm>>
      %dma_wait3A_120 = arith.constant 0 : i32
      %dma_wait3A_121 = arith.constant 0 : i32
      %dma_wait3A_122 = tpu.memref_slice %arg3[%select_n3A_10, %dma_wait3A_120, %dma_wait3A_121] : memref<2560x2x128xi32, #tpu.memory_space<hbm>> -> memref<1x2x128xi32, #tpu.memory_space<hbm>>
      %dma_wait3A_123 = tpu.memref_squeeze %dma_wait3A_122 : memref<1x2x128xi32, #tpu.memory_space<hbm>> -> memref<2x128xi32, #tpu.memory_space<hbm>>
      tpu.wait_dma2 semaphore(%run_scoped3A_107 : memref<!tpu.dma_semaphore, #tpu.memory_space<semaphore_mem>>) src(%dma_wait3A_123 : memref<2x128xi32, #tpu.memory_space<hbm>>) dst(%arg5 : memref<2x128xi32, #tpu.memory_space<vmem>>)
      tpu.yield
    }) : () -> ()
    %dma_start3A = arith.constant 0 : i32
    %dma_start3A_27 = arith.constant 0 : i32
    %dma_start3A_28 = tpu.memref_slice %arg5[%dma_start3A, %dma_start3A_27] : memref<2x128xi32, #tpu.memory_space<vmem>> -> memref<1x128xi32, #tpu.memory_space<vmem>>
    %dma_start3A_29 = tpu.memref_squeeze %dma_start3A_28 : memref<1x128xi32, #tpu.memory_space<vmem>> -> memref<128xi32, #tpu.memory_space<vmem>>
    %dma_start3A_30 = arith.constant 0 : i32
    %dma_start3A_31 = arith.constant 0 : i32
    %dma_start3A_32 = tpu.memref_slice %arg2[%dma_start3A_30, %dma_start3A_31] : memref<10000x128xf32, #tpu.memory_space<hbm>> -> memref<10000x128xf32, #tpu.memory_space<hbm>>
    tpu.enqueue_indirect_dma source(%dma_start3A_32 : memref<10000x128xf32, #tpu.memory_space<hbm>>) target(%arg7 : memref<128x128xf32, #tpu.memory_space<vmem>>) offsets(%dma_start3A_29 : memref<128xi32, #tpu.memory_space<vmem>>) semaphore(%arg10 : memref<!tpu.dma_semaphore, #tpu.memory_space<semaphore_mem>>)
    %add3A_33 = arith.constant 1 : i32
    %add3A_34 = arith.addi %select_n3A_10, %add3A_33 : i32
    %dma_start3A_35 = arith.constant 0 : i32
    %dma_start3A_36 = arith.constant 0 : i32
    %dma_start3A_37 = tpu.memref_slice %arg3[%add3A_34, %dma_start3A_35, %dma_start3A_36] : memref<2560x2x128xi32, #tpu.memory_space<hbm>> -> memref<1x2x128xi32, #tpu.memory_space<hbm>>
    %dma_start3A_38 = tpu.memref_squeeze %dma_start3A_37 : memref<1x2x128xi32, #tpu.memory_space<hbm>> -> memref<2x128xi32, #tpu.memory_space<hbm>>
    %dma_start3A_39 = arith.constant 0 : i32
    %dma_start3A_40 = arith.constant 0 : i32
    %dma_start3A_41 = tpu.memref_slice %arg3[%add3A_34, %dma_start3A_39, %dma_start3A_40] : memref<2560x2x128xi32, #tpu.memory_space<hbm>> -> memref<1x2x128xi32, #tpu.memory_space<hbm>>
    %dma_start3A_42 = tpu.memref_squeeze %dma_start3A_41 : memref<1x2x128xi32, #tpu.memory_space<hbm>> -> memref<2x128xi32, #tpu.memory_space<hbm>>
    tpu.enqueue_dma source(%dma_start3A_42 : memref<2x128xi32, #tpu.memory_space<hbm>>) target(%arg6 : memref<2x128xi32, #tpu.memory_space<vmem>>) target_semaphore(%arg13 : memref<!tpu.dma_semaphore, #tpu.memory_space<semaphore_mem>>)
    %jit3A_43 = arith.constant 2 : i32
    %div3A = arith.divsi %select_n3A, %jit3A_43 : i32
    %sign3A = arith.constant 0 : i32
    %sign3A_44 = arith.cmpi sgt, %select_n3A, %sign3A : i32
    %sign3A_45 = arith.extui %sign3A_44 : i1 to i32
    %sign3A_46 = arith.constant 0 : i32
    %sign3A_47 = arith.cmpi slt, %select_n3A, %sign3A_46 : i32
    %sign3A_48 = arith.extui %sign3A_47 : i1 to i32
    %sign3A_49 = arith.subi %sign3A_45, %sign3A_48 : i32
    %sign3A_50 = arith.constant 0 : i32
    %sign3A_51 = arith.cmpi sgt, %jit3A_43, %sign3A_50 : i32
    %sign3A_52 = arith.extui %sign3A_51 : i1 to i32
    %sign3A_53 = arith.constant 0 : i32
    %sign3A_54 = arith.cmpi slt, %jit3A_43, %sign3A_53 : i32
    %sign3A_55 = arith.extui %sign3A_54 : i1 to i32
    %sign3A_56 = arith.subi %sign3A_52, %sign3A_55 : i32
    %ne3A = arith.cmpi ne, %sign3A_49, %sign3A_56 : i32
    %rem3A = arith.remsi %select_n3A, %jit3A_43 : i32
    %ne3A_57 = arith.constant 0 : i32
    %ne3A_58 = arith.cmpi ne, %rem3A, %ne3A_57 : i32
    %and3A = arith.andi %ne3A, %ne3A_58 : i1
    %sub3A = arith.constant 1 : i32
    %sub3A_59 = arith.subi %div3A, %sub3A : i32
    %select_n3A_60 = arith.select %and3A, %sub3A_59, %div3A : i32
    %sub3A_61 = arith.constant 1 : i32
    %sub3A_62 = arith.subi %select_n3A_60, %sub3A_61 : i32
    %while3A = arith.constant 0 : i32
    %while3A_63 = arith.constant 0 : i32
    %while3A_64 = arith.subi %sub3A_62, %while3A : i32
    %while3A_65 = arith.addi %while3A, %while3A_64 : i32
    %while3A_66 = arith.constant 1 : i32
    %while3A_67 = arith.divsi %while3A_64, %while3A_66 : i32
    %while3A_68 = arith.muli %while3A_67, %while3A_66 : i32
    %while3A_69 = arith.addi %while3A, %while3A_68 : i32
    %while3A_70 = arith.constant 1 : i32
    %while3A_71 = scf.for %while3A_107 = %while3A to %while3A_69 step %while3A_70 iter_args(%while3A_108 = %while3A_63) -> (i32)  : i32 {
      %mul3A_109 = arith.constant 2 : i32
      %mul3A_110 = arith.muli %mul3A_109, %while3A_107 : i32
      %dma_wait3A_111 = arith.constant 0 : i32
      %dma_wait3A_112 = arith.constant 0 : i32
      %dma_wait3A_113 = tpu.memref_slice %arg3[%select_n3A_10, %dma_wait3A_111, %dma_wait3A_112] : memref<2560x2x128xi32, #tpu.memory_space<hbm>> -> memref<1x2x128xi32, #tpu.memory_space<hbm>>
      %dma_wait3A_114 = tpu.memref_squeeze %dma_wait3A_113 : memref<1x2x128xi32, #tpu.memory_space<hbm>> -> memref<2x128xi32, #tpu.memory_space<hbm>>
      %dma_wait3A_115 = arith.constant 0 : i32
      %dma_wait3A_116 = arith.constant 0 : i32
      %dma_wait3A_117 = tpu.memref_slice %arg3[%select_n3A_10, %dma_wait3A_115, %dma_wait3A_116] : memref<2560x2x128xi32, #tpu.memory_space<hbm>> -> memref<1x2x128xi32, #tpu.memory_space<hbm>>
      %dma_wait3A_118 = tpu.memref_squeeze %dma_wait3A_117 : memref<1x2x128xi32, #tpu.memory_space<hbm>> -> memref<2x128xi32, #tpu.memory_space<hbm>>
      tpu.wait_dma2 semaphore(%arg13 : memref<!tpu.dma_semaphore, #tpu.memory_space<semaphore_mem>>) src(%dma_wait3A_118 : memref<2x128xi32, #tpu.memory_space<hbm>>) dst(%arg6 : memref<2x128xi32, #tpu.memory_space<vmem>>)
      %dma_start3A_119 = arith.constant 0 : i32
      %dma_start3A_120 = arith.constant 0 : i32
      %dma_start3A_121 = tpu.memref_slice %arg6[%dma_start3A_119, %dma_start3A_120] : memref<2x128xi32, #tpu.memory_space<vmem>> -> memref<1x128xi32, #tpu.memory_space<vmem>>
      %dma_start3A_122 = tpu.memref_squeeze %dma_start3A_121 : memref<1x128xi32, #tpu.memory_space<vmem>> -> memref<128xi32, #tpu.memory_space<vmem>>
      %dma_start3A_123 = arith.constant 0 : i32
      %dma_start3A_124 = arith.constant 0 : i32
      %dma_start3A_125 = tpu.memref_slice %arg2[%dma_start3A_123, %dma_start3A_124] : memref<10000x128xf32, #tpu.memory_space<hbm>> -> memref<10000x128xf32, #tpu.memory_space<hbm>>
      tpu.enqueue_indirect_dma source(%dma_start3A_125 : memref<10000x128xf32, #tpu.memory_space<hbm>>) target(%arg8 : memref<128x128xf32, #tpu.memory_space<vmem>>) offsets(%dma_start3A_122 : memref<128xi32, #tpu.memory_space<vmem>>) semaphore(%arg11 : memref<!tpu.dma_semaphore, #tpu.memory_space<semaphore_mem>>)
      %dma_wait3A_126 = arith.constant 0 : i32
      %dma_wait3A_127 = arith.constant 0 : i32
      %dma_wait3A_128 = tpu.memref_slice %arg5[%dma_wait3A_126, %dma_wait3A_127] : memref<2x128xi32, #tpu.memory_space<vmem>> -> memref<1x128xi32, #tpu.memory_space<vmem>>
      %dma_wait3A_129 = tpu.memref_squeeze %dma_wait3A_128 : memref<1x128xi32, #tpu.memory_space<vmem>> -> memref<128xi32, #tpu.memory_space<vmem>>
      %dma_wait3A_130 = arith.constant 0 : i32
      %dma_wait3A_131 = arith.constant 0 : i32
      %dma_wait3A_132 = tpu.memref_slice %arg2[%dma_wait3A_130, %dma_wait3A_131] : memref<10000x128xf32, #tpu.memory_space<hbm>> -> memref<10000x128xf32, #tpu.memory_space<hbm>>
      tpu.wait_indirect_dma semaphore(%arg10 : memref<!tpu.dma_semaphore, #tpu.memory_space<semaphore_mem>>) src(%dma_wait3A_132 : memref<10000x128xf32, #tpu.memory_space<hbm>>) dst(%arg7 : memref<128x128xf32, #tpu.memory_space<vmem>>)
      %run_scoped3A_133 = arith.constant 1 : i32
      "tpu.region"() ({
        %run_scoped3A_180 = tpu.sem_alloc : memref<!tpu.dma_semaphore, #tpu.memory_space<semaphore_mem>>
        %dma_start3A_181 = arith.constant 0 : i32
        %dma_start3A_182 = tpu.memref_slice %arg5[%run_scoped3A_133, %dma_start3A_181] : memref<2x128xi32, #tpu.memory_space<vmem>> -> memref<1x128xi32, #tpu.memory_space<vmem>>
        %dma_start3A_183 = tpu.memref_squeeze %dma_start3A_182 : memref<1x128xi32, #tpu.memory_space<vmem>> -> memref<128xi32, #tpu.memory_space<vmem>>
        %dma_start3A_184 = arith.constant 0 : i32
        %dma_start3A_185 = arith.constant 0 : i32
        %dma_start3A_186 = tpu.memref_slice %arg9[%dma_start3A_184, %dma_start3A_185] : memref<10240x128xf32, #tpu.memory_space<vmem_shared>> -> memref<10240x128xf32, #tpu.memory_space<vmem_shared>>
        tpu.enqueue_indirect_dma source(%arg7 : memref<128x128xf32, #tpu.memory_space<vmem>>) target(%dma_start3A_186 : memref<10240x128xf32, #tpu.memory_space<vmem_shared>>) offsets(%dma_start3A_183 : memref<128xi32, #tpu.memory_space<vmem>>) semaphore(%run_scoped3A_180 : memref<!tpu.dma_semaphore, #tpu.memory_space<semaphore_mem>>) {add = true}
        %dma_wait3A_187 = arith.constant 0 : i32
        %dma_wait3A_188 = tpu.memref_slice %arg5[%run_scoped3A_133, %dma_wait3A_187] : memref<2x128xi32, #tpu.memory_space<vmem>> -> memref<1x128xi32, #tpu.memory_space<vmem>>
        %dma_wait3A_189 = tpu.memref_squeeze %dma_wait3A_188 : memref<1x128xi32, #tpu.memory_space<vmem>> -> memref<128xi32, #tpu.memory_space<vmem>>
        %dma_wait3A_190 = arith.constant 0 : i32
        %dma_wait3A_191 = arith.constant 0 : i32
        %dma_wait3A_192 = tpu.memref_slice %arg9[%dma_wait3A_190, %dma_wait3A_191] : memref<10240x128xf32, #tpu.memory_space<vmem_shared>> -> memref<10240x128xf32, #tpu.memory_space<vmem_shared>>
        tpu.wait_indirect_dma semaphore(%run_scoped3A_180 : memref<!tpu.dma_semaphore, #tpu.memory_space<semaphore_mem>>) src(%arg7 : memref<128x128xf32, #tpu.memory_space<vmem>>) dst(%dma_wait3A_192 : memref<10240x128xf32, #tpu.memory_space<vmem_shared>>)
        tpu.yield
      }) : () -> ()
      %add3A_134 = arith.constant 2 : i32
      %add3A_135 = arith.addi %mul3A_110, %add3A_134 : i32
      %add3A_136 = arith.addi %select_n3A_10, %add3A_135 : i32
      %dma_start3A_137 = arith.constant 0 : i32
      %dma_start3A_138 = arith.constant 0 : i32
      %dma_start3A_139 = tpu.memref_slice %arg3[%add3A_136, %dma_start3A_137, %dma_start3A_138] : memref<2560x2x128xi32, #tpu.memory_space<hbm>> -> memref<1x2x128xi32, #tpu.memory_space<hbm>>
      %dma_start3A_140 = tpu.memref_squeeze %dma_start3A_139 : memref<1x2x128xi32, #tpu.memory_space<hbm>> -> memref<2x128xi32, #tpu.memory_space<hbm>>
      %dma_start3A_141 = arith.constant 0 : i32
      %dma_start3A_142 = arith.constant 0 : i32
      %dma_start3A_143 = tpu.memref_slice %arg3[%add3A_136, %dma_start3A_141, %dma_start3A_142] : memref<2560x2x128xi32, #tpu.memory_space<hbm>> -> memref<1x2x128xi32, #tpu.memory_space<hbm>>
      %dma_start3A_144 = tpu.memref_squeeze %dma_start3A_143 : memref<1x2x128xi32, #tpu.memory_space<hbm>> -> memref<2x128xi32, #tpu.memory_space<hbm>>
      tpu.enqueue_dma source(%dma_start3A_144 : memref<2x128xi32, #tpu.memory_space<hbm>>) target(%arg5 : memref<2x128xi32, #tpu.memory_space<vmem>>) target_semaphore(%arg12 : memref<!tpu.dma_semaphore, #tpu.memory_space<semaphore_mem>>)
      %dma_wait3A_145 = arith.constant 0 : i32
      %dma_wait3A_146 = arith.constant 0 : i32
      %dma_wait3A_147 = tpu.memref_slice %arg5[%dma_wait3A_145, %dma_wait3A_146] : memref<2x128xi32, #tpu.memory_space<vmem>> -> memref<1x128xi32, #tpu.memory_space<vmem>>
      %dma_wait3A_148 = tpu.memref_squeeze %dma_wait3A_147 : memref<1x128xi32, #tpu.memory_space<vmem>> -> memref<128xi32, #tpu.memory_space<vmem>>
      %dma_wait3A_149 = arith.constant 0 : i32
      %dma_wait3A_150 = arith.constant 0 : i32
      %dma_wait3A_151 = tpu.memref_slice %arg2[%dma_wait3A_149, %dma_wait3A_150] : memref<10000x128xf32, #tpu.memory_space<hbm>> -> memref<10000x128xf32, #tpu.memory_space<hbm>>
      tpu.wait_indirect_dma semaphore(%arg11 : memref<!tpu.dma_semaphore, #tpu.memory_space<semaphore_mem>>) src(%dma_wait3A_151 : memref<10000x128xf32, #tpu.memory_space<hbm>>) dst(%arg8 : memref<128x128xf32, #tpu.memory_space<vmem>>)
      %run_scoped3A_152 = arith.constant 1 : i32
      "tpu.region"() ({
        %run_scoped3A_180 = tpu.sem_alloc : memref<!tpu.dma_semaphore, #tpu.memory_space<semaphore_mem>>
        %dma_start3A_181 = arith.constant 0 : i32
        %dma_start3A_182 = tpu.memref_slice %arg6[%run_scoped3A_152, %dma_start3A_181] : memref<2x128xi32, #tpu.memory_space<vmem>> -> memref<1x128xi32, #tpu.memory_space<vmem>>
        %dma_start3A_183 = tpu.memref_squeeze %dma_start3A_182 : memref<1x128xi32, #tpu.memory_space<vmem>> -> memref<128xi32, #tpu.memory_space<vmem>>
        %dma_start3A_184 = arith.constant 0 : i32
        %dma_start3A_185 = arith.constant 0 : i32
        %dma_start3A_186 = tpu.memref_slice %arg9[%dma_start3A_184, %dma_start3A_185] : memref<10240x128xf32, #tpu.memory_space<vmem_shared>> -> memref<10240x128xf32, #tpu.memory_space<vmem_shared>>
        tpu.enqueue_indirect_dma source(%arg8 : memref<128x128xf32, #tpu.memory_space<vmem>>) target(%dma_start3A_186 : memref<10240x128xf32, #tpu.memory_space<vmem_shared>>) offsets(%dma_start3A_183 : memref<128xi32, #tpu.memory_space<vmem>>) semaphore(%run_scoped3A_180 : memref<!tpu.dma_semaphore, #tpu.memory_space<semaphore_mem>>) {add = true}
        %dma_wait3A_187 = arith.constant 0 : i32
        %dma_wait3A_188 = tpu.memref_slice %arg6[%run_scoped3A_152, %dma_wait3A_187] : memref<2x128xi32, #tpu.memory_space<vmem>> -> memref<1x128xi32, #tpu.memory_space<vmem>>
        %dma_wait3A_189 = tpu.memref_squeeze %dma_wait3A_188 : memref<1x128xi32, #tpu.memory_space<vmem>> -> memref<128xi32, #tpu.memory_space<vmem>>
        %dma_wait3A_190 = arith.constant 0 : i32
        %dma_wait3A_191 = arith.constant 0 : i32
        %dma_wait3A_192 = tpu.memref_slice %arg9[%dma_wait3A_190, %dma_wait3A_191] : memref<10240x128xf32, #tpu.memory_space<vmem_shared>> -> memref<10240x128xf32, #tpu.memory_space<vmem_shared>>
        tpu.wait_indirect_dma semaphore(%run_scoped3A_180 : memref<!tpu.dma_semaphore, #tpu.memory_space<semaphore_mem>>) src(%arg8 : memref<128x128xf32, #tpu.memory_space<vmem>>) dst(%dma_wait3A_192 : memref<10240x128xf32, #tpu.memory_space<vmem_shared>>)
        tpu.yield
      }) : () -> ()
      %dma_wait3A_153 = arith.constant 0 : i32
      %dma_wait3A_154 = arith.constant 0 : i32
      %dma_wait3A_155 = tpu.memref_slice %arg3[%select_n3A_10, %dma_wait3A_153, %dma_wait3A_154] : memref<2560x2x128xi32, #tpu.memory_space<hbm>> -> memref<1x2x128xi32, #tpu.memory_space<hbm>>
      %dma_wait3A_156 = tpu.memref_squeeze %dma_wait3A_155 : memref<1x2x128xi32, #tpu.memory_space<hbm>> -> memref<2x128xi32, #tpu.memory_space<hbm>>
      %dma_wait3A_157 = arith.constant 0 : i32
      %dma_wait3A_158 = arith.constant 0 : i32
      %dma_wait3A_159 = tpu.memref_slice %arg3[%select_n3A_10, %dma_wait3A_157, %dma_wait3A_158] : memref<2560x2x128xi32, #tpu.memory_space<hbm>> -> memref<1x2x128xi32, #tpu.memory_space<hbm>>
      %dma_wait3A_160 = tpu.memref_squeeze %dma_wait3A_159 : memref<1x2x128xi32, #tpu.memory_space<hbm>> -> memref<2x128xi32, #tpu.memory_space<hbm>>
      tpu.wait_dma2 semaphore(%arg12 : memref<!tpu.dma_semaphore, #tpu.memory_space<semaphore_mem>>) src(%dma_wait3A_160 : memref<2x128xi32, #tpu.memory_space<hbm>>) dst(%arg5 : memref<2x128xi32, #tpu.memory_space<vmem>>)
      %dma_start3A_161 = arith.constant 0 : i32
      %dma_start3A_162 = arith.constant 0 : i32
      %dma_start3A_163 = tpu.memref_slice %arg5[%dma_start3A_161, %dma_start3A_162] : memref<2x128xi32, #tpu.memory_space<vmem>> -> memref<1x128xi32, #tpu.memory_space<vmem>>
      %dma_start3A_164 = tpu.memref_squeeze %dma_start3A_163 : memref<1x128xi32, #tpu.memory_space<vmem>> -> memref<128xi32, #tpu.memory_space<vmem>>
      %dma_start3A_165 = arith.constant 0 : i32
      %dma_start3A_166 = arith.constant 0 : i32
      %dma_start3A_167 = tpu.memref_slice %arg2[%dma_start3A_165, %dma_start3A_166] : memref<10000x128xf32, #tpu.memory_space<hbm>> -> memref<10000x128xf32, #tpu.memory_space<hbm>>
      tpu.enqueue_indirect_dma source(%dma_start3A_167 : memref<10000x128xf32, #tpu.memory_space<hbm>>) target(%arg7 : memref<128x128xf32, #tpu.memory_space<vmem>>) offsets(%dma_start3A_164 : memref<128xi32, #tpu.memory_space<vmem>>) semaphore(%arg10 : memref<!tpu.dma_semaphore, #tpu.memory_space<semaphore_mem>>)
      %add3A_168 = arith.constant 3 : i32
      %add3A_169 = arith.addi %mul3A_110, %add3A_168 : i32
      %add3A_170 = arith.addi %select_n3A_10, %add3A_169 : i32
      %dma_start3A_171 = arith.constant 0 : i32
      %dma_start3A_172 = arith.constant 0 : i32
      %dma_start3A_173 = tpu.memref_slice %arg3[%add3A_170, %dma_start3A_171, %dma_start3A_172] : memref<2560x2x128xi32, #tpu.memory_space<hbm>> -> memref<1x2x128xi32, #tpu.memory_space<hbm>>
      %dma_start3A_174 = tpu.memref_squeeze %dma_start3A_173 : memref<1x2x128xi32, #tpu.memory_space<hbm>> -> memref<2x128xi32, #tpu.memory_space<hbm>>
      %dma_start3A_175 = arith.constant 0 : i32
      %dma_start3A_176 = arith.constant 0 : i32
      %dma_start3A_177 = tpu.memref_slice %arg3[%add3A_170, %dma_start3A_175, %dma_start3A_176] : memref<2560x2x128xi32, #tpu.memory_space<hbm>> -> memref<1x2x128xi32, #tpu.memory_space<hbm>>
      %dma_start3A_178 = tpu.memref_squeeze %dma_start3A_177 : memref<1x2x128xi32, #tpu.memory_space<hbm>> -> memref<2x128xi32, #tpu.memory_space<hbm>>
      tpu.enqueue_dma source(%dma_start3A_178 : memref<2x128xi32, #tpu.memory_space<hbm>>) target(%arg6 : memref<2x128xi32, #tpu.memory_space<vmem>>) target_semaphore(%arg13 : memref<!tpu.dma_semaphore, #tpu.memory_space<semaphore_mem>>)
      %while3A_179 = arith.constant 0 : i32
      scf.yield %while3A_179 : i32
    }
    %while3A_72 = arith.constant 1 : i32
    %while3A_73 = scf.for %while3A_107 = %while3A_69 to %while3A_65 step %while3A_72 iter_args(%while3A_108 = %while3A_71) -> (i32)  : i32 {
      %mul3A_109 = arith.constant 2 : i32
      %mul3A_110 = arith.muli %mul3A_109, %while3A_107 : i32
      %dma_wait3A_111 = arith.constant 0 : i32
      %dma_wait3A_112 = arith.constant 0 : i32
      %dma_wait3A_113 = tpu.memref_slice %arg3[%select_n3A_10, %dma_wait3A_111, %dma_wait3A_112] : memref<2560x2x128xi32, #tpu.memory_space<hbm>> -> memref<1x2x128xi32, #tpu.memory_space<hbm>>
      %dma_wait3A_114 = tpu.memref_squeeze %dma_wait3A_113 : memref<1x2x128xi32, #tpu.memory_space<hbm>> -> memref<2x128xi32, #tpu.memory_space<hbm>>
      %dma_wait3A_115 = arith.constant 0 : i32
      %dma_wait3A_116 = arith.constant 0 : i32
      %dma_wait3A_117 = tpu.memref_slice %arg3[%select_n3A_10, %dma_wait3A_115, %dma_wait3A_116] : memref<2560x2x128xi32, #tpu.memory_space<hbm>> -> memref<1x2x128xi32, #tpu.memory_space<hbm>>
      %dma_wait3A_118 = tpu.memref_squeeze %dma_wait3A_117 : memref<1x2x128xi32, #tpu.memory_space<hbm>> -> memref<2x128xi32, #tpu.memory_space<hbm>>
      tpu.wait_dma2 semaphore(%arg13 : memref<!tpu.dma_semaphore, #tpu.memory_space<semaphore_mem>>) src(%dma_wait3A_118 : memref<2x128xi32, #tpu.memory_space<hbm>>) dst(%arg6 : memref<2x128xi32, #tpu.memory_space<vmem>>)
      %dma_start3A_119 = arith.constant 0 : i32
      %dma_start3A_120 = arith.constant 0 : i32
      %dma_start3A_121 = tpu.memref_slice %arg6[%dma_start3A_119, %dma_start3A_120] : memref<2x128xi32, #tpu.memory_space<vmem>> -> memref<1x128xi32, #tpu.memory_space<vmem>>
      %dma_start3A_122 = tpu.memref_squeeze %dma_start3A_121 : memref<1x128xi32, #tpu.memory_space<vmem>> -> memref<128xi32, #tpu.memory_space<vmem>>
      %dma_start3A_123 = arith.constant 0 : i32
      %dma_start3A_124 = arith.constant 0 : i32
      %dma_start3A_125 = tpu.memref_slice %arg2[%dma_start3A_123, %dma_start3A_124] : memref<10000x128xf32, #tpu.memory_space<hbm>> -> memref<10000x128xf32, #tpu.memory_space<hbm>>
      tpu.enqueue_indirect_dma source(%dma_start3A_125 : memref<10000x128xf32, #tpu.memory_space<hbm>>) target(%arg8 : memref<128x128xf32, #tpu.memory_space<vmem>>) offsets(%dma_start3A_122 : memref<128xi32, #tpu.memory_space<vmem>>) semaphore(%arg11 : memref<!tpu.dma_semaphore, #tpu.memory_space<semaphore_mem>>)
      %dma_wait3A_126 = arith.constant 0 : i32
      %dma_wait3A_127 = arith.constant 0 : i32
      %dma_wait3A_128 = tpu.memref_slice %arg5[%dma_wait3A_126, %dma_wait3A_127] : memref<2x128xi32, #tpu.memory_space<vmem>> -> memref<1x128xi32, #tpu.memory_space<vmem>>
      %dma_wait3A_129 = tpu.memref_squeeze %dma_wait3A_128 : memref<1x128xi32, #tpu.memory_space<vmem>> -> memref<128xi32, #tpu.memory_space<vmem>>
      %dma_wait3A_130 = arith.constant 0 : i32
      %dma_wait3A_131 = arith.constant 0 : i32
      %dma_wait3A_132 = tpu.memref_slice %arg2[%dma_wait3A_130, %dma_wait3A_131] : memref<10000x128xf32, #tpu.memory_space<hbm>> -> memref<10000x128xf32, #tpu.memory_space<hbm>>
      tpu.wait_indirect_dma semaphore(%arg10 : memref<!tpu.dma_semaphore, #tpu.memory_space<semaphore_mem>>) src(%dma_wait3A_132 : memref<10000x128xf32, #tpu.memory_space<hbm>>) dst(%arg7 : memref<128x128xf32, #tpu.memory_space<vmem>>)
      %run_scoped3A_133 = arith.constant 1 : i32
      "tpu.region"() ({
        %run_scoped3A_180 = tpu.sem_alloc : memref<!tpu.dma_semaphore, #tpu.memory_space<semaphore_mem>>
        %dma_start3A_181 = arith.constant 0 : i32
        %dma_start3A_182 = tpu.memref_slice %arg5[%run_scoped3A_133, %dma_start3A_181] : memref<2x128xi32, #tpu.memory_space<vmem>> -> memref<1x128xi32, #tpu.memory_space<vmem>>
        %dma_start3A_183 = tpu.memref_squeeze %dma_start3A_182 : memref<1x128xi32, #tpu.memory_space<vmem>> -> memref<128xi32, #tpu.memory_space<vmem>>
        %dma_start3A_184 = arith.constant 0 : i32
        %dma_start3A_185 = arith.constant 0 : i32
        %dma_start3A_186 = tpu.memref_slice %arg9[%dma_start3A_184, %dma_start3A_185] : memref<10240x128xf32, #tpu.memory_space<vmem_shared>> -> memref<10240x128xf32, #tpu.memory_space<vmem_shared>>
        tpu.enqueue_indirect_dma source(%arg7 : memref<128x128xf32, #tpu.memory_space<vmem>>) target(%dma_start3A_186 : memref<10240x128xf32, #tpu.memory_space<vmem_shared>>) offsets(%dma_start3A_183 : memref<128xi32, #tpu.memory_space<vmem>>) semaphore(%run_scoped3A_180 : memref<!tpu.dma_semaphore, #tpu.memory_space<semaphore_mem>>) {add = true}
        %dma_wait3A_187 = arith.constant 0 : i32
        %dma_wait3A_188 = tpu.memref_slice %arg5[%run_scoped3A_133, %dma_wait3A_187] : memref<2x128xi32, #tpu.memory_space<vmem>> -> memref<1x128xi32, #tpu.memory_space<vmem>>
        %dma_wait3A_189 = tpu.memref_squeeze %dma_wait3A_188 : memref<1x128xi32, #tpu.memory_space<vmem>> -> memref<128xi32, #tpu.memory_space<vmem>>
        %dma_wait3A_190 = arith.constant 0 : i32
        %dma_wait3A_191 = arith.constant 0 : i32
        %dma_wait3A_192 = tpu.memref_slice %arg9[%dma_wait3A_190, %dma_wait3A_191] : memref<10240x128xf32, #tpu.memory_space<vmem_shared>> -> memref<10240x128xf32, #tpu.memory_space<vmem_shared>>
        tpu.wait_indirect_dma semaphore(%run_scoped3A_180 : memref<!tpu.dma_semaphore, #tpu.memory_space<semaphore_mem>>) src(%arg7 : memref<128x128xf32, #tpu.memory_space<vmem>>) dst(%dma_wait3A_192 : memref<10240x128xf32, #tpu.memory_space<vmem_shared>>)
        tpu.yield
      }) : () -> ()
      %add3A_134 = arith.constant 2 : i32
      %add3A_135 = arith.addi %mul3A_110, %add3A_134 : i32
      %add3A_136 = arith.addi %select_n3A_10, %add3A_135 : i32
      %dma_start3A_137 = arith.constant 0 : i32
      %dma_start3A_138 = arith.constant 0 : i32
      %dma_start3A_139 = tpu.memref_slice %arg3[%add3A_136, %dma_start3A_137, %dma_start3A_138] : memref<2560x2x128xi32, #tpu.memory_space<hbm>> -> memref<1x2x128xi32, #tpu.memory_space<hbm>>
      %dma_start3A_140 = tpu.memref_squeeze %dma_start3A_139 : memref<1x2x128xi32, #tpu.memory_space<hbm>> -> memref<2x128xi32, #tpu.memory_space<hbm>>
      %dma_start3A_141 = arith.constant 0 : i32
      %dma_start3A_142 = arith.constant 0 : i32
      %dma_start3A_143 = tpu.memref_slice %arg3[%add3A_136, %dma_start3A_141, %dma_start3A_142] : memref<2560x2x128xi32, #tpu.memory_space<hbm>> -> memref<1x2x128xi32, #tpu.memory_space<hbm>>
      %dma_start3A_144 = tpu.memref_squeeze %dma_start3A_143 : memref<1x2x128xi32, #tpu.memory_space<hbm>> -> memref<2x128xi32, #tpu.memory_space<hbm>>
      tpu.enqueue_dma source(%dma_start3A_144 : memref<2x128xi32, #tpu.memory_space<hbm>>) target(%arg5 : memref<2x128xi32, #tpu.memory_space<vmem>>) target_semaphore(%arg12 : memref<!tpu.dma_semaphore, #tpu.memory_space<semaphore_mem>>)
      %dma_wait3A_145 = arith.constant 0 : i32
      %dma_wait3A_146 = arith.constant 0 : i32
      %dma_wait3A_147 = tpu.memref_slice %arg5[%dma_wait3A_145, %dma_wait3A_146] : memref<2x128xi32, #tpu.memory_space<vmem>> -> memref<1x128xi32, #tpu.memory_space<vmem>>
      %dma_wait3A_148 = tpu.memref_squeeze %dma_wait3A_147 : memref<1x128xi32, #tpu.memory_space<vmem>> -> memref<128xi32, #tpu.memory_space<vmem>>
      %dma_wait3A_149 = arith.constant 0 : i32
      %dma_wait3A_150 = arith.constant 0 : i32
      %dma_wait3A_151 = tpu.memref_slice %arg2[%dma_wait3A_149, %dma_wait3A_150] : memref<10000x128xf32, #tpu.memory_space<hbm>> -> memref<10000x128xf32, #tpu.memory_space<hbm>>
      tpu.wait_indirect_dma semaphore(%arg11 : memref<!tpu.dma_semaphore, #tpu.memory_space<semaphore_mem>>) src(%dma_wait3A_151 : memref<10000x128xf32, #tpu.memory_space<hbm>>) dst(%arg8 : memref<128x128xf32, #tpu.memory_space<vmem>>)
      %run_scoped3A_152 = arith.constant 1 : i32
      "tpu.region"() ({
        %run_scoped3A_180 = tpu.sem_alloc : memref<!tpu.dma_semaphore, #tpu.memory_space<semaphore_mem>>
        %dma_start3A_181 = arith.constant 0 : i32
        %dma_start3A_182 = tpu.memref_slice %arg6[%run_scoped3A_152, %dma_start3A_181] : memref<2x128xi32, #tpu.memory_space<vmem>> -> memref<1x128xi32, #tpu.memory_space<vmem>>
        %dma_start3A_183 = tpu.memref_squeeze %dma_start3A_182 : memref<1x128xi32, #tpu.memory_space<vmem>> -> memref<128xi32, #tpu.memory_space<vmem>>
        %dma_start3A_184 = arith.constant 0 : i32
        %dma_start3A_185 = arith.constant 0 : i32
        %dma_start3A_186 = tpu.memref_slice %arg9[%dma_start3A_184, %dma_start3A_185] : memref<10240x128xf32, #tpu.memory_space<vmem_shared>> -> memref<10240x128xf32, #tpu.memory_space<vmem_shared>>
        tpu.enqueue_indirect_dma source(%arg8 : memref<128x128xf32, #tpu.memory_space<vmem>>) target(%dma_start3A_186 : memref<10240x128xf32, #tpu.memory_space<vmem_shared>>) offsets(%dma_start3A_183 : memref<128xi32, #tpu.memory_space<vmem>>) semaphore(%run_scoped3A_180 : memref<!tpu.dma_semaphore, #tpu.memory_space<semaphore_mem>>) {add = true}
        %dma_wait3A_187 = arith.constant 0 : i32
        %dma_wait3A_188 = tpu.memref_slice %arg6[%run_scoped3A_152, %dma_wait3A_187] : memref<2x128xi32, #tpu.memory_space<vmem>> -> memref<1x128xi32, #tpu.memory_space<vmem>>
        %dma_wait3A_189 = tpu.memref_squeeze %dma_wait3A_188 : memref<1x128xi32, #tpu.memory_space<vmem>> -> memref<128xi32, #tpu.memory_space<vmem>>
        %dma_wait3A_190 = arith.constant 0 : i32
        %dma_wait3A_191 = arith.constant 0 : i32
        %dma_wait3A_192 = tpu.memref_slice %arg9[%dma_wait3A_190, %dma_wait3A_191] : memref<10240x128xf32, #tpu.memory_space<vmem_shared>> -> memref<10240x128xf32, #tpu.memory_space<vmem_shared>>
        tpu.wait_indirect_dma semaphore(%run_scoped3A_180 : memref<!tpu.dma_semaphore, #tpu.memory_space<semaphore_mem>>) src(%arg8 : memref<128x128xf32, #tpu.memory_space<vmem>>) dst(%dma_wait3A_192 : memref<10240x128xf32, #tpu.memory_space<vmem_shared>>)
        tpu.yield
      }) : () -> ()
      %dma_wait3A_153 = arith.constant 0 : i32
      %dma_wait3A_154 = arith.constant 0 : i32
      %dma_wait3A_155 = tpu.memref_slice %arg3[%select_n3A_10, %dma_wait3A_153, %dma_wait3A_154] : memref<2560x2x128xi32, #tpu.memory_space<hbm>> -> memref<1x2x128xi32, #tpu.memory_space<hbm>>
      %dma_wait3A_156 = tpu.memref_squeeze %dma_wait3A_155 : memref<1x2x128xi32, #tpu.memory_space<hbm>> -> memref<2x128xi32, #tpu.memory_space<hbm>>
      %dma_wait3A_157 = arith.constant 0 : i32
      %dma_wait3A_158 = arith.constant 0 : i32
      %dma_wait3A_159 = tpu.memref_slice %arg3[%select_n3A_10, %dma_wait3A_157, %dma_wait3A_158] : memref<2560x2x128xi32, #tpu.memory_space<hbm>> -> memref<1x2x128xi32, #tpu.memory_space<hbm>>
      %dma_wait3A_160 = tpu.memref_squeeze %dma_wait3A_159 : memref<1x2x128xi32, #tpu.memory_space<hbm>> -> memref<2x128xi32, #tpu.memory_space<hbm>>
      tpu.wait_dma2 semaphore(%arg12 : memref<!tpu.dma_semaphore, #tpu.memory_space<semaphore_mem>>) src(%dma_wait3A_160 : memref<2x128xi32, #tpu.memory_space<hbm>>) dst(%arg5 : memref<2x128xi32, #tpu.memory_space<vmem>>)
      %dma_start3A_161 = arith.constant 0 : i32
      %dma_start3A_162 = arith.constant 0 : i32
      %dma_start3A_163 = tpu.memref_slice %arg5[%dma_start3A_161, %dma_start3A_162] : memref<2x128xi32, #tpu.memory_space<vmem>> -> memref<1x128xi32, #tpu.memory_space<vmem>>
      %dma_start3A_164 = tpu.memref_squeeze %dma_start3A_163 : memref<1x128xi32, #tpu.memory_space<vmem>> -> memref<128xi32, #tpu.memory_space<vmem>>
      %dma_start3A_165 = arith.constant 0 : i32
      %dma_start3A_166 = arith.constant 0 : i32
      %dma_start3A_167 = tpu.memref_slice %arg2[%dma_start3A_165, %dma_start3A_166] : memref<10000x128xf32, #tpu.memory_space<hbm>> -> memref<10000x128xf32, #tpu.memory_space<hbm>>
      tpu.enqueue_indirect_dma source(%dma_start3A_167 : memref<10000x128xf32, #tpu.memory_space<hbm>>) target(%arg7 : memref<128x128xf32, #tpu.memory_space<vmem>>) offsets(%dma_start3A_164 : memref<128xi32, #tpu.memory_space<vmem>>) semaphore(%arg10 : memref<!tpu.dma_semaphore, #tpu.memory_space<semaphore_mem>>)
      %add3A_168 = arith.constant 3 : i32
      %add3A_169 = arith.addi %mul3A_110, %add3A_168 : i32
      %add3A_170 = arith.addi %select_n3A_10, %add3A_169 : i32
      %dma_start3A_171 = arith.constant 0 : i32
      %dma_start3A_172 = arith.constant 0 : i32
      %dma_start3A_173 = tpu.memref_slice %arg3[%add3A_170, %dma_start3A_171, %dma_start3A_172] : memref<2560x2x128xi32, #tpu.memory_space<hbm>> -> memref<1x2x128xi32, #tpu.memory_space<hbm>>
      %dma_start3A_174 = tpu.memref_squeeze %dma_start3A_173 : memref<1x2x128xi32, #tpu.memory_space<hbm>> -> memref<2x128xi32, #tpu.memory_space<hbm>>
      %dma_start3A_175 = arith.constant 0 : i32
      %dma_start3A_176 = arith.constant 0 : i32
      %dma_start3A_177 = tpu.memref_slice %arg3[%add3A_170, %dma_start3A_175, %dma_start3A_176] : memref<2560x2x128xi32, #tpu.memory_space<hbm>> -> memref<1x2x128xi32, #tpu.memory_space<hbm>>
      %dma_start3A_178 = tpu.memref_squeeze %dma_start3A_177 : memref<1x2x128xi32, #tpu.memory_space<hbm>> -> memref<2x128xi32, #tpu.memory_space<hbm>>
      tpu.enqueue_dma source(%dma_start3A_178 : memref<2x128xi32, #tpu.memory_space<hbm>>) target(%arg6 : memref<2x128xi32, #tpu.memory_space<vmem>>) target_semaphore(%arg13 : memref<!tpu.dma_semaphore, #tpu.memory_space<semaphore_mem>>)
      %while3A_179 = arith.constant 0 : i32
      scf.yield %while3A_179 : i32
    }
    %dma_wait3A = arith.constant 0 : i32
    %dma_wait3A_74 = arith.constant 0 : i32
    %dma_wait3A_75 = tpu.memref_slice %arg3[%select_n3A_10, %dma_wait3A, %dma_wait3A_74] : memref<2560x2x128xi32, #tpu.memory_space<hbm>> -> memref<1x2x128xi32, #tpu.memory_space<hbm>>
    %dma_wait3A_76 = tpu.memref_squeeze %dma_wait3A_75 : memref<1x2x128xi32, #tpu.memory_space<hbm>> -> memref<2x128xi32, #tpu.memory_space<hbm>>
    %dma_wait3A_77 = arith.constant 0 : i32
    %dma_wait3A_78 = arith.constant 0 : i32
    %dma_wait3A_79 = tpu.memref_slice %arg3[%select_n3A_10, %dma_wait3A_77, %dma_wait3A_78] : memref<2560x2x128xi32, #tpu.memory_space<hbm>> -> memref<1x2x128xi32, #tpu.memory_space<hbm>>
    %dma_wait3A_80 = tpu.memref_squeeze %dma_wait3A_79 : memref<1x2x128xi32, #tpu.memory_space<hbm>> -> memref<2x128xi32, #tpu.memory_space<hbm>>
    tpu.wait_dma2 semaphore(%arg13 : memref<!tpu.dma_semaphore, #tpu.memory_space<semaphore_mem>>) src(%dma_wait3A_80 : memref<2x128xi32, #tpu.memory_space<hbm>>) dst(%arg6 : memref<2x128xi32, #tpu.memory_space<vmem>>)
    %dma_start3A_81 = arith.constant 0 : i32
    %dma_start3A_82 = arith.constant 0 : i32
    %dma_start3A_83 = tpu.memref_slice %arg6[%dma_start3A_81, %dma_start3A_82] : memref<2x128xi32, #tpu.memory_space<vmem>> -> memref<1x128xi32, #tpu.memory_space<vmem>>
    %dma_start3A_84 = tpu.memref_squeeze %dma_start3A_83 : memref<1x128xi32, #tpu.memory_space<vmem>> -> memref<128xi32, #tpu.memory_space<vmem>>
    %dma_start3A_85 = arith.constant 0 : i32
    %dma_start3A_86 = arith.constant 0 : i32
    %dma_start3A_87 = tpu.memref_slice %arg2[%dma_start3A_85, %dma_start3A_86] : memref<10000x128xf32, #tpu.memory_space<hbm>> -> memref<10000x128xf32, #tpu.memory_space<hbm>>
    tpu.enqueue_indirect_dma source(%dma_start3A_87 : memref<10000x128xf32, #tpu.memory_space<hbm>>) target(%arg8 : memref<128x128xf32, #tpu.memory_space<vmem>>) offsets(%dma_start3A_84 : memref<128xi32, #tpu.memory_space<vmem>>) semaphore(%arg11 : memref<!tpu.dma_semaphore, #tpu.memory_space<semaphore_mem>>)
    %dma_wait3A_88 = arith.constant 0 : i32
    %dma_wait3A_89 = arith.constant 0 : i32
    %dma_wait3A_90 = tpu.memref_slice %arg5[%dma_wait3A_88, %dma_wait3A_89] : memref<2x128xi32, #tpu.memory_space<vmem>> -> memref<1x128xi32, #tpu.memory_space<vmem>>
    %dma_wait3A_91 = tpu.memref_squeeze %dma_wait3A_90 : memref<1x128xi32, #tpu.memory_space<vmem>> -> memref<128xi32, #tpu.memory_space<vmem>>
    %dma_wait3A_92 = arith.constant 0 : i32
    %dma_wait3A_93 = arith.constant 0 : i32
    %dma_wait3A_94 = tpu.memref_slice %arg2[%dma_wait3A_92, %dma_wait3A_93] : memref<10000x128xf32, #tpu.memory_space<hbm>> -> memref<10000x128xf32, #tpu.memory_space<hbm>>
    tpu.wait_indirect_dma semaphore(%arg10 : memref<!tpu.dma_semaphore, #tpu.memory_space<semaphore_mem>>) src(%dma_wait3A_94 : memref<10000x128xf32, #tpu.memory_space<hbm>>) dst(%arg7 : memref<128x128xf32, #tpu.memory_space<vmem>>)
    %run_scoped3A = arith.constant 1 : i32
    "tpu.region"() ({
      %run_scoped3A_107 = tpu.sem_alloc : memref<!tpu.dma_semaphore, #tpu.memory_space<semaphore_mem>>
      %dma_start3A_108 = arith.constant 0 : i32
      %dma_start3A_109 = tpu.memref_slice %arg5[%run_scoped3A, %dma_start3A_108] : memref<2x128xi32, #tpu.memory_space<vmem>> -> memref<1x128xi32, #tpu.memory_space<vmem>>
      %dma_start3A_110 = tpu.memref_squeeze %dma_start3A_109 : memref<1x128xi32, #tpu.memory_space<vmem>> -> memref<128xi32, #tpu.memory_space<vmem>>
      %dma_start3A_111 = arith.constant 0 : i32
      %dma_start3A_112 = arith.constant 0 : i32
      %dma_start3A_113 = tpu.memref_slice %arg9[%dma_start3A_111, %dma_start3A_112] : memref<10240x128xf32, #tpu.memory_space<vmem_shared>> -> memref<10240x128xf32, #tpu.memory_space<vmem_shared>>
      tpu.enqueue_indirect_dma source(%arg7 : memref<128x128xf32, #tpu.memory_space<vmem>>) target(%dma_start3A_113 : memref<10240x128xf32, #tpu.memory_space<vmem_shared>>) offsets(%dma_start3A_110 : memref<128xi32, #tpu.memory_space<vmem>>) semaphore(%run_scoped3A_107 : memref<!tpu.dma_semaphore, #tpu.memory_space<semaphore_mem>>) {add = true}
      %dma_wait3A_114 = arith.constant 0 : i32
      %dma_wait3A_115 = tpu.memref_slice %arg5[%run_scoped3A, %dma_wait3A_114] : memref<2x128xi32, #tpu.memory_space<vmem>> -> memref<1x128xi32, #tpu.memory_space<vmem>>
      %dma_wait3A_116 = tpu.memref_squeeze %dma_wait3A_115 : memref<1x128xi32, #tpu.memory_space<vmem>> -> memref<128xi32, #tpu.memory_space<vmem>>
      %dma_wait3A_117 = arith.constant 0 : i32
      %dma_wait3A_118 = arith.constant 0 : i32
      %dma_wait3A_119 = tpu.memref_slice %arg9[%dma_wait3A_117, %dma_wait3A_118] : memref<10240x128xf32, #tpu.memory_space<vmem_shared>> -> memref<10240x128xf32, #tpu.memory_space<vmem_shared>>
      tpu.wait_indirect_dma semaphore(%run_scoped3A_107 : memref<!tpu.dma_semaphore, #tpu.memory_space<semaphore_mem>>) src(%arg7 : memref<128x128xf32, #tpu.memory_space<vmem>>) dst(%dma_wait3A_119 : memref<10240x128xf32, #tpu.memory_space<vmem_shared>>)
      tpu.yield
    }) : () -> ()
    %dma_wait3A_95 = arith.constant 0 : i32
    %dma_wait3A_96 = arith.constant 0 : i32
    %dma_wait3A_97 = tpu.memref_slice %arg5[%dma_wait3A_95, %dma_wait3A_96] : memref<2x128xi32, #tpu.memory_space<vmem>> -> memref<1x128xi32, #tpu.memory_space<vmem>>
    %dma_wait3A_98 = tpu.memref_squeeze %dma_wait3A_97 : memref<1x128xi32, #tpu.memory_space<vmem>> -> memref<128xi32, #tpu.memory_space<vmem>>
    %dma_wait3A_99 = arith.constant 0 : i32
    %dma_wait3A_100 = arith.constant 0 : i32
    %dma_wait3A_101 = tpu.memref_slice %arg2[%dma_wait3A_99, %dma_wait3A_100] : memref<10000x128xf32, #tpu.memory_space<hbm>> -> memref<10000x128xf32, #tpu.memory_space<hbm>>
    tpu.wait_indirect_dma semaphore(%arg11 : memref<!tpu.dma_semaphore, #tpu.memory_space<semaphore_mem>>) src(%dma_wait3A_101 : memref<10000x128xf32, #tpu.memory_space<hbm>>) dst(%arg8 : memref<128x128xf32, #tpu.memory_space<vmem>>)
    %run_scoped3A_102 = arith.constant 1 : i32
    "tpu.region"() ({
      %run_scoped3A_107 = tpu.sem_alloc : memref<!tpu.dma_semaphore, #tpu.memory_space<semaphore_mem>>
      %dma_start3A_108 = arith.constant 0 : i32
      %dma_start3A_109 = tpu.memref_slice %arg6[%run_scoped3A_102, %dma_start3A_108] : memref<2x128xi32, #tpu.memory_space<vmem>> -> memref<1x128xi32, #tpu.memory_space<vmem>>
      %dma_start3A_110 = tpu.memref_squeeze %dma_start3A_109 : memref<1x128xi32, #tpu.memory_space<vmem>> -> memref<128xi32, #tpu.memory_space<vmem>>
      %dma_start3A_111 = arith.constant 0 : i32
      %dma_start3A_112 = arith.constant 0 : i32
      %dma_start3A_113 = tpu.memref_slice %arg9[%dma_start3A_111, %dma_start3A_112] : memref<10240x128xf32, #tpu.memory_space<vmem_shared>> -> memref<10240x128xf32, #tpu.memory_space<vmem_shared>>
      tpu.enqueue_indirect_dma source(%arg8 : memref<128x128xf32, #tpu.memory_space<vmem>>) target(%dma_start3A_113 : memref<10240x128xf32, #tpu.memory_space<vmem_shared>>) offsets(%dma_start3A_110 : memref<128xi32, #tpu.memory_space<vmem>>) semaphore(%run_scoped3A_107 : memref<!tpu.dma_semaphore, #tpu.memory_space<semaphore_mem>>) {add = true}
      %dma_wait3A_114 = arith.constant 0 : i32
      %dma_wait3A_115 = tpu.memref_slice %arg6[%run_scoped3A_102, %dma_wait3A_114] : memref<2x128xi32, #tpu.memory_space<vmem>> -> memref<1x128xi32, #tpu.memory_space<vmem>>
      %dma_wait3A_116 = tpu.memref_squeeze %dma_wait3A_115 : memref<1x128xi32, #tpu.memory_space<vmem>> -> memref<128xi32, #tpu.memory_space<vmem>>
      %dma_wait3A_117 = arith.constant 0 : i32
      %dma_wait3A_118 = arith.constant 0 : i32
      %dma_wait3A_119 = tpu.memref_slice %arg9[%dma_wait3A_117, %dma_wait3A_118] : memref<10240x128xf32, #tpu.memory_space<vmem_shared>> -> memref<10240x128xf32, #tpu.memory_space<vmem_shared>>
      tpu.wait_indirect_dma semaphore(%run_scoped3A_107 : memref<!tpu.dma_semaphore, #tpu.memory_space<semaphore_mem>>) src(%arg8 : memref<128x128xf32, #tpu.memory_space<vmem>>) dst(%dma_wait3A_119 : memref<10240x128xf32, #tpu.memory_space<vmem_shared>>)
      tpu.yield
    }) : () -> ()
    %barrier3A_103 = arith.constant 0 : index
    tpu.barrier barrier_id(%barrier3A_103)
    %mul3A_104 = arith.constant 10240 : i32
    %mul3A_105 = arith.muli %arg0, %mul3A_104 : i32
    %add3A_106 = arith.addi %mul3A_105, %mul3A_0 : i32
    "tpu.region"() ({
      %run_scoped3A_107 = tpu.sem_alloc : memref<!tpu.dma_semaphore, #tpu.memory_space<semaphore_mem>>
      %dma_start3A_108 = arith.constant 0 : i32
      %dma_start3A_109 = tpu.memref_slice %arg4[%add3A_106, %dma_start3A_108] : memref<20480x128xf32, #tpu.memory_space<hbm>> -> memref<640x128xf32, #tpu.memory_space<hbm>>
      %dma_start3A_110 = arith.constant 0 : i32
      %dma_start3A_111 = tpu.memref_slice %arg9[%mul3A_0, %dma_start3A_110] : memref<10240x128xf32, #tpu.memory_space<vmem_shared>> -> memref<640x128xf32, #tpu.memory_space<vmem_shared>>
      tpu.enqueue_dma source(%dma_start3A_111 : memref<640x128xf32, #tpu.memory_space<vmem_shared>>) target(%dma_start3A_109 : memref<640x128xf32, #tpu.memory_space<hbm>>) target_semaphore(%run_scoped3A_107 : memref<!tpu.dma_semaphore, #tpu.memory_space<semaphore_mem>>)
      %dma_wait3A_112 = arith.constant 0 : i32
      %dma_wait3A_113 = tpu.memref_slice %arg4[%add3A_106, %dma_wait3A_112] : memref<20480x128xf32, #tpu.memory_space<hbm>> -> memref<640x128xf32, #tpu.memory_space<hbm>>
      %dma_wait3A_114 = arith.constant 0 : i32
      %dma_wait3A_115 = tpu.memref_slice %arg9[%mul3A_0, %dma_wait3A_114] : memref<10240x128xf32, #tpu.memory_space<vmem_shared>> -> memref<640x128xf32, #tpu.memory_space<vmem_shared>>
      tpu.wait_dma2 semaphore(%run_scoped3A_107 : memref<!tpu.dma_semaphore, #tpu.memory_space<semaphore_mem>>) src(%dma_wait3A_115 : memref<640x128xf32, #tpu.memory_space<vmem_shared>>) dst(%dma_wait3A_113 : memref<640x128xf32, #tpu.memory_space<hbm>>)
      tpu.yield
    }) : () -> ()
    return
  }
}

#map = affine_map<(d0, d1) -> (0, 0)>
module attributes {stable_mosaic.version = 14 : i64} {
  func.func @_deg_sc(%arg0: i32, %arg1: i32, %arg2: memref<2560x128xi32, #tpu.memory_space<hbm>>, %arg3: memref<2x10240xf32, #tpu.memory_space<hbm>>, %arg4: memref<80x128xi32, #tpu.memory_space<vmem>>, %arg5: memref<128xf32, #tpu.memory_space<vmem>>, %arg6: memref<640xf32, #tpu.memory_space<vmem>>, %arg7: memref<10240xf32, #tpu.memory_space<vmem_shared>>) attributes {dimension_semantics = [#tpu.dimension_semantics<core_parallel>, #tpu.dimension_semantics<subcore_parallel>], iteration_bounds = array<i64: 2, 16>, scalar_prefetch = 0 : i64, scratch_operands = 4 : i64, tpu.core_type = #tpu.core_type<sc_vector_subcore>, window_params = [{transform_indices = #map}, {transform_indices = #map}]} {
    %mul3A = arith.constant 16 : i32
    %mul3A_0 = arith.muli %arg0, %mul3A : i32
    %add3A = arith.addi %mul3A_0, %arg1 : i32
    %mul3A_1 = arith.constant 640 : i32
    %mul3A_2 = arith.muli %arg1, %mul3A_1 : i32
    %mul3A_3 = arith.constant 80 : i32
    %mul3A_4 = arith.muli %add3A, %mul3A_3 : i32
    "tpu.region"() ({
      %run_scoped3A = tpu.sem_alloc : memref<!tpu.dma_semaphore, #tpu.memory_space<semaphore_mem>>
      %dma_start3A = arith.constant 0 : i32
      %dma_start3A_65 = tpu.memref_slice %arg2[%mul3A_4, %dma_start3A] : memref<2560x128xi32, #tpu.memory_space<hbm>> -> memref<80x128xi32, #tpu.memory_space<hbm>>
      %dma_start3A_66 = arith.constant 0 : i32
      %dma_start3A_67 = tpu.memref_slice %arg2[%mul3A_4, %dma_start3A_66] : memref<2560x128xi32, #tpu.memory_space<hbm>> -> memref<80x128xi32, #tpu.memory_space<hbm>>
      tpu.enqueue_dma source(%dma_start3A_67 : memref<80x128xi32, #tpu.memory_space<hbm>>) target(%arg4 : memref<80x128xi32, #tpu.memory_space<vmem>>) target_semaphore(%run_scoped3A : memref<!tpu.dma_semaphore, #tpu.memory_space<semaphore_mem>>)
      %dma_wait3A = arith.constant 0 : i32
      %dma_wait3A_68 = tpu.memref_slice %arg2[%mul3A_4, %dma_wait3A] : memref<2560x128xi32, #tpu.memory_space<hbm>> -> memref<80x128xi32, #tpu.memory_space<hbm>>
      %dma_wait3A_69 = arith.constant 0 : i32
      %dma_wait3A_70 = tpu.memref_slice %arg2[%mul3A_4, %dma_wait3A_69] : memref<2560x128xi32, #tpu.memory_space<hbm>> -> memref<80x128xi32, #tpu.memory_space<hbm>>
      tpu.wait_dma2 semaphore(%run_scoped3A : memref<!tpu.dma_semaphore, #tpu.memory_space<semaphore_mem>>) src(%dma_wait3A_70 : memref<80x128xi32, #tpu.memory_space<hbm>>) dst(%arg4 : memref<80x128xi32, #tpu.memory_space<vmem>>)
      tpu.yield
    }) : () -> ()
    %scan3A = arith.constant 0 : i32
    %scan3A_5 = arith.constant 0 : i32
    %scan3A_6 = arith.constant 40 : i32
    %scan3A_7 = arith.addi %scan3A_5, %scan3A_6 : i32
    %scan3A_8 = arith.constant 1 : i32
    %scan3A_9 = scf.for %scan3A_65 = %scan3A_5 to %scan3A_7 step %scan3A_8 iter_args(%scan3A_66 = %scan3A) -> (i32)  : i32 {
      %broadcast_in_dim3A_67 = arith.constant 0.000000e+00 : f32
      %broadcast_in_dim3A_68 = vector.broadcast %broadcast_in_dim3A_67 : f32 to vector<16xf32>
      %mul3A_69 = arith.constant 16 : i32
      %mul3A_70 = arith.muli %scan3A_65, %mul3A_69 : i32
      %swap3A_71 = arith.index_cast %mul3A_70 : i32 to index
      %swap3A_72 = tpu.vector_load %arg6[%swap3A_71] {strides = array<i32>} : memref<640xf32, #tpu.memory_space<vmem>>, vector<16xf32>,
      %swap3A_73 = vector.shape_cast %swap3A_72 : vector<16xf32> to vector<16xf32>
      %swap3A_74 = vector.shape_cast %broadcast_in_dim3A_68 : vector<16xf32> to vector<16xf32>
      tpu.vector_store %arg6[%swap3A_71], %swap3A_74 {strides = array<i32>} : memref<640xf32, #tpu.memory_space<vmem>>, vector<16xf32>,
      %scan3A_75 = arith.constant 0 : i32
      scf.yield %scan3A_75 : i32
    }
    %scan3A_10 = arith.constant 40 : i32
    %broadcast_in_dim3A = arith.constant 1.000000e+00 : f32
    %broadcast_in_dim3A_11 = vector.broadcast %broadcast_in_dim3A : f32 to vector<16xf32>
    %swap3A = arith.constant 0 : index
    %swap3A_12 = tpu.vector_load %arg5[%swap3A] {strides = array<i32>} : memref<128xf32, #tpu.memory_space<vmem>>, vector<16xf32>,
    %swap3A_13 = vector.shape_cast %swap3A_12 : vector<16xf32> to vector<16xf32>
    %swap3A_14 = vector.shape_cast %broadcast_in_dim3A_11 : vector<16xf32> to vector<16xf32>
    tpu.vector_store %arg5[%swap3A], %swap3A_14 {strides = array<i32>} : memref<128xf32, #tpu.memory_space<vmem>>, vector<16xf32>,
    %broadcast_in_dim3A_15 = arith.constant 1.000000e+00 : f32
    %broadcast_in_dim3A_16 = vector.broadcast %broadcast_in_dim3A_15 : f32 to vector<16xf32>
    %swap3A_17 = arith.constant 16 : index
    %swap3A_18 = tpu.vector_load %arg5[%swap3A_17] {strides = array<i32>} : memref<128xf32, #tpu.memory_space<vmem>>, vector<16xf32>,
    %swap3A_19 = vector.shape_cast %swap3A_18 : vector<16xf32> to vector<16xf32>
    %swap3A_20 = vector.shape_cast %broadcast_in_dim3A_16 : vector<16xf32> to vector<16xf32>
    tpu.vector_store %arg5[%swap3A_17], %swap3A_20 {strides = array<i32>} : memref<128xf32, #tpu.memory_space<vmem>>, vector<16xf32>,
    %broadcast_in_dim3A_21 = arith.constant 1.000000e+00 : f32
    %broadcast_in_dim3A_22 = vector.broadcast %broadcast_in_dim3A_21 : f32 to vector<16xf32>
    %swap3A_23 = arith.constant 32 : index
    %swap3A_24 = tpu.vector_load %arg5[%swap3A_23] {strides = array<i32>} : memref<128xf32, #tpu.memory_space<vmem>>, vector<16xf32>,
    %swap3A_25 = vector.shape_cast %swap3A_24 : vector<16xf32> to vector<16xf32>
    %swap3A_26 = vector.shape_cast %broadcast_in_dim3A_22 : vector<16xf32> to vector<16xf32>
    tpu.vector_store %arg5[%swap3A_23], %swap3A_26 {strides = array<i32>} : memref<128xf32, #tpu.memory_space<vmem>>, vector<16xf32>,
    %broadcast_in_dim3A_27 = arith.constant 1.000000e+00 : f32
    %broadcast_in_dim3A_28 = vector.broadcast %broadcast_in_dim3A_27 : f32 to vector<16xf32>
    %swap3A_29 = arith.constant 48 : index
    %swap3A_30 = tpu.vector_load %arg5[%swap3A_29] {strides = array<i32>} : memref<128xf32, #tpu.memory_space<vmem>>, vector<16xf32>,
    %swap3A_31 = vector.shape_cast %swap3A_30 : vector<16xf32> to vector<16xf32>
    %swap3A_32 = vector.shape_cast %broadcast_in_dim3A_28 : vector<16xf32> to vector<16xf32>
    tpu.vector_store %arg5[%swap3A_29], %swap3A_32 {strides = array<i32>} : memref<128xf32, #tpu.memory_space<vmem>>, vector<16xf32>,
    %broadcast_in_dim3A_33 = arith.constant 1.000000e+00 : f32
    %broadcast_in_dim3A_34 = vector.broadcast %broadcast_in_dim3A_33 : f32 to vector<16xf32>
    %swap3A_35 = arith.constant 64 : index
    %swap3A_36 = tpu.vector_load %arg5[%swap3A_35] {strides = array<i32>} : memref<128xf32, #tpu.memory_space<vmem>>, vector<16xf32>,
    %swap3A_37 = vector.shape_cast %swap3A_36 : vector<16xf32> to vector<16xf32>
    %swap3A_38 = vector.shape_cast %broadcast_in_dim3A_34 : vector<16xf32> to vector<16xf32>
    tpu.vector_store %arg5[%swap3A_35], %swap3A_38 {strides = array<i32>} : memref<128xf32, #tpu.memory_space<vmem>>, vector<16xf32>,
    %broadcast_in_dim3A_39 = arith.constant 1.000000e+00 : f32
    %broadcast_in_dim3A_40 = vector.broadcast %broadcast_in_dim3A_39 : f32 to vector<16xf32>
    %swap3A_41 = arith.constant 80 : index
    %swap3A_42 = tpu.vector_load %arg5[%swap3A_41] {strides = array<i32>} : memref<128xf32, #tpu.memory_space<vmem>>, vector<16xf32>,
    %swap3A_43 = vector.shape_cast %swap3A_42 : vector<16xf32> to vector<16xf32>
    %swap3A_44 = vector.shape_cast %broadcast_in_dim3A_40 : vector<16xf32> to vector<16xf32>
    tpu.vector_store %arg5[%swap3A_41], %swap3A_44 {strides = array<i32>} : memref<128xf32, #tpu.memory_space<vmem>>, vector<16xf32>,
    %broadcast_in_dim3A_45 = arith.constant 1.000000e+00 : f32
    %broadcast_in_dim3A_46 = vector.broadcast %broadcast_in_dim3A_45 : f32 to vector<16xf32>
    %swap3A_47 = arith.constant 96 : index
    %swap3A_48 = tpu.vector_load %arg5[%swap3A_47] {strides = array<i32>} : memref<128xf32, #tpu.memory_space<vmem>>, vector<16xf32>,
    %swap3A_49 = vector.shape_cast %swap3A_48 : vector<16xf32> to vector<16xf32>
    %swap3A_50 = vector.shape_cast %broadcast_in_dim3A_46 : vector<16xf32> to vector<16xf32>
    tpu.vector_store %arg5[%swap3A_47], %swap3A_50 {strides = array<i32>} : memref<128xf32, #tpu.memory_space<vmem>>, vector<16xf32>,
    %broadcast_in_dim3A_51 = arith.constant 1.000000e+00 : f32
    %broadcast_in_dim3A_52 = vector.broadcast %broadcast_in_dim3A_51 : f32 to vector<16xf32>
    %swap3A_53 = arith.constant 112 : index
    %swap3A_54 = tpu.vector_load %arg5[%swap3A_53] {strides = array<i32>} : memref<128xf32, #tpu.memory_space<vmem>>, vector<16xf32>,
    %swap3A_55 = vector.shape_cast %swap3A_54 : vector<16xf32> to vector<16xf32>
    %swap3A_56 = vector.shape_cast %broadcast_in_dim3A_52 : vector<16xf32> to vector<16xf32>
    tpu.vector_store %arg5[%swap3A_53], %swap3A_56 {strides = array<i32>} : memref<128xf32, #tpu.memory_space<vmem>>, vector<16xf32>,
    "tpu.region"() ({
      %run_scoped3A = tpu.sem_alloc : memref<!tpu.dma_semaphore, #tpu.memory_space<semaphore_mem>>
      %dma_start3A = tpu.memref_slice %arg7[%mul3A_2] : memref<10240xf32, #tpu.memory_space<vmem_shared>> -> memref<640xf32, #tpu.memory_space<vmem_shared>>
      %dma_start3A_65 = tpu.memref_slice %arg7[%mul3A_2] : memref<10240xf32, #tpu.memory_space<vmem_shared>> -> memref<640xf32, #tpu.memory_space<vmem_shared>>
      tpu.enqueue_dma source(%arg6 : memref<640xf32, #tpu.memory_space<vmem>>) target(%dma_start3A_65 : memref<640xf32, #tpu.memory_space<vmem_shared>>) target_semaphore(%run_scoped3A : memref<!tpu.dma_semaphore, #tpu.memory_space<semaphore_mem>>)
      %dma_wait3A = tpu.memref_slice %arg7[%mul3A_2] : memref<10240xf32, #tpu.memory_space<vmem_shared>> -> memref<640xf32, #tpu.memory_space<vmem_shared>>
      %dma_wait3A_66 = tpu.memref_slice %arg7[%mul3A_2] : memref<10240xf32, #tpu.memory_space<vmem_shared>> -> memref<640xf32, #tpu.memory_space<vmem_shared>>
      tpu.wait_dma2 semaphore(%run_scoped3A : memref<!tpu.dma_semaphore, #tpu.memory_space<semaphore_mem>>) src(%arg6 : memref<640xf32, #tpu.memory_space<vmem>>) dst(%dma_wait3A_66 : memref<640xf32, #tpu.memory_space<vmem_shared>>)
      tpu.yield
    }) : () -> ()
    %barrier3A = arith.constant 0 : index
    tpu.barrier barrier_id(%barrier3A)
    %scan3A_57 = arith.constant 0 : i32
    %scan3A_58 = arith.constant 0 : i32
    %scan3A_59 = arith.constant 80 : i32
    %scan3A_60 = arith.addi %scan3A_58, %scan3A_59 : i32
    %scan3A_61 = arith.constant 1 : i32
    %scan3A_62 = scf.for %scan3A_65 = %scan3A_58 to %scan3A_60 step %scan3A_61 iter_args(%scan3A_66 = %scan3A_57) -> (i32)  : i32 {
      "tpu.region"() ({
        %run_scoped3A = tpu.sem_alloc : memref<!tpu.dma_semaphore, #tpu.memory_space<semaphore_mem>>
        %dma_start3A = arith.constant 0 : i32
        %dma_start3A_68 = tpu.memref_slice %arg4[%scan3A_65, %dma_start3A] : memref<80x128xi32, #tpu.memory_space<vmem>> -> memref<1x128xi32, #tpu.memory_space<vmem>>
        %dma_start3A_69 = tpu.memref_squeeze %dma_start3A_68 : memref<1x128xi32, #tpu.memory_space<vmem>> -> memref<128xi32, #tpu.memory_space<vmem>>
        %dma_start3A_70 = arith.constant 0 : i32
        %dma_start3A_71 = tpu.memref_slice %arg7[%dma_start3A_70] : memref<10240xf32, #tpu.memory_space<vmem_shared>> -> memref<10240xf32, #tpu.memory_space<vmem_shared>>
        tpu.enqueue_indirect_dma source(%arg5 : memref<128xf32, #tpu.memory_space<vmem>>) target(%dma_start3A_71 : memref<10240xf32, #tpu.memory_space<vmem_shared>>) offsets(%dma_start3A_69 : memref<128xi32, #tpu.memory_space<vmem>>) semaphore(%run_scoped3A : memref<!tpu.dma_semaphore, #tpu.memory_space<semaphore_mem>>) {add = true}
        %dma_wait3A = arith.constant 0 : i32
        %dma_wait3A_72 = tpu.memref_slice %arg4[%scan3A_65, %dma_wait3A] : memref<80x128xi32, #tpu.memory_space<vmem>> -> memref<1x128xi32, #tpu.memory_space<vmem>>
        %dma_wait3A_73 = tpu.memref_squeeze %dma_wait3A_72 : memref<1x128xi32, #tpu.memory_space<vmem>> -> memref<128xi32, #tpu.memory_space<vmem>>
        %dma_wait3A_74 = arith.constant 0 : i32
        %dma_wait3A_75 = tpu.memref_slice %arg7[%dma_wait3A_74] : memref<10240xf32, #tpu.memory_space<vmem_shared>> -> memref<10240xf32, #tpu.memory_space<vmem_shared>>
        tpu.wait_indirect_dma semaphore(%run_scoped3A : memref<!tpu.dma_semaphore, #tpu.memory_space<semaphore_mem>>) src(%arg5 : memref<128xf32, #tpu.memory_space<vmem>>) dst(%dma_wait3A_75 : memref<10240xf32, #tpu.memory_space<vmem_shared>>)
        tpu.yield
      }) : () -> ()
      %scan3A_67 = arith.constant 0 : i32
      scf.yield %scan3A_67 : i32
    }
    %scan3A_63 = arith.constant 80 : i32
    %barrier3A_64 = arith.constant 0 : index
    tpu.barrier barrier_id(%barrier3A_64)
    "tpu.region"() ({
      %run_scoped3A = tpu.sem_alloc : memref<!tpu.dma_semaphore, #tpu.memory_space<semaphore_mem>>
      %dma_start3A = tpu.memref_slice %arg3[%arg0, %mul3A_2] : memref<2x10240xf32, #tpu.memory_space<hbm>> -> memref<1x640xf32, #tpu.memory_space<hbm>>
      %dma_start3A_65 = tpu.memref_squeeze %dma_start3A : memref<1x640xf32, #tpu.memory_space<hbm>> -> memref<640xf32, #tpu.memory_space<hbm>>
      %dma_start3A_66 = tpu.memref_slice %arg7[%mul3A_2] : memref<10240xf32, #tpu.memory_space<vmem_shared>> -> memref<640xf32, #tpu.memory_space<vmem_shared>>
      tpu.enqueue_dma source(%dma_start3A_66 : memref<640xf32, #tpu.memory_space<vmem_shared>>) target(%dma_start3A_65 : memref<640xf32, #tpu.memory_space<hbm>>) target_semaphore(%run_scoped3A : memref<!tpu.dma_semaphore, #tpu.memory_space<semaphore_mem>>)
      %dma_wait3A = tpu.memref_slice %arg3[%arg0, %mul3A_2] : memref<2x10240xf32, #tpu.memory_space<hbm>> -> memref<1x640xf32, #tpu.memory_space<hbm>>
      %dma_wait3A_67 = tpu.memref_squeeze %dma_wait3A : memref<1x640xf32, #tpu.memory_space<hbm>> -> memref<640xf32, #tpu.memory_space<hbm>>
      %dma_wait3A_68 = tpu.memref_slice %arg7[%mul3A_2] : memref<10240xf32, #tpu.memory_space<vmem_shared>> -> memref<640xf32, #tpu.memory_space<vmem_shared>>
      tpu.wait_dma2 semaphore(%run_scoped3A : memref<!tpu.dma_semaphore, #tpu.memory_space<semaphore_mem>>) src(%dma_wait3A_68 : memref<640xf32, #tpu.memory_space<vmem_shared>>) dst(%dma_wait3A_67 : memref<640xf32, #tpu.memory_space<hbm>>)
      tpu.yield
    }) : () -> ()
    return
  }
}

#map = affine_map<(d0, d1) -> (0, 0)>
#map1 = affine_map<(d0, d1) -> (0, 0, 0)>
module attributes {stable_mosaic.version = 14 : i64} {
  func.func @_seg_sc(%arg0: i32, %arg1: i32, %arg2: memref<10000x128xf32, #tpu.memory_space<hbm>>, %arg3: memref<2560x2x128xi32, #tpu.memory_space<hbm>>, %arg4: memref<20480x128xf32, #tpu.memory_space<hbm>>, %arg5: memref<2x128xi32, #tpu.memory_space<vmem>>, %arg6: memref<2x128xi32, #tpu.memory_space<vmem>>, %arg7: memref<128x128xf32, #tpu.memory_space<vmem>>, %arg8: memref<128x128xf32, #tpu.memory_space<vmem>>, %arg9: memref<10240x128xf32, #tpu.memory_space<vmem_shared>>, %arg10: memref<!tpu.dma_semaphore, #tpu.memory_space<semaphore_mem>>, %arg11: memref<!tpu.dma_semaphore, #tpu.memory_space<semaphore_mem>>, %arg12: memref<!tpu.dma_semaphore, #tpu.memory_space<semaphore_mem>>, %arg13: memref<!tpu.dma_semaphore, #tpu.memory_space<semaphore_mem>>) attributes {dimension_semantics = [#tpu.dimension_semantics<core_parallel>, #tpu.dimension_semantics<subcore_parallel>], iteration_bounds = array<i64: 2, 16>, scalar_prefetch = 0 : i64, scratch_operands = 9 : i64, tpu.core_type = #tpu.core_type<sc_vector_subcore>, window_params = [{transform_indices = #map}, {transform_indices = #map1}, {transform_indices = #map}]} {
    %mul3A = arith.constant 640 : i32
    %mul3A_0 = arith.muli %arg1, %mul3A : i32
    %eq3A = arith.constant 0 : i32
    %eq3A_1 = arith.cmpi eq, %arg0, %eq3A : i32
    %jit3A = arith.constant 144 : i32
    %jit3A_2 = arith.constant 16 : i32
    %select_n3A = arith.select %eq3A_1, %jit3A, %jit3A_2 : i32
    %eq3A_3 = arith.constant 0 : i32
    %eq3A_4 = arith.cmpi eq, %arg0, %eq3A_3 : i32
    %mul3A_5 = arith.constant 144 : i32
    %mul3A_6 = arith.muli %arg1, %mul3A_5 : i32
    %mul3A_7 = arith.constant 16 : i32
    %mul3A_8 = arith.muli %arg1, %mul3A_7 : i32
    %add3A = arith.constant 2304 : i32
    %add3A_9 = arith.addi %add3A, %mul3A_8 : i32
    %select_n3A_10 = arith.select %eq3A_4, %mul3A_6, %add3A_9 : i32
    %scan3A = arith.constant 0 : i32
    %scan3A_11 = arith.constant 0 : i32
    %scan3A_12 = arith.constant 128 : i32
    %scan3A_13 = arith.addi %scan3A_11, %scan3A_12 : i32
    %scan3A_14 = arith.constant 1 : i32
    %scan3A_15 = scf.for %scan3A_107 = %scan3A_11 to %scan3A_13 step %scan3A_14 iter_args(%scan3A_108 = %scan3A) -> (i32)  : i32 {
      %broadcast_in_dim3A = arith.constant 0.000000e+00 : f32
      %broadcast_in_dim3A_109 = vector.broadcast %broadcast_in_dim3A : f32 to vector<16xf32>
      %swap3A = arith.index_cast %scan3A_107 : i32 to index
      %swap3A_110 = arith.constant 0 : index
      %swap3A_111 = tpu.vector_load %arg7[%swap3A, %swap3A_110] {strides = array<i32>} : memref<128x128xf32, #tpu.memory_space<vmem>>, vector<1x16xf32>,
      %swap3A_112 = vector.shape_cast %swap3A_111 : vector<1x16xf32> to vector<16xf32>
      %swap3A_113 = vector.shape_cast %broadcast_in_dim3A_109 : vector<16xf32> to vector<1x16xf32>
      tpu.vector_store %arg7[%swap3A, %swap3A_110], %swap3A_113 {strides = array<i32>} : memref<128x128xf32, #tpu.memory_space<vmem>>, vector<1x16xf32>,
      %broadcast_in_dim3A_114 = arith.constant 0.000000e+00 : f32
      %broadcast_in_dim3A_115 = vector.broadcast %broadcast_in_dim3A_114 : f32 to vector<16xf32>
      %swap3A_116 = arith.index_cast %scan3A_107 : i32 to index
      %swap3A_117 = arith.constant 16 : index
      %swap3A_118 = tpu.vector_load %arg7[%swap3A_116, %swap3A_117] {strides = array<i32>} : memref<128x128xf32, #tpu.memory_space<vmem>>, vector<1x16xf32>,
      %swap3A_119 = vector.shape_cast %swap3A_118 : vector<1x16xf32> to vector<16xf32>
      %swap3A_120 = vector.shape_cast %broadcast_in_dim3A_115 : vector<16xf32> to vector<1x16xf32>
      tpu.vector_store %arg7[%swap3A_116, %swap3A_117], %swap3A_120 {strides = array<i32>} : memref<128x128xf32, #tpu.memory_space<vmem>>, vector<1x16xf32>,
      %broadcast_in_dim3A_121 = arith.constant 0.000000e+00 : f32
      %broadcast_in_dim3A_122 = vector.broadcast %broadcast_in_dim3A_121 : f32 to vector<16xf32>
      %swap3A_123 = arith.index_cast %scan3A_107 : i32 to index
      %swap3A_124 = arith.constant 32 : index
      %swap3A_125 = tpu.vector_load %arg7[%swap3A_123, %swap3A_124] {strides = array<i32>} : memref<128x128xf32, #tpu.memory_space<vmem>>, vector<1x16xf32>,
      %swap3A_126 = vector.shape_cast %swap3A_125 : vector<1x16xf32> to vector<16xf32>
      %swap3A_127 = vector.shape_cast %broadcast_in_dim3A_122 : vector<16xf32> to vector<1x16xf32>
      tpu.vector_store %arg7[%swap3A_123, %swap3A_124], %swap3A_127 {strides = array<i32>} : memref<128x128xf32, #tpu.memory_space<vmem>>, vector<1x16xf32>,
      %broadcast_in_dim3A_128 = arith.constant 0.000000e+00 : f32
      %broadcast_in_dim3A_129 = vector.broadcast %broadcast_in_dim3A_128 : f32 to vector<16xf32>
      %swap3A_130 = arith.index_cast %scan3A_107 : i32 to index
      %swap3A_131 = arith.constant 48 : index
      %swap3A_132 = tpu.vector_load %arg7[%swap3A_130, %swap3A_131] {strides = array<i32>} : memref<128x128xf32, #tpu.memory_space<vmem>>, vector<1x16xf32>,
      %swap3A_133 = vector.shape_cast %swap3A_132 : vector<1x16xf32> to vector<16xf32>
      %swap3A_134 = vector.shape_cast %broadcast_in_dim3A_129 : vector<16xf32> to vector<1x16xf32>
      tpu.vector_store %arg7[%swap3A_130, %swap3A_131], %swap3A_134 {strides = array<i32>} : memref<128x128xf32, #tpu.memory_space<vmem>>, vector<1x16xf32>,
      %broadcast_in_dim3A_135 = arith.constant 0.000000e+00 : f32
      %broadcast_in_dim3A_136 = vector.broadcast %broadcast_in_dim3A_135 : f32 to vector<16xf32>
      %swap3A_137 = arith.index_cast %scan3A_107 : i32 to index
      %swap3A_138 = arith.constant 64 : index
      %swap3A_139 = tpu.vector_load %arg7[%swap3A_137, %swap3A_138] {strides = array<i32>} : memref<128x128xf32, #tpu.memory_space<vmem>>, vector<1x16xf32>,
      %swap3A_140 = vector.shape_cast %swap3A_139 : vector<1x16xf32> to vector<16xf32>
      %swap3A_141 = vector.shape_cast %broadcast_in_dim3A_136 : vector<16xf32> to vector<1x16xf32>
      tpu.vector_store %arg7[%swap3A_137, %swap3A_138], %swap3A_141 {strides = array<i32>} : memref<128x128xf32, #tpu.memory_space<vmem>>, vector<1x16xf32>,
      %broadcast_in_dim3A_142 = arith.constant 0.000000e+00 : f32
      %broadcast_in_dim3A_143 = vector.broadcast %broadcast_in_dim3A_142 : f32 to vector<16xf32>
      %swap3A_144 = arith.index_cast %scan3A_107 : i32 to index
      %swap3A_145 = arith.constant 80 : index
      %swap3A_146 = tpu.vector_load %arg7[%swap3A_144, %swap3A_145] {strides = array<i32>} : memref<128x128xf32, #tpu.memory_space<vmem>>, vector<1x16xf32>,
      %swap3A_147 = vector.shape_cast %swap3A_146 : vector<1x16xf32> to vector<16xf32>
      %swap3A_148 = vector.shape_cast %broadcast_in_dim3A_143 : vector<16xf32> to vector<1x16xf32>
      tpu.vector_store %arg7[%swap3A_144, %swap3A_145], %swap3A_148 {strides = array<i32>} : memref<128x128xf32, #tpu.memory_space<vmem>>, vector<1x16xf32>,
      %broadcast_in_dim3A_149 = arith.constant 0.000000e+00 : f32
      %broadcast_in_dim3A_150 = vector.broadcast %broadcast_in_dim3A_149 : f32 to vector<16xf32>
      %swap3A_151 = arith.index_cast %scan3A_107 : i32 to index
      %swap3A_152 = arith.constant 96 : index
      %swap3A_153 = tpu.vector_load %arg7[%swap3A_151, %swap3A_152] {strides = array<i32>} : memref<128x128xf32, #tpu.memory_space<vmem>>, vector<1x16xf32>,
      %swap3A_154 = vector.shape_cast %swap3A_153 : vector<1x16xf32> to vector<16xf32>
      %swap3A_155 = vector.shape_cast %broadcast_in_dim3A_150 : vector<16xf32> to vector<1x16xf32>
      tpu.vector_store %arg7[%swap3A_151, %swap3A_152], %swap3A_155 {strides = array<i32>} : memref<128x128xf32, #tpu.memory_space<vmem>>, vector<1x16xf32>,
      %broadcast_in_dim3A_156 = arith.constant 0.000000e+00 : f32
      %broadcast_in_dim3A_157 = vector.broadcast %broadcast_in_dim3A_156 : f32 to vector<16xf32>
      %swap3A_158 = arith.index_cast %scan3A_107 : i32 to index
      %swap3A_159 = arith.constant 112 : index
      %swap3A_160 = tpu.vector_load %arg7[%swap3A_158, %swap3A_159] {strides = array<i32>} : memref<128x128xf32, #tpu.memory_space<vmem>>, vector<1x16xf32>,
      %swap3A_161 = vector.shape_cast %swap3A_160 : vector<1x16xf32> to vector<16xf32>
      %swap3A_162 = vector.shape_cast %broadcast_in_dim3A_157 : vector<16xf32> to vector<1x16xf32>
      tpu.vector_store %arg7[%swap3A_158, %swap3A_159], %swap3A_162 {strides = array<i32>} : memref<128x128xf32, #tpu.memory_space<vmem>>, vector<1x16xf32>,
      %scan3A_163 = arith.constant 0 : i32
      scf.yield %scan3A_163 : i32
    }
    %scan3A_16 = arith.constant 128 : i32
    %add3A_17 = arith.constant 0 : i32
    %add3A_18 = arith.addi %mul3A_0, %add3A_17 : i32
    "tpu.region"() ({
      %run_scoped3A_107 = tpu.sem_alloc : memref<!tpu.dma_semaphore, #tpu.memory_space<semaphore_mem>>
      %dma_start3A_108 = arith.constant 0 : i32
      %dma_start3A_109 = tpu.memref_slice %arg9[%add3A_18, %dma_start3A_108] : memref<10240x128xf32, #tpu.memory_space<vmem_shared>> -> memref<128x128xf32, #tpu.memory_space<vmem_shared>>
      %dma_start3A_110 = arith.constant 0 : i32
      %dma_start3A_111 = tpu.memref_slice %arg9[%add3A_18, %dma_start3A_110] : memref<10240x128xf32, #tpu.memory_space<vmem_shared>> -> memref<128x128xf32, #tpu.memory_space<vmem_shared>>
      tpu.enqueue_dma source(%arg7 : memref<128x128xf32, #tpu.memory_space<vmem>>) target(%dma_start3A_111 : memref<128x128xf32, #tpu.memory_space<vmem_shared>>) target_semaphore(%run_scoped3A_107 : memref<!tpu.dma_semaphore, #tpu.memory_space<semaphore_mem>>)
      %dma_wait3A_112 = arith.constant 0 : i32
      %dma_wait3A_113 = tpu.memref_slice %arg9[%add3A_18, %dma_wait3A_112] : memref<10240x128xf32, #tpu.memory_space<vmem_shared>> -> memref<128x128xf32, #tpu.memory_space<vmem_shared>>
      %dma_wait3A_114 = arith.constant 0 : i32
      %dma_wait3A_115 = tpu.memref_slice %arg9[%add3A_18, %dma_wait3A_114] : memref<10240x128xf32, #tpu.memory_space<vmem_shared>> -> memref<128x128xf32, #tpu.memory_space<vmem_shared>>
      tpu.wait_dma2 semaphore(%run_scoped3A_107 : memref<!tpu.dma_semaphore, #tpu.memory_space<semaphore_mem>>) src(%arg7 : memref<128x128xf32, #tpu.memory_space<vmem>>) dst(%dma_wait3A_115 : memref<128x128xf32, #tpu.memory_space<vmem_shared>>)
      tpu.yield
    }) : () -> ()
    %add3A_19 = arith.constant 128 : i32
    %add3A_20 = arith.addi %mul3A_0, %add3A_19 : i32
    "tpu.region"() ({
      %run_scoped3A_107 = tpu.sem_alloc : memref<!tpu.dma_semaphore, #tpu.memory_space<semaphore_mem>>
      %dma_start3A_108 = arith.constant 0 : i32
      %dma_start3A_109 = tpu.memref_slice %arg9[%add3A_20, %dma_start3A_108] : memref<10240x128xf32, #tpu.memory_space<vmem_shared>> -> memref<128x128xf32, #tpu.memory_space<vmem_shared>>
      %dma_start3A_110 = arith.constant 0 : i32
      %dma_start3A_111 = tpu.memref_slice %arg9[%add3A_20, %dma_start3A_110] : memref<10240x128xf32, #tpu.memory_space<vmem_shared>> -> memref<128x128xf32, #tpu.memory_space<vmem_shared>>
      tpu.enqueue_dma source(%arg7 : memref<128x128xf32, #tpu.memory_space<vmem>>) target(%dma_start3A_111 : memref<128x128xf32, #tpu.memory_space<vmem_shared>>) target_semaphore(%run_scoped3A_107 : memref<!tpu.dma_semaphore, #tpu.memory_space<semaphore_mem>>)
      %dma_wait3A_112 = arith.constant 0 : i32
      %dma_wait3A_113 = tpu.memref_slice %arg9[%add3A_20, %dma_wait3A_112] : memref<10240x128xf32, #tpu.memory_space<vmem_shared>> -> memref<128x128xf32, #tpu.memory_space<vmem_shared>>
      %dma_wait3A_114 = arith.constant 0 : i32
      %dma_wait3A_115 = tpu.memref_slice %arg9[%add3A_20, %dma_wait3A_114] : memref<10240x128xf32, #tpu.memory_space<vmem_shared>> -> memref<128x128xf32, #tpu.memory_space<vmem_shared>>
      tpu.wait_dma2 semaphore(%run_scoped3A_107 : memref<!tpu.dma_semaphore, #tpu.memory_space<semaphore_mem>>) src(%arg7 : memref<128x128xf32, #tpu.memory_space<vmem>>) dst(%dma_wait3A_115 : memref<128x128xf32, #tpu.memory_space<vmem_shared>>)
      tpu.yield
    }) : () -> ()
    %add3A_21 = arith.constant 256 : i32
    %add3A_22 = arith.addi %mul3A_0, %add3A_21 : i32
    "tpu.region"() ({
      %run_scoped3A_107 = tpu.sem_alloc : memref<!tpu.dma_semaphore, #tpu.memory_space<semaphore_mem>>
      %dma_start3A_108 = arith.constant 0 : i32
      %dma_start3A_109 = tpu.memref_slice %arg9[%add3A_22, %dma_start3A_108] : memref<10240x128xf32, #tpu.memory_space<vmem_shared>> -> memref<128x128xf32, #tpu.memory_space<vmem_shared>>
      %dma_start3A_110 = arith.constant 0 : i32
      %dma_start3A_111 = tpu.memref_slice %arg9[%add3A_22, %dma_start3A_110] : memref<10240x128xf32, #tpu.memory_space<vmem_shared>> -> memref<128x128xf32, #tpu.memory_space<vmem_shared>>
      tpu.enqueue_dma source(%arg7 : memref<128x128xf32, #tpu.memory_space<vmem>>) target(%dma_start3A_111 : memref<128x128xf32, #tpu.memory_space<vmem_shared>>) target_semaphore(%run_scoped3A_107 : memref<!tpu.dma_semaphore, #tpu.memory_space<semaphore_mem>>)
      %dma_wait3A_112 = arith.constant 0 : i32
      %dma_wait3A_113 = tpu.memref_slice %arg9[%add3A_22, %dma_wait3A_112] : memref<10240x128xf32, #tpu.memory_space<vmem_shared>> -> memref<128x128xf32, #tpu.memory_space<vmem_shared>>
      %dma_wait3A_114 = arith.constant 0 : i32
      %dma_wait3A_115 = tpu.memref_slice %arg9[%add3A_22, %dma_wait3A_114] : memref<10240x128xf32, #tpu.memory_space<vmem_shared>> -> memref<128x128xf32, #tpu.memory_space<vmem_shared>>
      tpu.wait_dma2 semaphore(%run_scoped3A_107 : memref<!tpu.dma_semaphore, #tpu.memory_space<semaphore_mem>>) src(%arg7 : memref<128x128xf32, #tpu.memory_space<vmem>>) dst(%dma_wait3A_115 : memref<128x128xf32, #tpu.memory_space<vmem_shared>>)
      tpu.yield
    }) : () -> ()
    %add3A_23 = arith.constant 384 : i32
    %add3A_24 = arith.addi %mul3A_0, %add3A_23 : i32
    "tpu.region"() ({
      %run_scoped3A_107 = tpu.sem_alloc : memref<!tpu.dma_semaphore, #tpu.memory_space<semaphore_mem>>
      %dma_start3A_108 = arith.constant 0 : i32
      %dma_start3A_109 = tpu.memref_slice %arg9[%add3A_24, %dma_start3A_108] : memref<10240x128xf32, #tpu.memory_space<vmem_shared>> -> memref<128x128xf32, #tpu.memory_space<vmem_shared>>
      %dma_start3A_110 = arith.constant 0 : i32
      %dma_start3A_111 = tpu.memref_slice %arg9[%add3A_24, %dma_start3A_110] : memref<10240x128xf32, #tpu.memory_space<vmem_shared>> -> memref<128x128xf32, #tpu.memory_space<vmem_shared>>
      tpu.enqueue_dma source(%arg7 : memref<128x128xf32, #tpu.memory_space<vmem>>) target(%dma_start3A_111 : memref<128x128xf32, #tpu.memory_space<vmem_shared>>) target_semaphore(%run_scoped3A_107 : memref<!tpu.dma_semaphore, #tpu.memory_space<semaphore_mem>>)
      %dma_wait3A_112 = arith.constant 0 : i32
      %dma_wait3A_113 = tpu.memref_slice %arg9[%add3A_24, %dma_wait3A_112] : memref<10240x128xf32, #tpu.memory_space<vmem_shared>> -> memref<128x128xf32, #tpu.memory_space<vmem_shared>>
      %dma_wait3A_114 = arith.constant 0 : i32
      %dma_wait3A_115 = tpu.memref_slice %arg9[%add3A_24, %dma_wait3A_114] : memref<10240x128xf32, #tpu.memory_space<vmem_shared>> -> memref<128x128xf32, #tpu.memory_space<vmem_shared>>
      tpu.wait_dma2 semaphore(%run_scoped3A_107 : memref<!tpu.dma_semaphore, #tpu.memory_space<semaphore_mem>>) src(%arg7 : memref<128x128xf32, #tpu.memory_space<vmem>>) dst(%dma_wait3A_115 : memref<128x128xf32, #tpu.memory_space<vmem_shared>>)
      tpu.yield
    }) : () -> ()
    %add3A_25 = arith.constant 512 : i32
    %add3A_26 = arith.addi %mul3A_0, %add3A_25 : i32
    "tpu.region"() ({
      %run_scoped3A_107 = tpu.sem_alloc : memref<!tpu.dma_semaphore, #tpu.memory_space<semaphore_mem>>
      %dma_start3A_108 = arith.constant 0 : i32
      %dma_start3A_109 = tpu.memref_slice %arg9[%add3A_26, %dma_start3A_108] : memref<10240x128xf32, #tpu.memory_space<vmem_shared>> -> memref<128x128xf32, #tpu.memory_space<vmem_shared>>
      %dma_start3A_110 = arith.constant 0 : i32
      %dma_start3A_111 = tpu.memref_slice %arg9[%add3A_26, %dma_start3A_110] : memref<10240x128xf32, #tpu.memory_space<vmem_shared>> -> memref<128x128xf32, #tpu.memory_space<vmem_shared>>
      tpu.enqueue_dma source(%arg7 : memref<128x128xf32, #tpu.memory_space<vmem>>) target(%dma_start3A_111 : memref<128x128xf32, #tpu.memory_space<vmem_shared>>) target_semaphore(%run_scoped3A_107 : memref<!tpu.dma_semaphore, #tpu.memory_space<semaphore_mem>>)
      %dma_wait3A_112 = arith.constant 0 : i32
      %dma_wait3A_113 = tpu.memref_slice %arg9[%add3A_26, %dma_wait3A_112] : memref<10240x128xf32, #tpu.memory_space<vmem_shared>> -> memref<128x128xf32, #tpu.memory_space<vmem_shared>>
      %dma_wait3A_114 = arith.constant 0 : i32
      %dma_wait3A_115 = tpu.memref_slice %arg9[%add3A_26, %dma_wait3A_114] : memref<10240x128xf32, #tpu.memory_space<vmem_shared>> -> memref<128x128xf32, #tpu.memory_space<vmem_shared>>
      tpu.wait_dma2 semaphore(%run_scoped3A_107 : memref<!tpu.dma_semaphore, #tpu.memory_space<semaphore_mem>>) src(%arg7 : memref<128x128xf32, #tpu.memory_space<vmem>>) dst(%dma_wait3A_115 : memref<128x128xf32, #tpu.memory_space<vmem_shared>>)
      tpu.yield
    }) : () -> ()
    %barrier3A = arith.constant 0 : index
    tpu.barrier barrier_id(%barrier3A)
    "tpu.region"() ({
      %run_scoped3A_107 = tpu.sem_alloc : memref<!tpu.dma_semaphore, #tpu.memory_space<semaphore_mem>>
      %dma_start3A_108 = arith.constant 0 : i32
      %dma_start3A_109 = arith.constant 0 : i32
      %dma_start3A_110 = tpu.memref_slice %arg3[%select_n3A_10, %dma_start3A_108, %dma_start3A_109] : memref<2560x2x128xi32, #tpu.memory_space<hbm>> -> memref<1x2x128xi32, #tpu.memory_space<hbm>>
      %dma_start3A_111 = tpu.memref_squeeze %dma_start3A_110 : memref<1x2x128xi32, #tpu.memory_space<hbm>> -> memref<2x128xi32, #tpu.memory_space<hbm>>
      %dma_start3A_112 = arith.constant 0 : i32
      %dma_start3A_113 = arith.constant 0 : i32
      %dma_start3A_114 = tpu.memref_slice %arg3[%select_n3A_10, %dma_start3A_112, %dma_start3A_113] : memref<2560x2x128xi32, #tpu.memory_space<hbm>> -> memref<1x2x128xi32, #tpu.memory_space<hbm>>
      %dma_start3A_115 = tpu.memref_squeeze %dma_start3A_114 : memref<1x2x128xi32, #tpu.memory_space<hbm>> -> memref<2x128xi32, #tpu.memory_space<hbm>>
      tpu.enqueue_dma source(%dma_start3A_115 : memref<2x128xi32, #tpu.memory_space<hbm>>) target(%arg5 : memref<2x128xi32, #tpu.memory_space<vmem>>) target_semaphore(%run_scoped3A_107 : memref<!tpu.dma_semaphore, #tpu.memory_space<semaphore_mem>>)
      %dma_wait3A_116 = arith.constant 0 : i32
      %dma_wait3A_117 = arith.constant 0 : i32
      %dma_wait3A_118 = tpu.memref_slice %arg3[%select_n3A_10, %dma_wait3A_116, %dma_wait3A_117] : memref<2560x2x128xi32, #tpu.memory_space<hbm>> -> memref<1x2x128xi32, #tpu.memory_space<hbm>>
      %dma_wait3A_119 = tpu.memref_squeeze %dma_wait3A_118 : memref<1x2x128xi32, #tpu.memory_space<hbm>> -> memref<2x128xi32, #tpu.memory_space<hbm>>
      %dma_wait3A_120 = arith.constant 0 : i32
      %dma_wait3A_121 = arith.constant 0 : i32
      %dma_wait3A_122 = tpu.memref_slice %arg3[%select_n3A_10, %dma_wait3A_120, %dma_wait3A_121] : memref<2560x2x128xi32, #tpu.memory_space<hbm>> -> memref<1x2x128xi32, #tpu.memory_space<hbm>>
      %dma_wait3A_123 = tpu.memref_squeeze %dma_wait3A_122 : memref<1x2x128xi32, #tpu.memory_space<hbm>> -> memref<2x128xi32, #tpu.memory_space<hbm>>
      tpu.wait_dma2 semaphore(%run_scoped3A_107 : memref<!tpu.dma_semaphore, #tpu.memory_space<semaphore_mem>>) src(%dma_wait3A_123 : memref<2x128xi32, #tpu.memory_space<hbm>>) dst(%arg5 : memref<2x128xi32, #tpu.memory_space<vmem>>)
      tpu.yield
    }) : () -> ()
    %dma_start3A = arith.constant 0 : i32
    %dma_start3A_27 = arith.constant 0 : i32
    %dma_start3A_28 = tpu.memref_slice %arg5[%dma_start3A, %dma_start3A_27] : memref<2x128xi32, #tpu.memory_space<vmem>> -> memref<1x128xi32, #tpu.memory_space<vmem>>
    %dma_start3A_29 = tpu.memref_squeeze %dma_start3A_28 : memref<1x128xi32, #tpu.memory_space<vmem>> -> memref<128xi32, #tpu.memory_space<vmem>>
    %dma_start3A_30 = arith.constant 0 : i32
    %dma_start3A_31 = arith.constant 0 : i32
    %dma_start3A_32 = tpu.memref_slice %arg2[%dma_start3A_30, %dma_start3A_31] : memref<10000x128xf32, #tpu.memory_space<hbm>> -> memref<10000x128xf32, #tpu.memory_space<hbm>>
    tpu.enqueue_indirect_dma source(%dma_start3A_32 : memref<10000x128xf32, #tpu.memory_space<hbm>>) target(%arg7 : memref<128x128xf32, #tpu.memory_space<vmem>>) offsets(%dma_start3A_29 : memref<128xi32, #tpu.memory_space<vmem>>) semaphore(%arg10 : memref<!tpu.dma_semaphore, #tpu.memory_space<semaphore_mem>>)
    %add3A_33 = arith.constant 1 : i32
    %add3A_34 = arith.addi %select_n3A_10, %add3A_33 : i32
    %dma_start3A_35 = arith.constant 0 : i32
    %dma_start3A_36 = arith.constant 0 : i32
    %dma_start3A_37 = tpu.memref_slice %arg3[%add3A_34, %dma_start3A_35, %dma_start3A_36] : memref<2560x2x128xi32, #tpu.memory_space<hbm>> -> memref<1x2x128xi32, #tpu.memory_space<hbm>>
    %dma_start3A_38 = tpu.memref_squeeze %dma_start3A_37 : memref<1x2x128xi32, #tpu.memory_space<hbm>> -> memref<2x128xi32, #tpu.memory_space<hbm>>
    %dma_start3A_39 = arith.constant 0 : i32
    %dma_start3A_40 = arith.constant 0 : i32
    %dma_start3A_41 = tpu.memref_slice %arg3[%add3A_34, %dma_start3A_39, %dma_start3A_40] : memref<2560x2x128xi32, #tpu.memory_space<hbm>> -> memref<1x2x128xi32, #tpu.memory_space<hbm>>
    %dma_start3A_42 = tpu.memref_squeeze %dma_start3A_41 : memref<1x2x128xi32, #tpu.memory_space<hbm>> -> memref<2x128xi32, #tpu.memory_space<hbm>>
    tpu.enqueue_dma source(%dma_start3A_42 : memref<2x128xi32, #tpu.memory_space<hbm>>) target(%arg6 : memref<2x128xi32, #tpu.memory_space<vmem>>) target_semaphore(%arg13 : memref<!tpu.dma_semaphore, #tpu.memory_space<semaphore_mem>>)
    %jit3A_43 = arith.constant 2 : i32
    %div3A = arith.divsi %select_n3A, %jit3A_43 : i32
    %sign3A = arith.constant 0 : i32
    %sign3A_44 = arith.cmpi sgt, %select_n3A, %sign3A : i32
    %sign3A_45 = arith.extui %sign3A_44 : i1 to i32
    %sign3A_46 = arith.constant 0 : i32
    %sign3A_47 = arith.cmpi slt, %select_n3A, %sign3A_46 : i32
    %sign3A_48 = arith.extui %sign3A_47 : i1 to i32
    %sign3A_49 = arith.subi %sign3A_45, %sign3A_48 : i32
    %sign3A_50 = arith.constant 0 : i32
    %sign3A_51 = arith.cmpi sgt, %jit3A_43, %sign3A_50 : i32
    %sign3A_52 = arith.extui %sign3A_51 : i1 to i32
    %sign3A_53 = arith.constant 0 : i32
    %sign3A_54 = arith.cmpi slt, %jit3A_43, %sign3A_53 : i32
    %sign3A_55 = arith.extui %sign3A_54 : i1 to i32
    %sign3A_56 = arith.subi %sign3A_52, %sign3A_55 : i32
    %ne3A = arith.cmpi ne, %sign3A_49, %sign3A_56 : i32
    %rem3A = arith.remsi %select_n3A, %jit3A_43 : i32
    %ne3A_57 = arith.constant 0 : i32
    %ne3A_58 = arith.cmpi ne, %rem3A, %ne3A_57 : i32
    %and3A = arith.andi %ne3A, %ne3A_58 : i1
    %sub3A = arith.constant 1 : i32
    %sub3A_59 = arith.subi %div3A, %sub3A : i32
    %select_n3A_60 = arith.select %and3A, %sub3A_59, %div3A : i32
    %sub3A_61 = arith.constant 1 : i32
    %sub3A_62 = arith.subi %select_n3A_60, %sub3A_61 : i32
    %while3A = arith.constant 0 : i32
    %while3A_63 = arith.constant 0 : i32
    %while3A_64 = arith.subi %sub3A_62, %while3A : i32
    %while3A_65 = arith.addi %while3A, %while3A_64 : i32
    %while3A_66 = arith.constant 1 : i32
    %while3A_67 = arith.divsi %while3A_64, %while3A_66 : i32
    %while3A_68 = arith.muli %while3A_67, %while3A_66 : i32
    %while3A_69 = arith.addi %while3A, %while3A_68 : i32
    %while3A_70 = arith.constant 1 : i32
    %while3A_71 = scf.for %while3A_107 = %while3A to %while3A_69 step %while3A_70 iter_args(%while3A_108 = %while3A_63) -> (i32)  : i32 {
      %mul3A_109 = arith.constant 2 : i32
      %mul3A_110 = arith.muli %mul3A_109, %while3A_107 : i32
      %dma_wait3A_111 = arith.constant 0 : i32
      %dma_wait3A_112 = arith.constant 0 : i32
      %dma_wait3A_113 = tpu.memref_slice %arg3[%select_n3A_10, %dma_wait3A_111, %dma_wait3A_112] : memref<2560x2x128xi32, #tpu.memory_space<hbm>> -> memref<1x2x128xi32, #tpu.memory_space<hbm>>
      %dma_wait3A_114 = tpu.memref_squeeze %dma_wait3A_113 : memref<1x2x128xi32, #tpu.memory_space<hbm>> -> memref<2x128xi32, #tpu.memory_space<hbm>>
      %dma_wait3A_115 = arith.constant 0 : i32
      %dma_wait3A_116 = arith.constant 0 : i32
      %dma_wait3A_117 = tpu.memref_slice %arg3[%select_n3A_10, %dma_wait3A_115, %dma_wait3A_116] : memref<2560x2x128xi32, #tpu.memory_space<hbm>> -> memref<1x2x128xi32, #tpu.memory_space<hbm>>
      %dma_wait3A_118 = tpu.memref_squeeze %dma_wait3A_117 : memref<1x2x128xi32, #tpu.memory_space<hbm>> -> memref<2x128xi32, #tpu.memory_space<hbm>>
      tpu.wait_dma2 semaphore(%arg13 : memref<!tpu.dma_semaphore, #tpu.memory_space<semaphore_mem>>) src(%dma_wait3A_118 : memref<2x128xi32, #tpu.memory_space<hbm>>) dst(%arg6 : memref<2x128xi32, #tpu.memory_space<vmem>>)
      %dma_start3A_119 = arith.constant 0 : i32
      %dma_start3A_120 = arith.constant 0 : i32
      %dma_start3A_121 = tpu.memref_slice %arg6[%dma_start3A_119, %dma_start3A_120] : memref<2x128xi32, #tpu.memory_space<vmem>> -> memref<1x128xi32, #tpu.memory_space<vmem>>
      %dma_start3A_122 = tpu.memref_squeeze %dma_start3A_121 : memref<1x128xi32, #tpu.memory_space<vmem>> -> memref<128xi32, #tpu.memory_space<vmem>>
      %dma_start3A_123 = arith.constant 0 : i32
      %dma_start3A_124 = arith.constant 0 : i32
      %dma_start3A_125 = tpu.memref_slice %arg2[%dma_start3A_123, %dma_start3A_124] : memref<10000x128xf32, #tpu.memory_space<hbm>> -> memref<10000x128xf32, #tpu.memory_space<hbm>>
      tpu.enqueue_indirect_dma source(%dma_start3A_125 : memref<10000x128xf32, #tpu.memory_space<hbm>>) target(%arg8 : memref<128x128xf32, #tpu.memory_space<vmem>>) offsets(%dma_start3A_122 : memref<128xi32, #tpu.memory_space<vmem>>) semaphore(%arg11 : memref<!tpu.dma_semaphore, #tpu.memory_space<semaphore_mem>>)
      %dma_wait3A_126 = arith.constant 0 : i32
      %dma_wait3A_127 = arith.constant 0 : i32
      %dma_wait3A_128 = tpu.memref_slice %arg5[%dma_wait3A_126, %dma_wait3A_127] : memref<2x128xi32, #tpu.memory_space<vmem>> -> memref<1x128xi32, #tpu.memory_space<vmem>>
      %dma_wait3A_129 = tpu.memref_squeeze %dma_wait3A_128 : memref<1x128xi32, #tpu.memory_space<vmem>> -> memref<128xi32, #tpu.memory_space<vmem>>
      %dma_wait3A_130 = arith.constant 0 : i32
      %dma_wait3A_131 = arith.constant 0 : i32
      %dma_wait3A_132 = tpu.memref_slice %arg2[%dma_wait3A_130, %dma_wait3A_131] : memref<10000x128xf32, #tpu.memory_space<hbm>> -> memref<10000x128xf32, #tpu.memory_space<hbm>>
      tpu.wait_indirect_dma semaphore(%arg10 : memref<!tpu.dma_semaphore, #tpu.memory_space<semaphore_mem>>) src(%dma_wait3A_132 : memref<10000x128xf32, #tpu.memory_space<hbm>>) dst(%arg7 : memref<128x128xf32, #tpu.memory_space<vmem>>)
      %run_scoped3A_133 = arith.constant 1 : i32
      "tpu.region"() ({
        %run_scoped3A_180 = tpu.sem_alloc : memref<!tpu.dma_semaphore, #tpu.memory_space<semaphore_mem>>
        %dma_start3A_181 = arith.constant 0 : i32
        %dma_start3A_182 = tpu.memref_slice %arg5[%run_scoped3A_133, %dma_start3A_181] : memref<2x128xi32, #tpu.memory_space<vmem>> -> memref<1x128xi32, #tpu.memory_space<vmem>>
        %dma_start3A_183 = tpu.memref_squeeze %dma_start3A_182 : memref<1x128xi32, #tpu.memory_space<vmem>> -> memref<128xi32, #tpu.memory_space<vmem>>
        %dma_start3A_184 = arith.constant 0 : i32
        %dma_start3A_185 = arith.constant 0 : i32
        %dma_start3A_186 = tpu.memref_slice %arg9[%dma_start3A_184, %dma_start3A_185] : memref<10240x128xf32, #tpu.memory_space<vmem_shared>> -> memref<10240x128xf32, #tpu.memory_space<vmem_shared>>
        tpu.enqueue_indirect_dma source(%arg7 : memref<128x128xf32, #tpu.memory_space<vmem>>) target(%dma_start3A_186 : memref<10240x128xf32, #tpu.memory_space<vmem_shared>>) offsets(%dma_start3A_183 : memref<128xi32, #tpu.memory_space<vmem>>) semaphore(%run_scoped3A_180 : memref<!tpu.dma_semaphore, #tpu.memory_space<semaphore_mem>>) {add = true}
        %dma_wait3A_187 = arith.constant 0 : i32
        %dma_wait3A_188 = tpu.memref_slice %arg5[%run_scoped3A_133, %dma_wait3A_187] : memref<2x128xi32, #tpu.memory_space<vmem>> -> memref<1x128xi32, #tpu.memory_space<vmem>>
        %dma_wait3A_189 = tpu.memref_squeeze %dma_wait3A_188 : memref<1x128xi32, #tpu.memory_space<vmem>> -> memref<128xi32, #tpu.memory_space<vmem>>
        %dma_wait3A_190 = arith.constant 0 : i32
        %dma_wait3A_191 = arith.constant 0 : i32
        %dma_wait3A_192 = tpu.memref_slice %arg9[%dma_wait3A_190, %dma_wait3A_191] : memref<10240x128xf32, #tpu.memory_space<vmem_shared>> -> memref<10240x128xf32, #tpu.memory_space<vmem_shared>>
        tpu.wait_indirect_dma semaphore(%run_scoped3A_180 : memref<!tpu.dma_semaphore, #tpu.memory_space<semaphore_mem>>) src(%arg7 : memref<128x128xf32, #tpu.memory_space<vmem>>) dst(%dma_wait3A_192 : memref<10240x128xf32, #tpu.memory_space<vmem_shared>>)
        tpu.yield
      }) : () -> ()
      %add3A_134 = arith.constant 2 : i32
      %add3A_135 = arith.addi %mul3A_110, %add3A_134 : i32
      %add3A_136 = arith.addi %select_n3A_10, %add3A_135 : i32
      %dma_start3A_137 = arith.constant 0 : i32
      %dma_start3A_138 = arith.constant 0 : i32
      %dma_start3A_139 = tpu.memref_slice %arg3[%add3A_136, %dma_start3A_137, %dma_start3A_138] : memref<2560x2x128xi32, #tpu.memory_space<hbm>> -> memref<1x2x128xi32, #tpu.memory_space<hbm>>
      %dma_start3A_140 = tpu.memref_squeeze %dma_start3A_139 : memref<1x2x128xi32, #tpu.memory_space<hbm>> -> memref<2x128xi32, #tpu.memory_space<hbm>>
      %dma_start3A_141 = arith.constant 0 : i32
      %dma_start3A_142 = arith.constant 0 : i32
      %dma_start3A_143 = tpu.memref_slice %arg3[%add3A_136, %dma_start3A_141, %dma_start3A_142] : memref<2560x2x128xi32, #tpu.memory_space<hbm>> -> memref<1x2x128xi32, #tpu.memory_space<hbm>>
      %dma_start3A_144 = tpu.memref_squeeze %dma_start3A_143 : memref<1x2x128xi32, #tpu.memory_space<hbm>> -> memref<2x128xi32, #tpu.memory_space<hbm>>
      tpu.enqueue_dma source(%dma_start3A_144 : memref<2x128xi32, #tpu.memory_space<hbm>>) target(%arg5 : memref<2x128xi32, #tpu.memory_space<vmem>>) target_semaphore(%arg12 : memref<!tpu.dma_semaphore, #tpu.memory_space<semaphore_mem>>)
      %dma_wait3A_145 = arith.constant 0 : i32
      %dma_wait3A_146 = arith.constant 0 : i32
      %dma_wait3A_147 = tpu.memref_slice %arg5[%dma_wait3A_145, %dma_wait3A_146] : memref<2x128xi32, #tpu.memory_space<vmem>> -> memref<1x128xi32, #tpu.memory_space<vmem>>
      %dma_wait3A_148 = tpu.memref_squeeze %dma_wait3A_147 : memref<1x128xi32, #tpu.memory_space<vmem>> -> memref<128xi32, #tpu.memory_space<vmem>>
      %dma_wait3A_149 = arith.constant 0 : i32
      %dma_wait3A_150 = arith.constant 0 : i32
      %dma_wait3A_151 = tpu.memref_slice %arg2[%dma_wait3A_149, %dma_wait3A_150] : memref<10000x128xf32, #tpu.memory_space<hbm>> -> memref<10000x128xf32, #tpu.memory_space<hbm>>
      tpu.wait_indirect_dma semaphore(%arg11 : memref<!tpu.dma_semaphore, #tpu.memory_space<semaphore_mem>>) src(%dma_wait3A_151 : memref<10000x128xf32, #tpu.memory_space<hbm>>) dst(%arg8 : memref<128x128xf32, #tpu.memory_space<vmem>>)
      %run_scoped3A_152 = arith.constant 1 : i32
      "tpu.region"() ({
        %run_scoped3A_180 = tpu.sem_alloc : memref<!tpu.dma_semaphore, #tpu.memory_space<semaphore_mem>>
        %dma_start3A_181 = arith.constant 0 : i32
        %dma_start3A_182 = tpu.memref_slice %arg6[%run_scoped3A_152, %dma_start3A_181] : memref<2x128xi32, #tpu.memory_space<vmem>> -> memref<1x128xi32, #tpu.memory_space<vmem>>
        %dma_start3A_183 = tpu.memref_squeeze %dma_start3A_182 : memref<1x128xi32, #tpu.memory_space<vmem>> -> memref<128xi32, #tpu.memory_space<vmem>>
        %dma_start3A_184 = arith.constant 0 : i32
        %dma_start3A_185 = arith.constant 0 : i32
        %dma_start3A_186 = tpu.memref_slice %arg9[%dma_start3A_184, %dma_start3A_185] : memref<10240x128xf32, #tpu.memory_space<vmem_shared>> -> memref<10240x128xf32, #tpu.memory_space<vmem_shared>>
        tpu.enqueue_indirect_dma source(%arg8 : memref<128x128xf32, #tpu.memory_space<vmem>>) target(%dma_start3A_186 : memref<10240x128xf32, #tpu.memory_space<vmem_shared>>) offsets(%dma_start3A_183 : memref<128xi32, #tpu.memory_space<vmem>>) semaphore(%run_scoped3A_180 : memref<!tpu.dma_semaphore, #tpu.memory_space<semaphore_mem>>) {add = true}
        %dma_wait3A_187 = arith.constant 0 : i32
        %dma_wait3A_188 = tpu.memref_slice %arg6[%run_scoped3A_152, %dma_wait3A_187] : memref<2x128xi32, #tpu.memory_space<vmem>> -> memref<1x128xi32, #tpu.memory_space<vmem>>
        %dma_wait3A_189 = tpu.memref_squeeze %dma_wait3A_188 : memref<1x128xi32, #tpu.memory_space<vmem>> -> memref<128xi32, #tpu.memory_space<vmem>>
        %dma_wait3A_190 = arith.constant 0 : i32
        %dma_wait3A_191 = arith.constant 0 : i32
        %dma_wait3A_192 = tpu.memref_slice %arg9[%dma_wait3A_190, %dma_wait3A_191] : memref<10240x128xf32, #tpu.memory_space<vmem_shared>> -> memref<10240x128xf32, #tpu.memory_space<vmem_shared>>
        tpu.wait_indirect_dma semaphore(%run_scoped3A_180 : memref<!tpu.dma_semaphore, #tpu.memory_space<semaphore_mem>>) src(%arg8 : memref<128x128xf32, #tpu.memory_space<vmem>>) dst(%dma_wait3A_192 : memref<10240x128xf32, #tpu.memory_space<vmem_shared>>)
        tpu.yield
      }) : () -> ()
      %dma_wait3A_153 = arith.constant 0 : i32
      %dma_wait3A_154 = arith.constant 0 : i32
      %dma_wait3A_155 = tpu.memref_slice %arg3[%select_n3A_10, %dma_wait3A_153, %dma_wait3A_154] : memref<2560x2x128xi32, #tpu.memory_space<hbm>> -> memref<1x2x128xi32, #tpu.memory_space<hbm>>
      %dma_wait3A_156 = tpu.memref_squeeze %dma_wait3A_155 : memref<1x2x128xi32, #tpu.memory_space<hbm>> -> memref<2x128xi32, #tpu.memory_space<hbm>>
      %dma_wait3A_157 = arith.constant 0 : i32
      %dma_wait3A_158 = arith.constant 0 : i32
      %dma_wait3A_159 = tpu.memref_slice %arg3[%select_n3A_10, %dma_wait3A_157, %dma_wait3A_158] : memref<2560x2x128xi32, #tpu.memory_space<hbm>> -> memref<1x2x128xi32, #tpu.memory_space<hbm>>
      %dma_wait3A_160 = tpu.memref_squeeze %dma_wait3A_159 : memref<1x2x128xi32, #tpu.memory_space<hbm>> -> memref<2x128xi32, #tpu.memory_space<hbm>>
      tpu.wait_dma2 semaphore(%arg12 : memref<!tpu.dma_semaphore, #tpu.memory_space<semaphore_mem>>) src(%dma_wait3A_160 : memref<2x128xi32, #tpu.memory_space<hbm>>) dst(%arg5 : memref<2x128xi32, #tpu.memory_space<vmem>>)
      %dma_start3A_161 = arith.constant 0 : i32
      %dma_start3A_162 = arith.constant 0 : i32
      %dma_start3A_163 = tpu.memref_slice %arg5[%dma_start3A_161, %dma_start3A_162] : memref<2x128xi32, #tpu.memory_space<vmem>> -> memref<1x128xi32, #tpu.memory_space<vmem>>
      %dma_start3A_164 = tpu.memref_squeeze %dma_start3A_163 : memref<1x128xi32, #tpu.memory_space<vmem>> -> memref<128xi32, #tpu.memory_space<vmem>>
      %dma_start3A_165 = arith.constant 0 : i32
      %dma_start3A_166 = arith.constant 0 : i32
      %dma_start3A_167 = tpu.memref_slice %arg2[%dma_start3A_165, %dma_start3A_166] : memref<10000x128xf32, #tpu.memory_space<hbm>> -> memref<10000x128xf32, #tpu.memory_space<hbm>>
      tpu.enqueue_indirect_dma source(%dma_start3A_167 : memref<10000x128xf32, #tpu.memory_space<hbm>>) target(%arg7 : memref<128x128xf32, #tpu.memory_space<vmem>>) offsets(%dma_start3A_164 : memref<128xi32, #tpu.memory_space<vmem>>) semaphore(%arg10 : memref<!tpu.dma_semaphore, #tpu.memory_space<semaphore_mem>>)
      %add3A_168 = arith.constant 3 : i32
      %add3A_169 = arith.addi %mul3A_110, %add3A_168 : i32
      %add3A_170 = arith.addi %select_n3A_10, %add3A_169 : i32
      %dma_start3A_171 = arith.constant 0 : i32
      %dma_start3A_172 = arith.constant 0 : i32
      %dma_start3A_173 = tpu.memref_slice %arg3[%add3A_170, %dma_start3A_171, %dma_start3A_172] : memref<2560x2x128xi32, #tpu.memory_space<hbm>> -> memref<1x2x128xi32, #tpu.memory_space<hbm>>
      %dma_start3A_174 = tpu.memref_squeeze %dma_start3A_173 : memref<1x2x128xi32, #tpu.memory_space<hbm>> -> memref<2x128xi32, #tpu.memory_space<hbm>>
      %dma_start3A_175 = arith.constant 0 : i32
      %dma_start3A_176 = arith.constant 0 : i32
      %dma_start3A_177 = tpu.memref_slice %arg3[%add3A_170, %dma_start3A_175, %dma_start3A_176] : memref<2560x2x128xi32, #tpu.memory_space<hbm>> -> memref<1x2x128xi32, #tpu.memory_space<hbm>>
      %dma_start3A_178 = tpu.memref_squeeze %dma_start3A_177 : memref<1x2x128xi32, #tpu.memory_space<hbm>> -> memref<2x128xi32, #tpu.memory_space<hbm>>
      tpu.enqueue_dma source(%dma_start3A_178 : memref<2x128xi32, #tpu.memory_space<hbm>>) target(%arg6 : memref<2x128xi32, #tpu.memory_space<vmem>>) target_semaphore(%arg13 : memref<!tpu.dma_semaphore, #tpu.memory_space<semaphore_mem>>)
      %while3A_179 = arith.constant 0 : i32
      scf.yield %while3A_179 : i32
    }
    %while3A_72 = arith.constant 1 : i32
    %while3A_73 = scf.for %while3A_107 = %while3A_69 to %while3A_65 step %while3A_72 iter_args(%while3A_108 = %while3A_71) -> (i32)  : i32 {
      %mul3A_109 = arith.constant 2 : i32
      %mul3A_110 = arith.muli %mul3A_109, %while3A_107 : i32
      %dma_wait3A_111 = arith.constant 0 : i32
      %dma_wait3A_112 = arith.constant 0 : i32
      %dma_wait3A_113 = tpu.memref_slice %arg3[%select_n3A_10, %dma_wait3A_111, %dma_wait3A_112] : memref<2560x2x128xi32, #tpu.memory_space<hbm>> -> memref<1x2x128xi32, #tpu.memory_space<hbm>>
      %dma_wait3A_114 = tpu.memref_squeeze %dma_wait3A_113 : memref<1x2x128xi32, #tpu.memory_space<hbm>> -> memref<2x128xi32, #tpu.memory_space<hbm>>
      %dma_wait3A_115 = arith.constant 0 : i32
      %dma_wait3A_116 = arith.constant 0 : i32
      %dma_wait3A_117 = tpu.memref_slice %arg3[%select_n3A_10, %dma_wait3A_115, %dma_wait3A_116] : memref<2560x2x128xi32, #tpu.memory_space<hbm>> -> memref<1x2x128xi32, #tpu.memory_space<hbm>>
      %dma_wait3A_118 = tpu.memref_squeeze %dma_wait3A_117 : memref<1x2x128xi32, #tpu.memory_space<hbm>> -> memref<2x128xi32, #tpu.memory_space<hbm>>
      tpu.wait_dma2 semaphore(%arg13 : memref<!tpu.dma_semaphore, #tpu.memory_space<semaphore_mem>>) src(%dma_wait3A_118 : memref<2x128xi32, #tpu.memory_space<hbm>>) dst(%arg6 : memref<2x128xi32, #tpu.memory_space<vmem>>)
      %dma_start3A_119 = arith.constant 0 : i32
      %dma_start3A_120 = arith.constant 0 : i32
      %dma_start3A_121 = tpu.memref_slice %arg6[%dma_start3A_119, %dma_start3A_120] : memref<2x128xi32, #tpu.memory_space<vmem>> -> memref<1x128xi32, #tpu.memory_space<vmem>>
      %dma_start3A_122 = tpu.memref_squeeze %dma_start3A_121 : memref<1x128xi32, #tpu.memory_space<vmem>> -> memref<128xi32, #tpu.memory_space<vmem>>
      %dma_start3A_123 = arith.constant 0 : i32
      %dma_start3A_124 = arith.constant 0 : i32
      %dma_start3A_125 = tpu.memref_slice %arg2[%dma_start3A_123, %dma_start3A_124] : memref<10000x128xf32, #tpu.memory_space<hbm>> -> memref<10000x128xf32, #tpu.memory_space<hbm>>
      tpu.enqueue_indirect_dma source(%dma_start3A_125 : memref<10000x128xf32, #tpu.memory_space<hbm>>) target(%arg8 : memref<128x128xf32, #tpu.memory_space<vmem>>) offsets(%dma_start3A_122 : memref<128xi32, #tpu.memory_space<vmem>>) semaphore(%arg11 : memref<!tpu.dma_semaphore, #tpu.memory_space<semaphore_mem>>)
      %dma_wait3A_126 = arith.constant 0 : i32
      %dma_wait3A_127 = arith.constant 0 : i32
      %dma_wait3A_128 = tpu.memref_slice %arg5[%dma_wait3A_126, %dma_wait3A_127] : memref<2x128xi32, #tpu.memory_space<vmem>> -> memref<1x128xi32, #tpu.memory_space<vmem>>
      %dma_wait3A_129 = tpu.memref_squeeze %dma_wait3A_128 : memref<1x128xi32, #tpu.memory_space<vmem>> -> memref<128xi32, #tpu.memory_space<vmem>>
      %dma_wait3A_130 = arith.constant 0 : i32
      %dma_wait3A_131 = arith.constant 0 : i32
      %dma_wait3A_132 = tpu.memref_slice %arg2[%dma_wait3A_130, %dma_wait3A_131] : memref<10000x128xf32, #tpu.memory_space<hbm>> -> memref<10000x128xf32, #tpu.memory_space<hbm>>
      tpu.wait_indirect_dma semaphore(%arg10 : memref<!tpu.dma_semaphore, #tpu.memory_space<semaphore_mem>>) src(%dma_wait3A_132 : memref<10000x128xf32, #tpu.memory_space<hbm>>) dst(%arg7 : memref<128x128xf32, #tpu.memory_space<vmem>>)
      %run_scoped3A_133 = arith.constant 1 : i32
      "tpu.region"() ({
        %run_scoped3A_180 = tpu.sem_alloc : memref<!tpu.dma_semaphore, #tpu.memory_space<semaphore_mem>>
        %dma_start3A_181 = arith.constant 0 : i32
        %dma_start3A_182 = tpu.memref_slice %arg5[%run_scoped3A_133, %dma_start3A_181] : memref<2x128xi32, #tpu.memory_space<vmem>> -> memref<1x128xi32, #tpu.memory_space<vmem>>
        %dma_start3A_183 = tpu.memref_squeeze %dma_start3A_182 : memref<1x128xi32, #tpu.memory_space<vmem>> -> memref<128xi32, #tpu.memory_space<vmem>>
        %dma_start3A_184 = arith.constant 0 : i32
        %dma_start3A_185 = arith.constant 0 : i32
        %dma_start3A_186 = tpu.memref_slice %arg9[%dma_start3A_184, %dma_start3A_185] : memref<10240x128xf32, #tpu.memory_space<vmem_shared>> -> memref<10240x128xf32, #tpu.memory_space<vmem_shared>>
        tpu.enqueue_indirect_dma source(%arg7 : memref<128x128xf32, #tpu.memory_space<vmem>>) target(%dma_start3A_186 : memref<10240x128xf32, #tpu.memory_space<vmem_shared>>) offsets(%dma_start3A_183 : memref<128xi32, #tpu.memory_space<vmem>>) semaphore(%run_scoped3A_180 : memref<!tpu.dma_semaphore, #tpu.memory_space<semaphore_mem>>) {add = true}
        %dma_wait3A_187 = arith.constant 0 : i32
        %dma_wait3A_188 = tpu.memref_slice %arg5[%run_scoped3A_133, %dma_wait3A_187] : memref<2x128xi32, #tpu.memory_space<vmem>> -> memref<1x128xi32, #tpu.memory_space<vmem>>
        %dma_wait3A_189 = tpu.memref_squeeze %dma_wait3A_188 : memref<1x128xi32, #tpu.memory_space<vmem>> -> memref<128xi32, #tpu.memory_space<vmem>>
        %dma_wait3A_190 = arith.constant 0 : i32
        %dma_wait3A_191 = arith.constant 0 : i32
        %dma_wait3A_192 = tpu.memref_slice %arg9[%dma_wait3A_190, %dma_wait3A_191] : memref<10240x128xf32, #tpu.memory_space<vmem_shared>> -> memref<10240x128xf32, #tpu.memory_space<vmem_shared>>
        tpu.wait_indirect_dma semaphore(%run_scoped3A_180 : memref<!tpu.dma_semaphore, #tpu.memory_space<semaphore_mem>>) src(%arg7 : memref<128x128xf32, #tpu.memory_space<vmem>>) dst(%dma_wait3A_192 : memref<10240x128xf32, #tpu.memory_space<vmem_shared>>)
        tpu.yield
      }) : () -> ()
      %add3A_134 = arith.constant 2 : i32
      %add3A_135 = arith.addi %mul3A_110, %add3A_134 : i32
      %add3A_136 = arith.addi %select_n3A_10, %add3A_135 : i32
      %dma_start3A_137 = arith.constant 0 : i32
      %dma_start3A_138 = arith.constant 0 : i32
      %dma_start3A_139 = tpu.memref_slice %arg3[%add3A_136, %dma_start3A_137, %dma_start3A_138] : memref<2560x2x128xi32, #tpu.memory_space<hbm>> -> memref<1x2x128xi32, #tpu.memory_space<hbm>>
      %dma_start3A_140 = tpu.memref_squeeze %dma_start3A_139 : memref<1x2x128xi32, #tpu.memory_space<hbm>> -> memref<2x128xi32, #tpu.memory_space<hbm>>
      %dma_start3A_141 = arith.constant 0 : i32
      %dma_start3A_142 = arith.constant 0 : i32
      %dma_start3A_143 = tpu.memref_slice %arg3[%add3A_136, %dma_start3A_141, %dma_start3A_142] : memref<2560x2x128xi32, #tpu.memory_space<hbm>> -> memref<1x2x128xi32, #tpu.memory_space<hbm>>
      %dma_start3A_144 = tpu.memref_squeeze %dma_start3A_143 : memref<1x2x128xi32, #tpu.memory_space<hbm>> -> memref<2x128xi32, #tpu.memory_space<hbm>>
      tpu.enqueue_dma source(%dma_start3A_144 : memref<2x128xi32, #tpu.memory_space<hbm>>) target(%arg5 : memref<2x128xi32, #tpu.memory_space<vmem>>) target_semaphore(%arg12 : memref<!tpu.dma_semaphore, #tpu.memory_space<semaphore_mem>>)
      %dma_wait3A_145 = arith.constant 0 : i32
      %dma_wait3A_146 = arith.constant 0 : i32
      %dma_wait3A_147 = tpu.memref_slice %arg5[%dma_wait3A_145, %dma_wait3A_146] : memref<2x128xi32, #tpu.memory_space<vmem>> -> memref<1x128xi32, #tpu.memory_space<vmem>>
      %dma_wait3A_148 = tpu.memref_squeeze %dma_wait3A_147 : memref<1x128xi32, #tpu.memory_space<vmem>> -> memref<128xi32, #tpu.memory_space<vmem>>
      %dma_wait3A_149 = arith.constant 0 : i32
      %dma_wait3A_150 = arith.constant 0 : i32
      %dma_wait3A_151 = tpu.memref_slice %arg2[%dma_wait3A_149, %dma_wait3A_150] : memref<10000x128xf32, #tpu.memory_space<hbm>> -> memref<10000x128xf32, #tpu.memory_space<hbm>>
      tpu.wait_indirect_dma semaphore(%arg11 : memref<!tpu.dma_semaphore, #tpu.memory_space<semaphore_mem>>) src(%dma_wait3A_151 : memref<10000x128xf32, #tpu.memory_space<hbm>>) dst(%arg8 : memref<128x128xf32, #tpu.memory_space<vmem>>)
      %run_scoped3A_152 = arith.constant 1 : i32
      "tpu.region"() ({
        %run_scoped3A_180 = tpu.sem_alloc : memref<!tpu.dma_semaphore, #tpu.memory_space<semaphore_mem>>
        %dma_start3A_181 = arith.constant 0 : i32
        %dma_start3A_182 = tpu.memref_slice %arg6[%run_scoped3A_152, %dma_start3A_181] : memref<2x128xi32, #tpu.memory_space<vmem>> -> memref<1x128xi32, #tpu.memory_space<vmem>>
        %dma_start3A_183 = tpu.memref_squeeze %dma_start3A_182 : memref<1x128xi32, #tpu.memory_space<vmem>> -> memref<128xi32, #tpu.memory_space<vmem>>
        %dma_start3A_184 = arith.constant 0 : i32
        %dma_start3A_185 = arith.constant 0 : i32
        %dma_start3A_186 = tpu.memref_slice %arg9[%dma_start3A_184, %dma_start3A_185] : memref<10240x128xf32, #tpu.memory_space<vmem_shared>> -> memref<10240x128xf32, #tpu.memory_space<vmem_shared>>
        tpu.enqueue_indirect_dma source(%arg8 : memref<128x128xf32, #tpu.memory_space<vmem>>) target(%dma_start3A_186 : memref<10240x128xf32, #tpu.memory_space<vmem_shared>>) offsets(%dma_start3A_183 : memref<128xi32, #tpu.memory_space<vmem>>) semaphore(%run_scoped3A_180 : memref<!tpu.dma_semaphore, #tpu.memory_space<semaphore_mem>>) {add = true}
        %dma_wait3A_187 = arith.constant 0 : i32
        %dma_wait3A_188 = tpu.memref_slice %arg6[%run_scoped3A_152, %dma_wait3A_187] : memref<2x128xi32, #tpu.memory_space<vmem>> -> memref<1x128xi32, #tpu.memory_space<vmem>>
        %dma_wait3A_189 = tpu.memref_squeeze %dma_wait3A_188 : memref<1x128xi32, #tpu.memory_space<vmem>> -> memref<128xi32, #tpu.memory_space<vmem>>
        %dma_wait3A_190 = arith.constant 0 : i32
        %dma_wait3A_191 = arith.constant 0 : i32
        %dma_wait3A_192 = tpu.memref_slice %arg9[%dma_wait3A_190, %dma_wait3A_191] : memref<10240x128xf32, #tpu.memory_space<vmem_shared>> -> memref<10240x128xf32, #tpu.memory_space<vmem_shared>>
        tpu.wait_indirect_dma semaphore(%run_scoped3A_180 : memref<!tpu.dma_semaphore, #tpu.memory_space<semaphore_mem>>) src(%arg8 : memref<128x128xf32, #tpu.memory_space<vmem>>) dst(%dma_wait3A_192 : memref<10240x128xf32, #tpu.memory_space<vmem_shared>>)
        tpu.yield
      }) : () -> ()
      %dma_wait3A_153 = arith.constant 0 : i32
      %dma_wait3A_154 = arith.constant 0 : i32
      %dma_wait3A_155 = tpu.memref_slice %arg3[%select_n3A_10, %dma_wait3A_153, %dma_wait3A_154] : memref<2560x2x128xi32, #tpu.memory_space<hbm>> -> memref<1x2x128xi32, #tpu.memory_space<hbm>>
      %dma_wait3A_156 = tpu.memref_squeeze %dma_wait3A_155 : memref<1x2x128xi32, #tpu.memory_space<hbm>> -> memref<2x128xi32, #tpu.memory_space<hbm>>
      %dma_wait3A_157 = arith.constant 0 : i32
      %dma_wait3A_158 = arith.constant 0 : i32
      %dma_wait3A_159 = tpu.memref_slice %arg3[%select_n3A_10, %dma_wait3A_157, %dma_wait3A_158] : memref<2560x2x128xi32, #tpu.memory_space<hbm>> -> memref<1x2x128xi32, #tpu.memory_space<hbm>>
      %dma_wait3A_160 = tpu.memref_squeeze %dma_wait3A_159 : memref<1x2x128xi32, #tpu.memory_space<hbm>> -> memref<2x128xi32, #tpu.memory_space<hbm>>
      tpu.wait_dma2 semaphore(%arg12 : memref<!tpu.dma_semaphore, #tpu.memory_space<semaphore_mem>>) src(%dma_wait3A_160 : memref<2x128xi32, #tpu.memory_space<hbm>>) dst(%arg5 : memref<2x128xi32, #tpu.memory_space<vmem>>)
      %dma_start3A_161 = arith.constant 0 : i32
      %dma_start3A_162 = arith.constant 0 : i32
      %dma_start3A_163 = tpu.memref_slice %arg5[%dma_start3A_161, %dma_start3A_162] : memref<2x128xi32, #tpu.memory_space<vmem>> -> memref<1x128xi32, #tpu.memory_space<vmem>>
      %dma_start3A_164 = tpu.memref_squeeze %dma_start3A_163 : memref<1x128xi32, #tpu.memory_space<vmem>> -> memref<128xi32, #tpu.memory_space<vmem>>
      %dma_start3A_165 = arith.constant 0 : i32
      %dma_start3A_166 = arith.constant 0 : i32
      %dma_start3A_167 = tpu.memref_slice %arg2[%dma_start3A_165, %dma_start3A_166] : memref<10000x128xf32, #tpu.memory_space<hbm>> -> memref<10000x128xf32, #tpu.memory_space<hbm>>
      tpu.enqueue_indirect_dma source(%dma_start3A_167 : memref<10000x128xf32, #tpu.memory_space<hbm>>) target(%arg7 : memref<128x128xf32, #tpu.memory_space<vmem>>) offsets(%dma_start3A_164 : memref<128xi32, #tpu.memory_space<vmem>>) semaphore(%arg10 : memref<!tpu.dma_semaphore, #tpu.memory_space<semaphore_mem>>)
      %add3A_168 = arith.constant 3 : i32
      %add3A_169 = arith.addi %mul3A_110, %add3A_168 : i32
      %add3A_170 = arith.addi %select_n3A_10, %add3A_169 : i32
      %dma_start3A_171 = arith.constant 0 : i32
      %dma_start3A_172 = arith.constant 0 : i32
      %dma_start3A_173 = tpu.memref_slice %arg3[%add3A_170, %dma_start3A_171, %dma_start3A_172] : memref<2560x2x128xi32, #tpu.memory_space<hbm>> -> memref<1x2x128xi32, #tpu.memory_space<hbm>>
      %dma_start3A_174 = tpu.memref_squeeze %dma_start3A_173 : memref<1x2x128xi32, #tpu.memory_space<hbm>> -> memref<2x128xi32, #tpu.memory_space<hbm>>
      %dma_start3A_175 = arith.constant 0 : i32
      %dma_start3A_176 = arith.constant 0 : i32
      %dma_start3A_177 = tpu.memref_slice %arg3[%add3A_170, %dma_start3A_175, %dma_start3A_176] : memref<2560x2x128xi32, #tpu.memory_space<hbm>> -> memref<1x2x128xi32, #tpu.memory_space<hbm>>
      %dma_start3A_178 = tpu.memref_squeeze %dma_start3A_177 : memref<1x2x128xi32, #tpu.memory_space<hbm>> -> memref<2x128xi32, #tpu.memory_space<hbm>>
      tpu.enqueue_dma source(%dma_start3A_178 : memref<2x128xi32, #tpu.memory_space<hbm>>) target(%arg6 : memref<2x128xi32, #tpu.memory_space<vmem>>) target_semaphore(%arg13 : memref<!tpu.dma_semaphore, #tpu.memory_space<semaphore_mem>>)
      %while3A_179 = arith.constant 0 : i32
      scf.yield %while3A_179 : i32
    }
    %dma_wait3A = arith.constant 0 : i32
    %dma_wait3A_74 = arith.constant 0 : i32
    %dma_wait3A_75 = tpu.memref_slice %arg3[%select_n3A_10, %dma_wait3A, %dma_wait3A_74] : memref<2560x2x128xi32, #tpu.memory_space<hbm>> -> memref<1x2x128xi32, #tpu.memory_space<hbm>>
    %dma_wait3A_76 = tpu.memref_squeeze %dma_wait3A_75 : memref<1x2x128xi32, #tpu.memory_space<hbm>> -> memref<2x128xi32, #tpu.memory_space<hbm>>
    %dma_wait3A_77 = arith.constant 0 : i32
    %dma_wait3A_78 = arith.constant 0 : i32
    %dma_wait3A_79 = tpu.memref_slice %arg3[%select_n3A_10, %dma_wait3A_77, %dma_wait3A_78] : memref<2560x2x128xi32, #tpu.memory_space<hbm>> -> memref<1x2x128xi32, #tpu.memory_space<hbm>>
    %dma_wait3A_80 = tpu.memref_squeeze %dma_wait3A_79 : memref<1x2x128xi32, #tpu.memory_space<hbm>> -> memref<2x128xi32, #tpu.memory_space<hbm>>
    tpu.wait_dma2 semaphore(%arg13 : memref<!tpu.dma_semaphore, #tpu.memory_space<semaphore_mem>>) src(%dma_wait3A_80 : memref<2x128xi32, #tpu.memory_space<hbm>>) dst(%arg6 : memref<2x128xi32, #tpu.memory_space<vmem>>)
    %dma_start3A_81 = arith.constant 0 : i32
    %dma_start3A_82 = arith.constant 0 : i32
    %dma_start3A_83 = tpu.memref_slice %arg6[%dma_start3A_81, %dma_start3A_82] : memref<2x128xi32, #tpu.memory_space<vmem>> -> memref<1x128xi32, #tpu.memory_space<vmem>>
    %dma_start3A_84 = tpu.memref_squeeze %dma_start3A_83 : memref<1x128xi32, #tpu.memory_space<vmem>> -> memref<128xi32, #tpu.memory_space<vmem>>
    %dma_start3A_85 = arith.constant 0 : i32
    %dma_start3A_86 = arith.constant 0 : i32
    %dma_start3A_87 = tpu.memref_slice %arg2[%dma_start3A_85, %dma_start3A_86] : memref<10000x128xf32, #tpu.memory_space<hbm>> -> memref<10000x128xf32, #tpu.memory_space<hbm>>
    tpu.enqueue_indirect_dma source(%dma_start3A_87 : memref<10000x128xf32, #tpu.memory_space<hbm>>) target(%arg8 : memref<128x128xf32, #tpu.memory_space<vmem>>) offsets(%dma_start3A_84 : memref<128xi32, #tpu.memory_space<vmem>>) semaphore(%arg11 : memref<!tpu.dma_semaphore, #tpu.memory_space<semaphore_mem>>)
    %dma_wait3A_88 = arith.constant 0 : i32
    %dma_wait3A_89 = arith.constant 0 : i32
    %dma_wait3A_90 = tpu.memref_slice %arg5[%dma_wait3A_88, %dma_wait3A_89] : memref<2x128xi32, #tpu.memory_space<vmem>> -> memref<1x128xi32, #tpu.memory_space<vmem>>
    %dma_wait3A_91 = tpu.memref_squeeze %dma_wait3A_90 : memref<1x128xi32, #tpu.memory_space<vmem>> -> memref<128xi32, #tpu.memory_space<vmem>>
    %dma_wait3A_92 = arith.constant 0 : i32
    %dma_wait3A_93 = arith.constant 0 : i32
    %dma_wait3A_94 = tpu.memref_slice %arg2[%dma_wait3A_92, %dma_wait3A_93] : memref<10000x128xf32, #tpu.memory_space<hbm>> -> memref<10000x128xf32, #tpu.memory_space<hbm>>
    tpu.wait_indirect_dma semaphore(%arg10 : memref<!tpu.dma_semaphore, #tpu.memory_space<semaphore_mem>>) src(%dma_wait3A_94 : memref<10000x128xf32, #tpu.memory_space<hbm>>) dst(%arg7 : memref<128x128xf32, #tpu.memory_space<vmem>>)
    %run_scoped3A = arith.constant 1 : i32
    "tpu.region"() ({
      %run_scoped3A_107 = tpu.sem_alloc : memref<!tpu.dma_semaphore, #tpu.memory_space<semaphore_mem>>
      %dma_start3A_108 = arith.constant 0 : i32
      %dma_start3A_109 = tpu.memref_slice %arg5[%run_scoped3A, %dma_start3A_108] : memref<2x128xi32, #tpu.memory_space<vmem>> -> memref<1x128xi32, #tpu.memory_space<vmem>>
      %dma_start3A_110 = tpu.memref_squeeze %dma_start3A_109 : memref<1x128xi32, #tpu.memory_space<vmem>> -> memref<128xi32, #tpu.memory_space<vmem>>
      %dma_start3A_111 = arith.constant 0 : i32
      %dma_start3A_112 = arith.constant 0 : i32
      %dma_start3A_113 = tpu.memref_slice %arg9[%dma_start3A_111, %dma_start3A_112] : memref<10240x128xf32, #tpu.memory_space<vmem_shared>> -> memref<10240x128xf32, #tpu.memory_space<vmem_shared>>
      tpu.enqueue_indirect_dma source(%arg7 : memref<128x128xf32, #tpu.memory_space<vmem>>) target(%dma_start3A_113 : memref<10240x128xf32, #tpu.memory_space<vmem_shared>>) offsets(%dma_start3A_110 : memref<128xi32, #tpu.memory_space<vmem>>) semaphore(%run_scoped3A_107 : memref<!tpu.dma_semaphore, #tpu.memory_space<semaphore_mem>>) {add = true}
      %dma_wait3A_114 = arith.constant 0 : i32
      %dma_wait3A_115 = tpu.memref_slice %arg5[%run_scoped3A, %dma_wait3A_114] : memref<2x128xi32, #tpu.memory_space<vmem>> -> memref<1x128xi32, #tpu.memory_space<vmem>>
      %dma_wait3A_116 = tpu.memref_squeeze %dma_wait3A_115 : memref<1x128xi32, #tpu.memory_space<vmem>> -> memref<128xi32, #tpu.memory_space<vmem>>
      %dma_wait3A_117 = arith.constant 0 : i32
      %dma_wait3A_118 = arith.constant 0 : i32
      %dma_wait3A_119 = tpu.memref_slice %arg9[%dma_wait3A_117, %dma_wait3A_118] : memref<10240x128xf32, #tpu.memory_space<vmem_shared>> -> memref<10240x128xf32, #tpu.memory_space<vmem_shared>>
      tpu.wait_indirect_dma semaphore(%run_scoped3A_107 : memref<!tpu.dma_semaphore, #tpu.memory_space<semaphore_mem>>) src(%arg7 : memref<128x128xf32, #tpu.memory_space<vmem>>) dst(%dma_wait3A_119 : memref<10240x128xf32, #tpu.memory_space<vmem_shared>>)
      tpu.yield
    }) : () -> ()
    %dma_wait3A_95 = arith.constant 0 : i32
    %dma_wait3A_96 = arith.constant 0 : i32
    %dma_wait3A_97 = tpu.memref_slice %arg5[%dma_wait3A_95, %dma_wait3A_96] : memref<2x128xi32, #tpu.memory_space<vmem>> -> memref<1x128xi32, #tpu.memory_space<vmem>>
    %dma_wait3A_98 = tpu.memref_squeeze %dma_wait3A_97 : memref<1x128xi32, #tpu.memory_space<vmem>> -> memref<128xi32, #tpu.memory_space<vmem>>
    %dma_wait3A_99 = arith.constant 0 : i32
    %dma_wait3A_100 = arith.constant 0 : i32
    %dma_wait3A_101 = tpu.memref_slice %arg2[%dma_wait3A_99, %dma_wait3A_100] : memref<10000x128xf32, #tpu.memory_space<hbm>> -> memref<10000x128xf32, #tpu.memory_space<hbm>>
    tpu.wait_indirect_dma semaphore(%arg11 : memref<!tpu.dma_semaphore, #tpu.memory_space<semaphore_mem>>) src(%dma_wait3A_101 : memref<10000x128xf32, #tpu.memory_space<hbm>>) dst(%arg8 : memref<128x128xf32, #tpu.memory_space<vmem>>)
    %run_scoped3A_102 = arith.constant 1 : i32
    "tpu.region"() ({
      %run_scoped3A_107 = tpu.sem_alloc : memref<!tpu.dma_semaphore, #tpu.memory_space<semaphore_mem>>
      %dma_start3A_108 = arith.constant 0 : i32
      %dma_start3A_109 = tpu.memref_slice %arg6[%run_scoped3A_102, %dma_start3A_108] : memref<2x128xi32, #tpu.memory_space<vmem>> -> memref<1x128xi32, #tpu.memory_space<vmem>>
      %dma_start3A_110 = tpu.memref_squeeze %dma_start3A_109 : memref<1x128xi32, #tpu.memory_space<vmem>> -> memref<128xi32, #tpu.memory_space<vmem>>
      %dma_start3A_111 = arith.constant 0 : i32
      %dma_start3A_112 = arith.constant 0 : i32
      %dma_start3A_113 = tpu.memref_slice %arg9[%dma_start3A_111, %dma_start3A_112] : memref<10240x128xf32, #tpu.memory_space<vmem_shared>> -> memref<10240x128xf32, #tpu.memory_space<vmem_shared>>
      tpu.enqueue_indirect_dma source(%arg8 : memref<128x128xf32, #tpu.memory_space<vmem>>) target(%dma_start3A_113 : memref<10240x128xf32, #tpu.memory_space<vmem_shared>>) offsets(%dma_start3A_110 : memref<128xi32, #tpu.memory_space<vmem>>) semaphore(%run_scoped3A_107 : memref<!tpu.dma_semaphore, #tpu.memory_space<semaphore_mem>>) {add = true}
      %dma_wait3A_114 = arith.constant 0 : i32
      %dma_wait3A_115 = tpu.memref_slice %arg6[%run_scoped3A_102, %dma_wait3A_114] : memref<2x128xi32, #tpu.memory_space<vmem>> -> memref<1x128xi32, #tpu.memory_space<vmem>>
      %dma_wait3A_116 = tpu.memref_squeeze %dma_wait3A_115 : memref<1x128xi32, #tpu.memory_space<vmem>> -> memref<128xi32, #tpu.memory_space<vmem>>
      %dma_wait3A_117 = arith.constant 0 : i32
      %dma_wait3A_118 = arith.constant 0 : i32
      %dma_wait3A_119 = tpu.memref_slice %arg9[%dma_wait3A_117, %dma_wait3A_118] : memref<10240x128xf32, #tpu.memory_space<vmem_shared>> -> memref<10240x128xf32, #tpu.memory_space<vmem_shared>>
      tpu.wait_indirect_dma semaphore(%run_scoped3A_107 : memref<!tpu.dma_semaphore, #tpu.memory_space<semaphore_mem>>) src(%arg8 : memref<128x128xf32, #tpu.memory_space<vmem>>) dst(%dma_wait3A_119 : memref<10240x128xf32, #tpu.memory_space<vmem_shared>>)
      tpu.yield
    }) : () -> ()
    %barrier3A_103 = arith.constant 0 : index
    tpu.barrier barrier_id(%barrier3A_103)
    %mul3A_104 = arith.constant 10240 : i32
    %mul3A_105 = arith.muli %arg0, %mul3A_104 : i32
    %add3A_106 = arith.addi %mul3A_105, %mul3A_0 : i32
    "tpu.region"() ({
      %run_scoped3A_107 = tpu.sem_alloc : memref<!tpu.dma_semaphore, #tpu.memory_space<semaphore_mem>>
      %dma_start3A_108 = arith.constant 0 : i32
      %dma_start3A_109 = tpu.memref_slice %arg4[%add3A_106, %dma_start3A_108] : memref<20480x128xf32, #tpu.memory_space<hbm>> -> memref<640x128xf32, #tpu.memory_space<hbm>>
      %dma_start3A_110 = arith.constant 0 : i32
      %dma_start3A_111 = tpu.memref_slice %arg9[%mul3A_0, %dma_start3A_110] : memref<10240x128xf32, #tpu.memory_space<vmem_shared>> -> memref<640x128xf32, #tpu.memory_space<vmem_shared>>
      tpu.enqueue_dma source(%dma_start3A_111 : memref<640x128xf32, #tpu.memory_space<vmem_shared>>) target(%dma_start3A_109 : memref<640x128xf32, #tpu.memory_space<hbm>>) target_semaphore(%run_scoped3A_107 : memref<!tpu.dma_semaphore, #tpu.memory_space<semaphore_mem>>)
      %dma_wait3A_112 = arith.constant 0 : i32
      %dma_wait3A_113 = tpu.memref_slice %arg4[%add3A_106, %dma_wait3A_112] : memref<20480x128xf32, #tpu.memory_space<hbm>> -> memref<640x128xf32, #tpu.memory_space<hbm>>
      %dma_wait3A_114 = arith.constant 0 : i32
      %dma_wait3A_115 = tpu.memref_slice %arg9[%mul3A_0, %dma_wait3A_114] : memref<10240x128xf32, #tpu.memory_space<vmem_shared>> -> memref<640x128xf32, #tpu.memory_space<vmem_shared>>
      tpu.wait_dma2 semaphore(%run_scoped3A_107 : memref<!tpu.dma_semaphore, #tpu.memory_space<semaphore_mem>>) src(%dma_wait3A_115 : memref<640x128xf32, #tpu.memory_space<vmem_shared>>) dst(%dma_wait3A_113 : memref<640x128xf32, #tpu.memory_space<hbm>>)
      tpu.yield
    }) : () -> ()
    return
  }
}

module attributes {stable_mosaic.version = 14 : i64} {
  func.func @_scale_body(%arg0: i32, %arg1: memref<1000x1xf32, #tpu.memory_space<vmem>>, %arg2: memref<1000x1xf32, #tpu.memory_space<vmem>>, %arg3: memref<1000x128xf32, #tpu.memory_space<vmem>>, %arg4: memref<1000x128xf32, #tpu.memory_space<vmem>>) attributes {dimension_semantics = [#tpu.dimension_semantics<arbitrary>], iteration_bounds = array<i64: 10>, scalar_prefetch = 0 : i64, scratch_operands = 0 : i64, tpu.core_type = #tpu.core_type<tc>, window_params = [{transform_indices = @transform_0, window_bounds = array<i64: 1000, 1>}, {transform_indices = @transform_1, window_bounds = array<i64: 1000, 1>}, {transform_indices = @transform_2, window_bounds = array<i64: 1000, 128>}, {transform_indices = @transform_3, window_bounds = array<i64: 1000, 128>}]} {
    %get3A = arith.constant 0 : index
    %get3A_0 = arith.constant 0 : index
    %get3A_1 = vector.load %arg1[%get3A, %get3A_0] : memref<1000x1xf32, #tpu.memory_space<vmem>>, vector<1000x1xf32>
    %get3A_2 = arith.constant 0 : index
    %get3A_3 = arith.constant 0 : index
    %get3A_4 = vector.load %arg2[%get3A_2, %get3A_3] : memref<1000x1xf32, #tpu.memory_space<vmem>>, vector<1000x1xf32>
    %add3A = arith.addf %get3A_1, %get3A_4 : vector<1000x1xf32>
    %add3A_5 = arith.constant 1.000000e+00 : f32
    %add3A_6 = vector.broadcast %add3A_5 : f32 to vector<1000x1xf32>
    %add3A_7 = arith.addf %add3A, %add3A_6 : vector<1000x1xf32>
    %rsqrt3A = math.rsqrt %add3A_7 : vector<1000x1xf32>
    %get3A_8 = arith.constant 0 : index
    %get3A_9 = arith.constant 0 : index
    %get3A_10 = vector.load %arg3[%get3A_8, %get3A_9] : memref<1000x128xf32, #tpu.memory_space<vmem>>, vector<1000x128xf32>
    %mul3A = vector.broadcast %rsqrt3A : vector<1000x1xf32> to vector<1000x128xf32>
    %mul3A_11 = arith.mulf %get3A_10, %mul3A : vector<1000x128xf32>
    %swap3A = arith.constant 0 : index
    %swap3A_12 = arith.constant 0 : index
    %swap3A_13 = vector.load %arg4[%swap3A, %swap3A_12] : memref<1000x128xf32, #tpu.memory_space<vmem>>, vector<1000x128xf32>
    tpu.vector_store %arg4[%swap3A, %swap3A_12], %mul3A_11 {strides = array<i32>} : memref<1000x128xf32, #tpu.memory_space<vmem>>, vector<1000x128xf32>,
    return
  }
  func.func @transform_0(%arg0: i32) -> (i32, i32) {
    %c0_i32 = arith.constant 0 : i32
    %c0_i32_0 = arith.constant 0 : i32
    return %arg0, %c0_i32 : i32, i32
  }
  func.func @transform_1(%arg0: i32) -> (i32, i32) {
    %c0_i32 = arith.constant 0 : i32
    %c0_i32_0 = arith.constant 0 : i32
    return %arg0, %c0_i32 : i32, i32
  }
  func.func @transform_2(%arg0: i32) -> (i32, i32) {
    %c0_i32 = arith.constant 0 : i32
    %c0_i32_0 = arith.constant 0 : i32
    return %arg0, %c0_i32 : i32, i32
  }
  func.func @transform_3(%arg0: i32) -> (i32, i32) {
    %c0_i32 = arith.constant 0 : i32
    %c0_i32_0 = arith.constant 0 : i32
    return %arg0, %c0_i32 : i32, i32
  }
}

module attributes {stable_mosaic.version = 14 : i64} {
  func.func @_mlp_body(%arg0: i32, %arg1: memref<1000x128xf32, #tpu.memory_space<vmem>>, %arg2: memref<1000x128xf32, #tpu.memory_space<vmem>>, %arg3: memref<1000x1xf32, #tpu.memory_space<vmem>>, %arg4: memref<1000x1xf32, #tpu.memory_space<vmem>>, %arg5: memref<128x256xf32, #tpu.memory_space<vmem>>, %arg6: memref<256x128xf32, #tpu.memory_space<vmem>>, %arg7: memref<1000x128xf32, #tpu.memory_space<vmem>>) attributes {dimension_semantics = [#tpu.dimension_semantics<arbitrary>], iteration_bounds = array<i64: 10>, scalar_prefetch = 0 : i64, scratch_operands = 0 : i64, tpu.core_type = #tpu.core_type<tc>, window_params = [{transform_indices = @transform_0, window_bounds = array<i64: 1000, 128>}, {transform_indices = @transform_1, window_bounds = array<i64: 1000, 128>}, {transform_indices = @transform_2, window_bounds = array<i64: 1000, 1>}, {transform_indices = @transform_3, window_bounds = array<i64: 1000, 1>}, {pipeline_mode = #tpu.pipeline_mode<synchronous>, transform_indices = @transform_4, window_bounds = array<i64: 128, 256>}, {pipeline_mode = #tpu.pipeline_mode<synchronous>, transform_indices = @transform_5, window_bounds = array<i64: 256, 128>}, {transform_indices = @transform_6, window_bounds = array<i64: 1000, 128>}]} {
    %get3A = arith.constant 0 : index
    %get3A_0 = arith.constant 0 : index
    %get3A_1 = vector.load %arg3[%get3A, %get3A_0] : memref<1000x1xf32, #tpu.memory_space<vmem>>, vector<1000x1xf32>
    %get3A_2 = arith.constant 0 : index
    %get3A_3 = arith.constant 0 : index
    %get3A_4 = vector.load %arg4[%get3A_2, %get3A_3] : memref<1000x1xf32, #tpu.memory_space<vmem>>, vector<1000x1xf32>
    %add3A = arith.addf %get3A_1, %get3A_4 : vector<1000x1xf32>
    %add3A_5 = arith.constant 1.000000e+00 : f32
    %add3A_6 = vector.broadcast %add3A_5 : f32 to vector<1000x1xf32>
    %add3A_7 = arith.addf %add3A, %add3A_6 : vector<1000x1xf32>
    %rsqrt3A = math.rsqrt %add3A_7 : vector<1000x1xf32>
    %get3A_8 = arith.constant 0 : index
    %get3A_9 = arith.constant 0 : index
    %get3A_10 = vector.load %arg1[%get3A_8, %get3A_9] : memref<1000x128xf32, #tpu.memory_space<vmem>>, vector<1000x128xf32>
    %get3A_11 = arith.constant 0 : index
    %get3A_12 = arith.constant 0 : index
    %get3A_13 = vector.load %arg2[%get3A_11, %get3A_12] : memref<1000x128xf32, #tpu.memory_space<vmem>>, vector<1000x128xf32>
    %add3A_14 = arith.addf %get3A_10, %get3A_13 : vector<1000x128xf32>
    %mul3A = vector.broadcast %rsqrt3A : vector<1000x1xf32> to vector<1000x128xf32>
    %mul3A_15 = arith.mulf %add3A_14, %mul3A : vector<1000x128xf32>
    %get3A_16 = arith.constant 0 : index
    %get3A_17 = arith.constant 0 : index
    %get3A_18 = vector.load %arg5[%get3A_16, %get3A_17] : memref<128x256xf32, #tpu.memory_space<vmem>>, vector<128x256xf32>
    %dot_general3A = arith.constant dense<0.000000e+00> : vector<1000x256xf32>
    %dot_general3A_19 = tpu.matmul %mul3A_15, %get3A_18, %dot_general3A {dimension_numbers = #tpu.dot_dimension_numbers<[1], [0], [0], [1], [0, 0, 1, 1], [], []>, transpose_lhs_hint = false} : vector<1000x128xf32>, vector<128x256xf32>, vector<1000x256xf32> -> vector<1000x256xf32>
    %max3A = arith.constant 0.000000e+00 : f32
    %max3A_20 = vector.broadcast %max3A : f32 to vector<1000x256xf32>
    %max3A_21 = arith.maximumf %dot_general3A_19, %max3A_20 : vector<1000x256xf32>
    %get3A_22 = arith.constant 0 : index
    %get3A_23 = arith.constant 0 : index
    %get3A_24 = vector.load %arg6[%get3A_22, %get3A_23] : memref<256x128xf32, #tpu.memory_space<vmem>>, vector<256x128xf32>
    %dot_general3A_25 = arith.constant dense<0.000000e+00> : vector<1000x128xf32>
    %dot_general3A_26 = tpu.matmul %max3A_21, %get3A_24, %dot_general3A_25 {dimension_numbers = #tpu.dot_dimension_numbers<[1], [0], [0], [1], [0, 0, 1, 1], [], []>, transpose_lhs_hint = false} : vector<1000x256xf32>, vector<256x128xf32>, vector<1000x128xf32> -> vector<1000x128xf32>
    %mul3A_27 = vector.broadcast %rsqrt3A : vector<1000x1xf32> to vector<1000x128xf32>
    %mul3A_28 = arith.mulf %dot_general3A_26, %mul3A_27 : vector<1000x128xf32>
    %swap3A = arith.constant 0 : index
    %swap3A_29 = arith.constant 0 : index
    %swap3A_30 = vector.load %arg7[%swap3A, %swap3A_29] : memref<1000x128xf32, #tpu.memory_space<vmem>>, vector<1000x128xf32>
    tpu.vector_store %arg7[%swap3A, %swap3A_29], %mul3A_28 {strides = array<i32>} : memref<1000x128xf32, #tpu.memory_space<vmem>>, vector<1000x128xf32>,
    return
  }
  func.func @transform_0(%arg0: i32) -> (i32, i32) {
    %c0_i32 = arith.constant 0 : i32
    %c0_i32_0 = arith.constant 0 : i32
    return %arg0, %c0_i32 : i32, i32
  }
  func.func @transform_1(%arg0: i32) -> (i32, i32) {
    %c0_i32 = arith.constant 0 : i32
    %c0_i32_0 = arith.constant 0 : i32
    return %arg0, %c0_i32 : i32, i32
  }
  func.func @transform_2(%arg0: i32) -> (i32, i32) {
    %c0_i32 = arith.constant 0 : i32
    %c0_i32_0 = arith.constant 0 : i32
    return %arg0, %c0_i32 : i32, i32
  }
  func.func @transform_3(%arg0: i32) -> (i32, i32) {
    %c0_i32 = arith.constant 0 : i32
    %c0_i32_0 = arith.constant 0 : i32
    return %arg0, %c0_i32 : i32, i32
  }
  func.func @transform_4(%arg0: i32) -> (i32, i32) {
    %c0_i32 = arith.constant 0 : i32
    %c0_i32_0 = arith.constant 0 : i32
    %c0_i32_1 = arith.constant 0 : i32
    return %c0_i32, %c0_i32_0 : i32, i32
  }
  func.func @transform_5(%arg0: i32) -> (i32, i32) {
    %c0_i32 = arith.constant 0 : i32
    %c0_i32_0 = arith.constant 0 : i32
    %c0_i32_1 = arith.constant 0 : i32
    return %c0_i32, %c0_i32_0 : i32, i32
  }
  func.func @transform_6(%arg0: i32) -> (i32, i32) {
    %c0_i32 = arith.constant 0 : i32
    %c0_i32_0 = arith.constant 0 : i32
    return %arg0, %c0_i32 : i32, i32
  }
}

module attributes {stable_mosaic.version = 14 : i64} {
  func.func @_loss_body(%arg0: i32, %arg1: memref<128x128xf32, #tpu.memory_space<vmem>>, %arg2: memref<128x128xf32, #tpu.memory_space<vmem>>, %arg3: memref<128x1xf32, #tpu.memory_space<vmem>>, %arg4: memref<128x1xf32, #tpu.memory_space<vmem>>, %arg5: memref<1024x128xf32, #tpu.memory_space<vmem>>, %arg6: memref<1024x1xi32, #tpu.memory_space<vmem>>, %arg7: memref<1x1xf32, #tpu.memory_space<vmem>>, %arg8: memref<1024x1xf32, #tpu.memory_space<vmem>>, %arg9: memref<1024x1xf32, #tpu.memory_space<vmem>>, %arg10: memref<1024x1xf32, #tpu.memory_space<vmem>>) attributes {dimension_semantics = [#tpu.dimension_semantics<arbitrary>], iteration_bounds = array<i64: 71>, scalar_prefetch = 0 : i64, scratch_operands = 3 : i64, tpu.core_type = #tpu.core_type<tc>, window_params = [{transform_indices = @transform_0, window_bounds = array<i64: 128, 128>}, {transform_indices = @transform_1, window_bounds = array<i64: 128, 128>}, {transform_indices = @transform_2, window_bounds = array<i64: 128, 1>}, {transform_indices = @transform_3, window_bounds = array<i64: 128, 1>}, {pipeline_mode = #tpu.pipeline_mode<synchronous>, transform_indices = @transform_4, window_bounds = array<i64: 1024, 128>}, {pipeline_mode = #tpu.pipeline_mode<synchronous>, transform_indices = @transform_5, window_bounds = array<i64: 1024, 1>}, {pipeline_mode = #tpu.pipeline_mode<synchronous>, transform_indices = @transform_6, window_bounds = array<i64: 1, 1>}]} {
    %eq3A = arith.constant 0 : i32
    %eq3A_0 = arith.cmpi eq, %arg0, %eq3A : i32
    %convert_element_type3A = arith.extui %eq3A_0 : i1 to i32
    %cond3A = arith.constant 0 : i32
    %cond3A_1 = arith.cmpi ne, %convert_element_type3A, %cond3A : i32
    scf.if %cond3A_1 {
      %broadcast_in_dim3A_77 = arith.constant 0xFF800000 : f32
      %broadcast_in_dim3A_78 = vector.broadcast %broadcast_in_dim3A_77 : f32 to vector<1024x1xf32>
      %swap3A_79 = arith.constant 0 : index
      %swap3A_80 = arith.constant 0 : index
      %swap3A_81 = vector.load %arg8[%swap3A_79, %swap3A_80] : memref<1024x1xf32, #tpu.memory_space<vmem>>, vector<1024x1xf32>
      tpu.vector_store %arg8[%swap3A_79, %swap3A_80], %broadcast_in_dim3A_78 {strides = array<i32>} : memref<1024x1xf32, #tpu.memory_space<vmem>>, vector<1024x1xf32>,
      %broadcast_in_dim3A_82 = arith.constant 0.000000e+00 : f32
      %broadcast_in_dim3A_83 = vector.broadcast %broadcast_in_dim3A_82 : f32 to vector<1024x1xf32>
      %swap3A_84 = arith.constant 0 : index
      %swap3A_85 = arith.constant 0 : index
      %swap3A_86 = vector.load %arg9[%swap3A_84, %swap3A_85] : memref<1024x1xf32, #tpu.memory_space<vmem>>, vector<1024x1xf32>
      tpu.vector_store %arg9[%swap3A_84, %swap3A_85], %broadcast_in_dim3A_83 {strides = array<i32>} : memref<1024x1xf32, #tpu.memory_space<vmem>>, vector<1024x1xf32>,
      %broadcast_in_dim3A_87 = arith.constant 0.000000e+00 : f32
      %broadcast_in_dim3A_88 = vector.broadcast %broadcast_in_dim3A_87 : f32 to vector<1024x1xf32>
      %swap3A_89 = arith.constant 0 : index
      %swap3A_90 = arith.constant 0 : index
      %swap3A_91 = vector.load %arg10[%swap3A_89, %swap3A_90] : memref<1024x1xf32, #tpu.memory_space<vmem>>, vector<1024x1xf32>
      tpu.vector_store %arg10[%swap3A_89, %swap3A_90], %broadcast_in_dim3A_88 {strides = array<i32>} : memref<1024x1xf32, #tpu.memory_space<vmem>>, vector<1024x1xf32>,
    } else {
    }
    %get3A = arith.constant 0 : index
    %get3A_2 = arith.constant 0 : index
    %get3A_3 = vector.load %arg3[%get3A, %get3A_2] : memref<128x1xf32, #tpu.memory_space<vmem>>, vector<128x1xf32>
    %get3A_4 = arith.constant 0 : index
    %get3A_5 = arith.constant 0 : index
    %get3A_6 = vector.load %arg4[%get3A_4, %get3A_5] : memref<128x1xf32, #tpu.memory_space<vmem>>, vector<128x1xf32>
    %add3A = arith.addf %get3A_3, %get3A_6 : vector<128x1xf32>
    %add3A_7 = arith.constant 1.000000e+00 : f32
    %add3A_8 = vector.broadcast %add3A_7 : f32 to vector<128x1xf32>
    %add3A_9 = arith.addf %add3A, %add3A_8 : vector<128x1xf32>
    %rsqrt3A = math.rsqrt %add3A_9 : vector<128x1xf32>
    %get3A_10 = arith.constant 0 : index
    %get3A_11 = arith.constant 0 : index
    %get3A_12 = vector.load %arg1[%get3A_10, %get3A_11] : memref<128x128xf32, #tpu.memory_space<vmem>>, vector<128x128xf32>
    %get3A_13 = arith.constant 0 : index
    %get3A_14 = arith.constant 0 : index
    %get3A_15 = vector.load %arg2[%get3A_13, %get3A_14] : memref<128x128xf32, #tpu.memory_space<vmem>>, vector<128x128xf32>
    %add3A_16 = arith.addf %get3A_12, %get3A_15 : vector<128x128xf32>
    %mul3A = vector.broadcast %rsqrt3A : vector<128x1xf32> to vector<128x128xf32>
    %mul3A_17 = arith.mulf %add3A_16, %mul3A : vector<128x128xf32>
    %get3A_18 = arith.constant 0 : index
    %get3A_19 = arith.constant 0 : index
    %get3A_20 = vector.load %arg5[%get3A_18, %get3A_19] : memref<1024x128xf32, #tpu.memory_space<vmem>>, vector<1024x128xf32>
    %dot_general3A = arith.constant dense<0.000000e+00> : vector<1024x128xf32>
    %dot_general3A_21 = tpu.matmul %get3A_20, %mul3A_17, %dot_general3A {dimension_numbers = #tpu.dot_dimension_numbers<[1], [1], [0], [0], [0, 0, 1, 0], [], []>, transpose_lhs_hint = false} : vector<1024x128xf32>, vector<128x128xf32>, vector<1024x128xf32> -> vector<1024x128xf32>
    %mul3A_22 = arith.constant 128 : i32
    %mul3A_23 = arith.muli %arg0, %mul3A_22 : i32
    %iota3A = tpu.iota {dimensions = array<i32: 1>} : vector<1x128xi32>
    %add3A_24 = vector.broadcast %mul3A_23 : i32 to vector<1x128xi32>
    %add3A_25 = arith.addi %add3A_24, %iota3A : vector<1x128xi32>
    %lt3A = arith.constant 9000 : i32
    %lt3A_26 = vector.broadcast %lt3A : i32 to vector<1x128xi32>
    %lt3A_27 = arith.cmpi slt, %add3A_25, %lt3A_26 : vector<1x128xi32>
    %jit3A = arith.constant 0xFF800000 : f32
    %broadcast_in_dim3A = vector.shape_cast %lt3A_27 : vector<1x128xi1> to vector<1x128xi1>
    %broadcast_in_dim3A_28 = vector.broadcast %broadcast_in_dim3A : vector<1x128xi1> to vector<1024x128xi1>
    %broadcast_in_dim3A_29 = vector.broadcast %jit3A : f32 to vector<1024x128xf32>
    %select_n3A = arith.select %broadcast_in_dim3A_28, %dot_general3A_21, %broadcast_in_dim3A_29 : vector<1024x128xi1>, vector<1024x128xf32>
    %reduce_max3A = arith.constant dense<0xFF800000> : vector<1024xf32>
    %reduce_max3A_30 = vector.multi_reduction <maximumf>, %select_n3A, %reduce_max3A [1] : vector<1024x128xf32> to vector<1024xf32>
    %broadcast_in_dim3A_31 = vector.shape_cast %reduce_max3A_30 : vector<1024xf32> to vector<1024x1xf32>
    %get3A_32 = arith.constant 0 : index
    %get3A_33 = arith.constant 0 : index
    %get3A_34 = vector.load %arg8[%get3A_32, %get3A_33] : memref<1024x1xf32, #tpu.memory_space<vmem>>, vector<1024x1xf32>
    %max3A = arith.maximumf %get3A_34, %broadcast_in_dim3A_31 : vector<1024x1xf32>
    %get3A_35 = arith.constant 0 : index
    %get3A_36 = arith.constant 0 : index
    %get3A_37 = vector.load %arg9[%get3A_35, %get3A_36] : memref<1024x1xf32, #tpu.memory_space<vmem>>, vector<1024x1xf32>
    %get3A_38 = arith.constant 0 : index
    %get3A_39 = arith.constant 0 : index
    %get3A_40 = vector.load %arg8[%get3A_38, %get3A_39] : memref<1024x1xf32, #tpu.memory_space<vmem>>, vector<1024x1xf32>
    %sub3A = arith.subf %get3A_40, %max3A : vector<1024x1xf32>
    %exp3A = math.exp %sub3A : vector<1024x1xf32>
    %mul3A_41 = arith.mulf %get3A_37, %exp3A : vector<1024x1xf32>
    %sub3A_42 = vector.broadcast %max3A : vector<1024x1xf32> to vector<1024x128xf32>
    %sub3A_43 = arith.subf %select_n3A, %sub3A_42 : vector<1024x128xf32>
    %exp3A_44 = math.exp %sub3A_43 : vector<1024x128xf32>
    %reduce_sum3A = arith.constant dense<0.000000e+00> : vector<1024xf32>
    %reduce_sum3A_45 = vector.multi_reduction <add>, %exp3A_44, %reduce_sum3A [1] : vector<1024x128xf32> to vector<1024xf32>
    %broadcast_in_dim3A_46 = vector.shape_cast %reduce_sum3A_45 : vector<1024xf32> to vector<1024x1xf32>
    %add3A_47 = arith.addf %mul3A_41, %broadcast_in_dim3A_46 : vector<1024x1xf32>
    %swap3A = arith.constant 0 : index
    %swap3A_48 = arith.constant 0 : index
    %swap3A_49 = vector.load %arg9[%swap3A, %swap3A_48] : memref<1024x1xf32, #tpu.memory_space<vmem>>, vector<1024x1xf32>
    tpu.vector_store %arg9[%swap3A, %swap3A_48], %add3A_47 {strides = array<i32>} : memref<1024x1xf32, #tpu.memory_space<vmem>>, vector<1024x1xf32>,
    %swap3A_50 = arith.constant 0 : index
    %swap3A_51 = arith.constant 0 : index
    %swap3A_52 = vector.load %arg8[%swap3A_50, %swap3A_51] : memref<1024x1xf32, #tpu.memory_space<vmem>>, vector<1024x1xf32>
    tpu.vector_store %arg8[%swap3A_50, %swap3A_51], %max3A {strides = array<i32>} : memref<1024x1xf32, #tpu.memory_space<vmem>>, vector<1024x1xf32>,
    %get3A_53 = arith.constant 0 : index
    %get3A_54 = arith.constant 0 : index
    %get3A_55 = vector.load %arg6[%get3A_53, %get3A_54] : memref<1024x1xi32, #tpu.memory_space<vmem>>, vector<1024x1xi32>
    %eq3A_56 = vector.broadcast %add3A_25 : vector<1x128xi32> to vector<1024x128xi32>
    %eq3A_57 = vector.broadcast %get3A_55 : vector<1024x1xi32> to vector<1024x128xi32>
    %eq3A_58 = arith.cmpi eq, %eq3A_56, %eq3A_57 : vector<1024x128xi32>
    %get3A_59 = arith.constant 0 : index
    %get3A_60 = arith.constant 0 : index
    %get3A_61 = vector.load %arg10[%get3A_59, %get3A_60] : memref<1024x1xf32, #tpu.memory_space<vmem>>, vector<1024x1xf32>
    %jit3A_62 = arith.constant 0.000000e+00 : f32
    %broadcast_in_dim3A_63 = vector.broadcast %jit3A_62 : f32 to vector<1024x128xf32>
    %select_n3A_64 = arith.select %eq3A_58, %dot_general3A_21, %broadcast_in_dim3A_63 : vector<1024x128xi1>, vector<1024x128xf32>
    %reduce_sum3A_65 = arith.constant dense<0.000000e+00> : vector<1024xf32>
    %reduce_sum3A_66 = vector.multi_reduction <add>, %select_n3A_64, %reduce_sum3A_65 [1] : vector<1024x128xf32> to vector<1024xf32>
    %broadcast_in_dim3A_67 = vector.shape_cast %reduce_sum3A_66 : vector<1024xf32> to vector<1024x1xf32>
    %add3A_68 = arith.addf %get3A_61, %broadcast_in_dim3A_67 : vector<1024x1xf32>
    %swap3A_69 = arith.constant 0 : index
    %swap3A_70 = arith.constant 0 : index
    %swap3A_71 = vector.load %arg10[%swap3A_69, %swap3A_70] : memref<1024x1xf32, #tpu.memory_space<vmem>>, vector<1024x1xf32>
    tpu.vector_store %arg10[%swap3A_69, %swap3A_70], %add3A_68 {strides = array<i32>} : memref<1024x1xf32, #tpu.memory_space<vmem>>, vector<1024x1xf32>,
    %eq3A_72 = arith.constant 70 : i32
    %eq3A_73 = arith.cmpi eq, %arg0, %eq3A_72 : i32
    %convert_element_type3A_74 = arith.extui %eq3A_73 : i1 to i32
    %cond3A_75 = arith.constant 0 : i32
    %cond3A_76 = arith.cmpi ne, %convert_element_type3A_74, %cond3A_75 : i32
    scf.if %cond3A_76 {
      %get3A_77 = arith.constant 0 : index
      %get3A_78 = arith.constant 0 : index
      %get3A_79 = vector.load %arg8[%get3A_77, %get3A_78] : memref<1024x1xf32, #tpu.memory_space<vmem>>, vector<1024x1xf32>
      %get3A_80 = arith.constant 0 : index
      %get3A_81 = arith.constant 0 : index
      %get3A_82 = vector.load %arg9[%get3A_80, %get3A_81] : memref<1024x1xf32, #tpu.memory_space<vmem>>, vector<1024x1xf32>
      %log3A = math.log %get3A_82 : vector<1024x1xf32>
      %add3A_83 = arith.addf %get3A_79, %log3A : vector<1024x1xf32>
      %get3A_84 = arith.constant 0 : index
      %get3A_85 = arith.constant 0 : index
      %get3A_86 = vector.load %arg10[%get3A_84, %get3A_85] : memref<1024x1xf32, #tpu.memory_space<vmem>>, vector<1024x1xf32>
      %sub3A_87 = arith.subf %add3A_83, %get3A_86 : vector<1024x1xf32>
      %reduce_sum3A_88 = arith.constant dense<0.000000e+00> : vector<1xf32>
      %reduce_sum3A_89 = vector.multi_reduction <add>, %sub3A_87, %reduce_sum3A_88 [0] : vector<1024x1xf32> to vector<1xf32>
      %broadcast_in_dim3A_90 = vector.shape_cast %reduce_sum3A_89 : vector<1xf32> to vector<1x1xf32>
      %div3A = arith.constant 1.024000e+03 : f32
      %div3A_91 = vector.broadcast %div3A : f32 to vector<1x1xf32>
      %div3A_92 = arith.divf %broadcast_in_dim3A_90, %div3A_91 : vector<1x1xf32>
      %swap3A_93 = arith.constant 0 : index
      %swap3A_94 = arith.constant 0 : index
      %swap3A_95 = vector.load %arg7[%swap3A_93, %swap3A_94] : memref<1x1xf32, #tpu.memory_space<vmem>>, vector<1x1xf32>
      tpu.vector_store %arg7[%swap3A_93, %swap3A_94], %div3A_92 {strides = array<i32>} : memref<1x1xf32, #tpu.memory_space<vmem>>, vector<1x1xf32>,
    } else {
    }
    return
  }
  func.func @transform_0(%arg0: i32) -> (i32, i32) {
    %c0_i32 = arith.constant 0 : i32
    %c0_i32_0 = arith.constant 0 : i32
    return %arg0, %c0_i32 : i32, i32
  }
  func.func @transform_1(%arg0: i32) -> (i32, i32) {
    %c0_i32 = arith.constant 0 : i32
    %c0_i32_0 = arith.constant 0 : i32
    return %arg0, %c0_i32 : i32, i32
  }
  func.func @transform_2(%arg0: i32) -> (i32, i32) {
    %c0_i32 = arith.constant 0 : i32
    %c0_i32_0 = arith.constant 0 : i32
    return %arg0, %c0_i32 : i32, i32
  }
  func.func @transform_3(%arg0: i32) -> (i32, i32) {
    %c0_i32 = arith.constant 0 : i32
    %c0_i32_0 = arith.constant 0 : i32
    return %arg0, %c0_i32 : i32, i32
  }
  func.func @transform_4(%arg0: i32) -> (i32, i32) {
    %c0_i32 = arith.constant 0 : i32
    %c0_i32_0 = arith.constant 0 : i32
    %c0_i32_1 = arith.constant 0 : i32
    return %c0_i32, %c0_i32_0 : i32, i32
  }
  func.func @transform_5(%arg0: i32) -> (i32, i32) {
    %c0_i32 = arith.constant 0 : i32
    %c0_i32_0 = arith.constant 0 : i32
    %c0_i32_1 = arith.constant 0 : i32
    return %c0_i32, %c0_i32_0 : i32, i32
  }
  func.func @transform_6(%arg0: i32) -> (i32, i32) {
    %c0_i32 = arith.constant 0 : i32
    %c0_i32_0 = arith.constant 0 : i32
    %c0_i32_1 = arith.constant 0 : i32
    return %c0_i32, %c0_i32_0 : i32, i32
  }
}

</mosaic_0001>

<sc_bundles>
// kernel: kernel.11.cloned.1.call-start
scs
__scs_entry_jumppad:
0x0: {  	(pc) =	sbr.rel $0x88, $3  }
0x1: {  	(tag) =	ssettag $0x0;
	lr =	simm.s32 $0x1  }
0x2: {  	[smem:$0x3F9B] =	sst lr;
	_ =	strace $0xD0000000  }
0x3: {  	_ = 	snop  }
0x4: {  	_ = 	snop  }
0x5: {  	_ = 	snop  }
0x6: {  	_ = 	snop  }
0x7: {  	_ = 	snop  }
__scs_overlays_trampoline_lowered:
0x8: {  	[smem:$0x3FAA] =	sst s0  }
0x9: {  	[smem:$0x3FAB] =	sst s1  }
0xa: {  	[smem:$0x3FAC] =	sst s2  }
0xb: {  	[smem:$0x3FAD] =	sst s3  }
0xc: {  	[smem:$0x3FAE] =	sst s4  }
0xd: {  	[smem:$0x3FAF] =	sst s5  }
0xe: {  	[smem:$0x3FB0] =	sst s6  }
0xf: {  	[smem:$0x3FB1] =	sst s7  }
0x10: {  	[smem:$0x3FB2] =	sst s8  }
0x11: {  	[smem:$0x3FB3] =	sst s9;
	s0 =	simm.s32 @!p0 $0x0  }
0x12: {  	s1 =	sld [smem:$0x3F99];
	s0 =	simm.s32 @p0 $0x1  }
0x13: {  	[smem:$0x3FB4] =	sst s0;
	s0 =	simm.s32 @!p1 $0x0  }
0x14: {  	s2 =	sld [smem:$0x3F98];
	s0 =	simm.s32 @p1 $0x1  }
0x15: {  	[smem:$0x3FB5] =	sst s0;
	s0 =	simm.s32 @!p2 $0x0  }
0x16: {  	s3 =	sld [smem:$0x3FDB];
	s0 =	simm.s32 @p2 $0x1  }
0x17: {  	s4 =	simm.s32 $0x1BF5;
	[smem:$0x3FB7] =	sst s0  }
0x18: {  	s0 =	sld [smem:$0x3F9A];
	_ =	swait.ge [sflag:s4], $0x0  }
0x19: {  	s7 =	sld [smem:$0x3F9B]  }
0x1a: {  	s8 =	sadd.s32 $0xFFFFE003, lr  }
0x1b: {  	s9 =	sadd.s32 $0xFFFFFEF7, lr;
	s5 =	simm.s32 $0xFFFFFFFF;
	p2 =	slt.u32 s8, $0xFFFFF086  }
0x1c: {  	p1 =	slt.u32 s9, $0xF7A;
	s5 =	simm.s32 @!p2 $0x0  }
0x1d: {  	s5 =	simm.s32 @p1 $0x1;
	p0 =	seq.s32 s7, s2  }
0x1e: {  	s7 =	smul.u32 @!p0 $0xF7A, s2;
	p2 =	seq.s32 @!p0 s5, $0x0  }
0x1f: {  	s9 =	smul.u32 $0xF7A, s1;
	s8 =	simm.s32 @!p0 $0x1BF5;
	p2 =	por !p2, p0  }
0x20: {  	[sflag:s8] =	ssyncset.s32 @!p0 $0xFFFFF086;
	s6 =	sadd.s32 @!p0 s3, s7;
	s7 =	simm.s32 @!p0 $0x108  }
0x21: {  	s3 =	sadd.s32 s3, s9;
	s6 =	sadd.s32 @!p0 $0x88, s6;
	s7 =	simm.s32 @p2 $0x1082  }
0x22: {  	[simem:s7], [sflag:s8] =	dma.local @!p0 [hbm:s6], $0xF7A  }
0x23: {  	s9 =	sor.u32 $0xD0000000, s2;
	s6 =	simm.s32 $0x108;
	_ =	swait.ge @!p0 [sflag:s8], $0x0  }
0x24: {  	s3 =	sadd.s32 $0x88, s3;
	s6 =	simm.s32 @!p1 $0x1082;
	[sflag:s4] =	ssyncset.s32 $0xFFFFF086  }
0x25: {  	[simem:s6], [sflag:s4] =	dma.local [hbm:s3], $0xF7A  }
0x26: {  	[smem:$0x3F9B] =	sst s1;
	(tag) =	ssettag s2;
	_ =	strace s9  }
0x27: {  	s1 =	sld [smem:$0x3FAB]  }
0x28: {  	s2 =	sld [smem:$0x3FAC]  }
0x29: {  	s4 =	sld [smem:$0x3FAE]  }
0x2a: {  	p0 =	seq.s32 s5, $0x0;
	s5 =	sld [smem:$0x3FAF]  }
0x2b: {  	s6 =	sld [smem:$0x3FB0]  }
0x2c: {  	s7 =	sld [smem:$0x3FB1]  }
0x2d: {  	s3 =	simm.s32 $0x108;
	s8 =	sld [smem:$0x3FB2]  }
0x2e: {  	s3 =	simm.s32 @!p0 $0x1082;
	s9 =	sld [smem:$0x3FB3]  }
0x2f: {  	lr =	sadd.s32 s0, s3;
	s0 =	sld [smem:$0x3FAA]  }
0x30: {  	s3 =	sld [smem:$0x3FAD]  }
0x31: {  	[smem:$0x3FB6] =	sst s10  }
0x32: {  	s10 =	sld [smem:$0x3FB4];
	_ =	sdelay $0x3  }
0x33: {  	p0 =	seq.s32 s10, $0x1;
	s10 =	sld [smem:$0x3FB6];
	_ =	sdelay $0x3  }
0x34: {  	[smem:$0x3FB6] =	sst s10  }
0x35: {  	s10 =	sld [smem:$0x3FB5];
	_ =	sdelay $0x3  }
0x36: {  	p1 =	seq.s32 s10, $0x1;
	s10 =	sld [smem:$0x3FB6];
	_ =	sdelay $0x3  }
0x37: {  	[smem:$0x3FB6] =	sst s10  }
0x38: {  	s10 =	sld [smem:$0x3FB7]  }
0x39: {  	_ = 	snop;
	(pc) =	sbr.ind lr, $3  }
0x3a: {  	_ = 	snop  }
0x3b: {  	_ = 	snop  }
0x3c: {  	p2 =	seq.s32 s10, $0x1;
	s10 =	sld [smem:$0x3FB6]  }
0x3d: {  	_ =	shalt  }
0x3e: {  	_ =	shalt  }
0x3f: {  	_ =	shalt  }
0x40: {  	_ =	shalt  }
0x41: {  	_ =	shalt  }
0x42: {  	_ =	shalt  }
0x43: {  	_ =	shalt  }
0x44: {  	_ =	shalt  }
0x45: {  	_ =	shalt  }
0x46: {  	_ =	shalt  }
0x47: {  	_ =	shalt  }
0x48: {  	_ =	shalt  }
0x49: {  	_ =	shalt  }
0x4a: {  	_ =	shalt  }
0x4b: {  	_ =	shalt  }
0x4c: {  	_ =	shalt  }
0x4d: {  	_ =	shalt  }
0x4e: {  	_ =	shalt  }
0x4f: {  	_ =	shalt  }
0x50: {  	_ =	shalt  }
0x51: {  	_ =	shalt  }
0x52: {  	_ =	shalt  }
0x53: {  	_ =	shalt  }
0x54: {  	_ =	shalt  }
0x55: {  	_ =	shalt  }
0x56: {  	_ =	shalt  }
0x57: {  	_ =	shalt  }
0x58: {  	_ =	shalt  }
0x59: {  	_ =	shalt  }
0x5a: {  	_ =	shalt  }
0x5b: {  	_ =	shalt  }
0x5c: {  	_ =	shalt  }
0x5d: {  	_ =	shalt  }
0x5e: {  	_ =	shalt  }
0x5f: {  	_ =	shalt  }
0x60: {  	_ =	shalt  }
0x61: {  	_ =	shalt  }
0x62: {  	_ =	shalt  }
0x63: {  	_ =	shalt  }
0x64: {  	_ =	shalt  }
0x65: {  	_ =	shalt  }
0x66: {  	_ =	shalt  }
0x67: {  	_ =	shalt  }
0x68: {  	_ =	shalt  }
0x69: {  	_ =	shalt  }
0x6a: {  	_ =	shalt  }
0x6b: {  	_ =	shalt  }
0x6c: {  	_ =	shalt  }
0x6d: {  	_ =	shalt  }
0x6e: {  	_ =	shalt  }
0x6f: {  	_ =	shalt  }
0x70: {  	_ =	shalt  }
0x71: {  	_ =	shalt  }
0x72: {  	_ =	shalt  }
0x73: {  	_ =	shalt  }
0x74: {  	_ =	shalt  }
0x75: {  	_ =	shalt  }
0x76: {  	_ =	shalt  }
0x77: {  	_ =	shalt  }
0x78: {  	_ =	shalt  }
0x79: {  	_ =	shalt  }
0x7a: {  	_ =	shalt  }
0x7b: {  	_ =	shalt  }
0x7c: {  	_ =	shalt  }
0x7d: {  	_ =	shalt  }
0x7e: {  	_ =	shalt  }
0x7f: {  	_ =	shalt  }
0x80: {  	_ =	shalt  }
0x81: {  	_ =	shalt  }
0x82: {  	_ =	shalt  }
0x83: {  	_ =	shalt  }
0x84: {  	_ =	shalt  }
0x85: {  	_ =	shalt  }
0x86: {  	_ =	shalt  }
0x87: {  	_ =	shalt  }
.Lfunc_end0:
.L_simem_size_0:
called_computation.1_lowered:
.L_overlay_start_0:
0x88: {  	s2 =	sld [smem:$0x3FD9]  }
0x89: {  	s3 =	sld [smem:$0x3FFE];
	_ =	sdelay $0x1  }
0x8a: {  	s1 =	srdreg.scid  }
0x8b: {  	s0 =	sand.u32 $0x1, s1  }
0x8c: {  	s16 =	sshll.u32 s0, $0xA;
	s2 =	sadd.s32 s3, s2  }
0x8d: {  	s2 =	sadd.s32 s2, s16  }
0x8e: {  	[smem:$0x3FC2] =	sst s2  }
0x8f: {  	_ = 	snop  }
0x90: {  	(tm) =	ssettm $0x1  }
0x91: {  	s17 =	sld [smem:$0x3FFB];
	_ =	sdelay $0x3  }
0x92: {  	_ =	strace s17  }
0x93: {  	s2 =	sld [smem:$0x3FFC];
	_ =	sdelay $0x3  }
0x94: {  	_ =	strace s2  }
0x95: {  	s2 =	sld [smem:$0x3FFD];
	_ =	sdelay $0x3  }
0x96: {  	_ =	strace s2  }
0x97: {  	_ =	strace $0x8FFFFFFF  }
0x98: {  	s18 =	sld [smem:$0x3FDB];
	_ =	sdelay $0x1  }
0x99: {  	s19 =	simm.s32 $_scs_section_size  }
0x9a: {  	s4 =	simm.s32 $_size__tile_overlayer_lowered;
	s5 =	simm.s32 $_tile_overlayer_lowered  }
0x9b: {  	s22 =	simm.s32 $0x1BFF;
	s21 =	sshll.u32 s5, $0x1;
	s2 =	sadd.s32 s19, s18  }
0x9c: {  	s6 =	simm.s32 $0x0;
	s20 =	sshll.u32 s4, $0x1;
	s4 =	sadd.s32 s21, s2  }
0x9d: {  	[timem:s6], [sflag:s22] =	dma.local [hbm:s4], s20  }
0x9e: {  	_ =	swait.ge [sflag:s22], s20  }
0x9f: {  	s3 =	ssub.s32 $0x0, s20;
	[sflag:s22] =	ssyncset.done $0x0  }
0xa0: {  	[sflag:s22] =	ssyncadd.s32 s3;
	_ =	sdelay $0x1  }
0xa1: {  	s23 =	simm.s32 $0x1B8B  }
0xa2: {  	_ =	swait.ge [sflag:s23], $0x1  }
0xa3: {  	[sflag:s23] =	ssyncset.done $0x0  }
0xa4: {  	s25 =	simm.s32 $0x1B8E;
	s24 =	sld [smem:$0x3FFE];
	[sflag:s23] =	ssyncadd.s32 $0xFFFFFFFF  }
0xa5: {  	s26 =	simm.s32 $execute0_lowered;
	[smem:$0x3FD2] =	sst s25  }
0xa6: {  	s4 =	sshll.u32 s26, $0x1;
	_ =	strace $0x80000049;
	[dreg:$0x1] =	wrdreg $0xFFFFFFFF  }
0xa7: {  	s28 =	simm.s32 $_size_execute0_lowered;
	s2 =	sadd.s32 s2, s4;
	[dreg:$0x0] =	wrdreg $0x0  }
0xa8: {  	s4 =	sshll.u32 s28, $0x1;
	[dreg:$0x2] =	wrdreg s2  }
0xa9: {  	[dreg:$0x3] =	wrdreg s4  }
0xaa: {  	[dreg:$0x4] =	wrdreg $0xC0  }
0xab: {  	_ =	task [dreg:s6], $0x5FFFF  }
0xac: {  	[dreg:$0x1] =	wrdreg $0xFFFFFFFF  }
0xad: {  	[dreg:$0x0] =	wrdreg $0x60  }
0xae: {  	[dreg:$0x2] =	wrdreg s24  }
0xaf: {  	[dreg:$0x3] =	wrdreg $0x82000  }
0xb0: {  	[dreg:$0x4] =	wrdreg $0x9  }
0xb1: {  	_ =	task.clear_ibuf [dreg:s6], $0x5FFFF;
	_ =	strace $0x90000049  }
0xb2: {  	s29 =	simm.s32 $0x9;
	_ =	strace $0x8000004B  }
0xb3: {  	_ =	swait.ge [sflag:s29], $0x1  }
0xb4: {  	[sflag:s29] =	ssyncadd.s32 $0xFFFFFFFF  }
0xb5: {  	_ =	strace $0x9000004B  }
0xb6: {  	_ =	sfence  }
0xb7: {  	s30 =	sld [smem:$0x0];
	_ =	sdelay $0x2  }
0xb8: {  	s31 =	sshll.u32 s1, $0xD;
	s1 =	sshrl.u32 s1, $0x2  }
0xb9: {  	s3 =	sand.u32 $0x4000, s31;
	s1 =	sadd.s32 s1, s30  }
0xba: {  	s0 =	sor.u32 s3, s0;
	s1 =	sshll.u32 s1, $0x11  }
0xbb: {  	s0 =	sor.u32 s1, s0  }
0xbc: {  	s0 =	sadd.s32 $0x8F2B, s0  }
0xbd: {  	[sflag:s0] =	ssyncadd.remote.s32 $0x1  }
0xbe: {  	_ =	sfence.sel $0xFFFF  }
0xbf: {  	[dreg:$0x0] =	wrdreg $0xFFFFFFFF;
	(pc) =	sbr.abs _section_cstart, $3  }
0xc0: {  	[dreg:$0x1] =	wrdreg $0xFFFFFFFF  }
0xc1: {  	_ =	task.clear_ibuf [dreg:s6], $0x2FFFF;
	_ =	strace $0x9FFFFFFF  }
0xc2: {  	(tm) =	ssettm $0x7FFFFFFF  }
0xc3: {  	_ =	shalt  }
tec
execute0_lowered:
.L_overlay_start_1:
0x0: {  	(tag) =	ssettag $0x1  }
0x1: {  	s6 =	rddreg [dreg:$0x0]  }
0x2: {  	s1 =	rddreg [dreg:$0x1]  }
0x3: {  	s0 =	rddreg [dreg:$0x2];
	s3 =	simm.s32 $0x0  }
0x4: {  	s4 =	srdreg.scid;
	s2 =	stileid.u32;
	s12 =	simm.s32 $0x47  }
0x5: {  	s16 =	simm.s32 $0x200;
	s17 =	simm.s32 $0x5;
	s18 =	simm.s32 $0x80  }
0x6: {  	s19 =	simm.s32 $0x100;
	s20 =	simm.s32 $0x4;
	s21 =	simm.s32 $0x4200  }
0x7: {  	s22 =	simm.s32 $0x1;
	s23 =	simm.s32 $0x2;
	s24 =	simm.s32 $0x180  }
0x8: {  	s25 =	simm.s32 $0x3;
	s5 =	sand.u32 $0x1, s4;
	s4 =	smul.u32 $0x90, s2  }
0x9: {  	s26 =	simm.s32 $0x0;
	[smem:$0x7FF] =	sst s3;
	s8 =	smul.u32 $0x2800, s2  }
0xa: {  	s7 =	sshll.u32 s2, $0x4;
	s9 =	smul.u32 $0x50000, s2;
	p0 =	seq.s32 s5, $0x0  }
0xb: {  	s7 =	sor.u32 $0x900, s7;
	_ =	strace $0x8000004A;
	s10 =	smul.u32 $0x28000, s5  }
0xc: {  	s29 =	ssub.s32 $0x2, s5;
	s7 =	smov.u32 @p0 s4;
	s4 =	sadd.s32 $0x48200, s6  }
0xd: {  	s30 =	sshrl.u32 s9, $0x2;
	s31 =	sshrl.u32 s29, $0x1;
	s12 =	simm.s32 @!p0 $0x7  }
0xe: {  	s7 =	sshll.u32 s7, $0x5;
	s8 =	sadd.s32 s8, s10;
	s5 =	sadd.s32 s30, s1  }
0xf: {  	s14 =	ssub.s32 s29, s31;
	s15 =	sadd.s32 s7, s6;
	s13 =	sadd.s32 s8, s6  }
0x10: {  	s6 =	sadd.s32 $0x4000, s5;
	s7 =	sadd.s32 $0x8000, s5;
	s8 =	sadd.s32 $0xC000, s5  }
0x11: {  	s9 =	sadd.s32 $0x10000, s5;
	s14 =	smax.u32 s14, $0x1;
	s10 =	sadd.s32 $0xD000, s15  }
0x12: {  	v0 =	vimm.f32 $0.0e+00;
	s11 =	sadd.s32 $0xD020, s15;
	s13 =	sadd.s32 $0x6F400, s13;
	s15 =	sadd.s32 $0xD060, s15  }
.LBB2_1:
0x13: {  	s28 =	simm.s32 $0x0;
	s29 =	simm.s32 $0x200  }
.LBB2_2:
0x14: {  	p0 =	sne.s32 s29, $0xFE00;
	[tilespmem:s28+$0x270] =	vst v0  }
0x15: {  	[tilespmem:s28+$0x200] =	vst v0  }
0x16: {  	[tilespmem:s28+$0x210] =	vst v0  }
.Ltmp0:
0x17: {  	[tilespmem:s28+$0x220] =	vst v0;
	(pc) =	sbr.rel @p0 .LBB2_2-.Ltmp0, $4  }
0x18: {  	[tilespmem:s28+$0x230] =	vst v0  }
0x19: {  	[tilespmem:s28+$0x240] =	vst v0  }
0x1a: {  	[tilespmem:s28+$0x250] =	vst v0  }
0x1b: {  	[tilespmem:s28+$0x260] =	vst v0;
	s28 =	sshra.s32 s29, $0x2;
	s29 =	sadd.s32 $0x200, s29  }
0x1c: {  	[tilespmem:s28+$0x270] =	vst v0  }
0x1d: {  	[tilespmem:s28+$0x200] =	vst v0  }
0x1e: {  	[tilespmem:s28+$0x210] =	vst v0  }
0x1f: {  	[tilespmem:s28+$0x220] =	vst v0  }
0x20: {  	[tilespmem:s28+$0x230] =	vst v0  }
0x21: {  	[tilespmem:s28+$0x240] =	vst v0  }
0x22: {  	[tilespmem:s28+$0x250] =	vst v0  }
0x23: {  	[tilespmem:s28+$0x260] =	vst v0  }
0x24: {  	[spmem:s5] =	stream.linear.scatter [tilespmem:s16], [sflag:$0x5], $0x4000, $0x38;
	[tilespmem:$0x1C200] =	vst v63  }
0x25: {  	_ =	swait.ge [sflag:s17], $0x4000  }
0x26: {  	[sflag:s17] =	ssyncset.done $0x0  }
0x27: {  	[sflag:s17] =	ssyncadd.s32 $0xFFFFC000  }
0x28: {  	[spmem:s6] =	stream.linear.scatter [tilespmem:s16], [sflag:$0x5], $0x4000, $0x38;
	[tilespmem:$0x1C200] =	vst v63  }
0x29: {  	_ =	swait.ge [sflag:s17], $0x4000  }
0x2a: {  	[sflag:s17] =	ssyncset.done $0x0  }
0x2b: {  	[sflag:s17] =	ssyncadd.s32 $0xFFFFC000  }
0x2c: {  	[spmem:s7] =	stream.linear.scatter [tilespmem:s16], [sflag:$0x5], $0x4000, $0x38;
	[tilespmem:$0x1C200] =	vst v63  }
0x2d: {  	_ =	swait.ge [sflag:s17], $0x4000  }
0x2e: {  	[sflag:s17] =	ssyncset.done $0x0  }
0x2f: {  	[sflag:s17] =	ssyncadd.s32 $0xFFFFC000  }
0x30: {  	[spmem:s8] =	stream.linear.scatter [tilespmem:s16], [sflag:$0x5], $0x4000, $0x38;
	[tilespmem:$0x1C200] =	vst v63  }
0x31: {  	_ =	swait.ge [sflag:s17], $0x4000  }
0x32: {  	[sflag:s17] =	ssyncset.done $0x0  }
0x33: {  	[sflag:s17] =	ssyncadd.s32 $0xFFFFC000  }
0x34: {  	[spmem:s9] =	stream.linear.scatter [tilespmem:s16], [sflag:$0x5], $0x4000, $0x38;
	[tilespmem:$0x1C200] =	vst v63  }
0x35: {  	_ =	swait.ge [sflag:s17], $0x4000  }
0x36: {  	[sflag:s17] =	ssyncset.done $0x0  }
0x37: {  	[sflag:s17] =	ssyncadd.s32 $0xFFFFC000  }
0x38: {  	[bflag:$0x0] =	sbarrier.arrive $0xFFFF  }
0x39: {  	[tilespmem:s3], [sflag:$0x5] =	stream.linear.gather [hbm4b:s10+s3], $0x100, $0x38;
	[tilespmem:$0x1C200] =	vst v63  }
0x3a: {  	_ =	swait.ge [sflag:s17], $0x100  }
0x3b: {  	[sflag:s17] =	ssyncset.done $0x0  }
0x3c: {  	[sflag:s17] =	ssyncadd.s32 $0xFFFFFF00  }
0x3d: {  	[tilespmem:s16], [sflag:$0x1] =	stream.indirect.gather [hbm4b:s4+s18], $0x80, s3, s18, $0xb8;
	[tilespmem:$0x1C200] =	vst v63  }
0x3e: {  	_ = 	snop  }
0x3f: {  	[tilespmem:s19], [sflag:$0x4] =	stream.linear.gather [hbm4b:s11+s3], $0x100, $0x38;
	[tilespmem:$0x1C200] =	vst v63  }
0x40: {  	_ =	swait.ge [sflag:s20], $0x100  }
0x41: {  	[sflag:s20] =	ssyncset.done $0x0  }
0x42: {  	[sflag:s20] =	ssyncadd.s32 $0xFFFFFF00  }
0x43: {  	[tilespmem:s21], [sflag:$0x2] =	stream.indirect.gather [hbm4b:s4+s18], $0x80, s19, s18, $0xb8;
	[tilespmem:$0x1C200] =	vst v63  }
0x44: {  	_ =	swait.ge [sflag:s22], $0x4000  }
0x45: {  	[sflag:s22] =	ssyncset.done $0x0  }
0x46: {  	[sflag:s22] =	ssyncadd.s32 $0xFFFFC000  }
0x47: {  	[spmem:s1] =	stream.indirect.scatter.add.f32 [tilespmem:s16], [sflag:$0x5], $0x80, s18, s18, $0xb8;
	[tilespmem:$0x1C200] =	vst v63  }
0x48: {  	_ =	swait.ge [sflag:s17], $0x4000  }
0x49: {  	[sflag:s17] =	ssyncset.done $0x0  }
0x4a: {  	s28 =	sadd.s32 $0xFFFFFFE0, s15;
	[sflag:s17] =	ssyncadd.s32 $0xFFFFC000  }
0x4b: {  	[tilespmem:s3], [sflag:$0x3] =	stream.linear.gather [hbm4b:s28+s3], $0x100, $0x38;
	[tilespmem:$0x1C200] =	vst v63  }
0x4c: {  	_ =	swait.ge [sflag:s23], $0x4000  }
0x4d: {  	[sflag:s23] =	ssyncset.done $0x0  }
0x4e: {  	[sflag:s23] =	ssyncadd.s32 $0xFFFFC000  }
0x4f: {  	[spmem:s1] =	stream.indirect.scatter.add.f32 [tilespmem:s21], [sflag:$0x5], $0x80, s24, s18, $0xb8;
	[tilespmem:$0x1C200] =	vst v63  }
0x50: {  	_ =	swait.ge [sflag:s17], $0x4000  }
0x51: {  	p0 =	sne.s32 s12, $0x1;
	[sflag:s17] =	ssyncset.done $0x0  }
.Ltmp1:
0x52: {  	[sflag:s17] =	ssyncadd.s32 $0xFFFFC000;
	(pc) =	sbr.rel @!p0 .LBB2_5-.Ltmp1, $4  }
0x53: {  	_ =	swait.ge [sflag:s25], $0x100  }
0x54: {  	s29 =	sadd.s32 $0x40, s15;
	[sflag:s25] =	ssyncset.done $0x0  }
0x55: {  	s30 =	smov.u32 s15;
	s28 =	sadd.s32 $0xFFFFFFFF, s12;
	[sflag:s25] =	ssyncadd.s32 $0xFFFFFF00  }
0x56: {  	[tilespmem:s16], [sflag:$0x1] =	stream.indirect.gather [hbm4b:s4+s18], $0x80, s3, s18, $0xb8;
	[tilespmem:$0x1C200] =	vst v63  }
.LBB2_4:
0x57: {  	[tilespmem:s19], [sflag:$0x4] =	stream.linear.gather [hbm4b:s30+s3], $0x100, $0x38;
	[tilespmem:$0x1C200] =	vst v63  }
0x58: {  	p0 =	sne.s32 s28, $0x1;
	s28 =	sadd.s32 $0xFFFFFFFF, s28;
	_ =	swait.ge [sflag:s20], $0x100  }
0x59: {  	s30 =	smov.u32 s29;
	[sflag:s20] =	ssyncset.done $0x0  }
0x5a: {  	[sflag:s20] =	ssyncadd.s32 $0xFFFFFF00  }
0x5b: {  	[tilespmem:s21], [sflag:$0x2] =	stream.indirect.gather [hbm4b:s4+s18], $0x80, s19, s18, $0xb8;
	[tilespmem:$0x1C200] =	vst v63  }
0x5c: {  	_ =	swait.ge [sflag:s22], $0x4000  }
0x5d: {  	[sflag:s22] =	ssyncset.done $0x0  }
0x5e: {  	[sflag:s22] =	ssyncadd.s32 $0xFFFFC000  }
0x5f: {  	[spmem:s1] =	stream.indirect.scatter.add.f32 [tilespmem:s16], [sflag:$0x5], $0x80, s18, s18, $0xb8;
	[tilespmem:$0x1C200] =	vst v63  }
0x60: {  	_ =	swait.ge [sflag:s17], $0x4000  }
0x61: {  	[sflag:s17] =	ssyncset.done $0x0  }
0x62: {  	s31 =	sadd.s32 $0xFFFFFFE0, s29;
	[sflag:s17] =	ssyncadd.s32 $0xFFFFC000  }
0x63: {  	[tilespmem:s3], [sflag:$0x3] =	stream.linear.gather [hbm4b:s31+s3], $0x100, $0x38;
	[tilespmem:$0x1C200] =	vst v63  }
0x64: {  	_ =	swait.ge [sflag:s23], $0x4000  }
0x65: {  	[sflag:s23] =	ssyncset.done $0x0  }
0x66: {  	[sflag:s23] =	ssyncadd.s32 $0xFFFFC000  }
0x67: {  	[spmem:s1] =	stream.indirect.scatter.add.f32 [tilespmem:s21], [sflag:$0x5], $0x80, s24, s18, $0xb8;
	[tilespmem:$0x1C200] =	vst v63  }
0x68: {  	_ =	swait.ge [sflag:s17], $0x4000  }
0x69: {  	[sflag:s17] =	ssyncset.done $0x0  }
0x6a: {  	[sflag:s17] =	ssyncadd.s32 $0xFFFFC000  }
.Ltmp2:
0x6b: {  	_ =	swait.ge [sflag:s25], $0x100;
	(pc) =	sbr.rel @p0 .LBB2_4-.Ltmp2, $4  }
0x6c: {  	[sflag:s25] =	ssyncset.done $0x0  }
0x6d: {  	[sflag:s25] =	ssyncadd.s32 $0xFFFFFF00  }
0x6e: {  	[tilespmem:s16], [sflag:$0x1] =	stream.indirect.gather [hbm4b:s4+s18], $0x80, s3, s18, $0xb8;
	[tilespmem:$0x1C200] =	vst v63  }
0x6f: {  	s29 =	sadd.s32 $0x40, s29  }
.LBB2_5:
0x70: {  	[tilespmem:s19], [sflag:$0x4] =	stream.linear.gather [hbm4b:s30+s3], $0x100, $0x38;
	[tilespmem:$0x1C200] =	vst v63  }
0x71: {  	_ =	swait.ge [sflag:s20], $0x100  }
0x72: {  	[sflag:s20] =	ssyncset.done $0x0  }
0x73: {  	[sflag:s20] =	ssyncadd.s32 $0xFFFFFF00  }
0x74: {  	[tilespmem:s21], [sflag:$0x2] =	stream.indirect.gather [hbm4b:s4+s18], $0x80, s19, s18, $0xb8;
	[tilespmem:$0x1C200] =	vst v63  }
0x75: {  	_ =	swait.ge [sflag:s22], $0x4000  }
0x76: {  	[sflag:s22] =	ssyncset.done $0x0  }
0x77: {  	[sflag:s22] =	ssyncadd.s32 $0xFFFFC000  }
0x78: {  	[spmem:s1] =	stream.indirect.scatter.add.f32 [tilespmem:s16], [sflag:$0x5], $0x80, s18, s18, $0xb8;
	[tilespmem:$0x1C200] =	vst v63  }
0x79: {  	_ =	swait.ge [sflag:s17], $0x4000  }
0x7a: {  	[sflag:s17] =	ssyncset.done $0x0  }
0x7b: {  	[sflag:s17] =	ssyncadd.s32 $0xFFFFC000  }
0x7c: {  	_ =	swait.ge [sflag:s23], $0x4000  }
0x7d: {  	[sflag:s23] =	ssyncset.done $0x0  }
0x7e: {  	[sflag:s23] =	ssyncadd.s32 $0xFFFFC000  }
0x7f: {  	[spmem:s1] =	stream.indirect.scatter.add.f32 [tilespmem:s21], [sflag:$0x5], $0x80, s24, s18, $0xb8;
	[tilespmem:$0x1C200] =	vst v63  }
0x80: {  	_ =	swait.ge [sflag:s17], $0x4000  }
0x81: {  	s28 =	sshll.u32 s2, $0x6;
	s26 =	sadd.s32 $0x1, s26;
	[sflag:s17] =	ssyncset.done $0x0  }
0x82: {  	s29 =	sshrl.u32 s5, $0x3;
	p0 =	sne.s32 s26, s14;
	[sflag:s17] =	ssyncadd.s32 $0xFFFFC000  }
.Ltmp3:
0x83: {  	s28 =	sor.u32 $0x1C05, s28;
	[bflag:$0x0] =	sbarrier.arrive $0xFFFF;
	(pc) =	sbr.rel @p0 .LBB2_1-.Ltmp3, $4  }
0x84: {  	[hbm:s13], [sflag:s28] =	dma.local [spmem:s29], $0x2800  }
0x85: {  	_ =	swait.ge [sflag:s17], $0x2800  }
0x86: {  	[sflag:s17] =	ssyncset.done $0x0  }
0x87: {  	[sflag:s17] =	ssyncadd.s32 $0xFFFFD800  }
0x88: {  	_ =	sfence.sel $0x180000  }
0x89: {  	[bflag:$0x0] =	sbarrier.arrive $0xFFFF  }
0x8a: {  	p0 =	sne.s32 s2, $0x0;
	_ =	strace $0x9000004A  }
0x8b: {  	s0 =	sadd.s32 @!p0 $0x100000, s0;
	[bflag:$0x2] =	sbarrier.arrive $0xFFFF  }
0x8c: {  	[sflag:s0] =	ssyncadd.tile.s32 @!p0 $0x1;
	_ =	shalt  }
.Lfunc_end2:
_tile_overlayer_lowered:
.L_overlay_start_2:
0x8d: {  	(tag) =	ssettag $0x2  }
0x8e: {  	s0 =	rddreg [dreg:$0x0];
	s2 =	stileid.u32  }
0x8f: {  	s1 =	rddreg [dreg:$0x1];
	p0 =	sne.s32 s2, $0x0  }
0x90: {  	s3 =	rddreg [dreg:$0x2];
	[bflag:$0x3] =	sbarrier.arrive $0xFFFF;
	s2 =	simm.s32 @!p0 $0x1C05  }
0x91: {  	[timem:s3], [sflag:s2] =	dma.local @!p0 [hbm:s0], s1  }
0x92: {  	s0 =	simm.s32 @!p0 $0x5  }
0x93: {  	_ =	swait.ge @!p0 [sflag:s0], s1  }
0x94: {  	s1 =	ssub.s32 @!p0 $0x0, s1;
	[sflag:s0] =	ssyncset.done @!p0 $0x0  }
0x95: {  	[sflag:s0] =	ssyncadd.s32 @!p0 s1  }
0x96: {  	[bflag:$0x3] =	sbarrier.arrive $0xFFFF  }
0x97: {  	_ =	shalt  }

// kernel: kernel.14.cloned.1.call-start
scs
__scs_entry_jumppad:
0x0: {  	(pc) =	sbr.rel $0x88, $3  }
0x1: {  	(tag) =	ssettag $0x0;
	lr =	simm.s32 $0x1  }
0x2: {  	[smem:$0x3F9B] =	sst lr;
	_ =	strace $0xD0000000  }
0x3: {  	_ = 	snop  }
0x4: {  	_ = 	snop  }
0x5: {  	_ = 	snop  }
0x6: {  	_ = 	snop  }
0x7: {  	_ = 	snop  }
__scs_overlays_trampoline_lowered:
0x8: {  	[smem:$0x3FAA] =	sst s0  }
0x9: {  	[smem:$0x3FAB] =	sst s1  }
0xa: {  	[smem:$0x3FAC] =	sst s2  }
0xb: {  	[smem:$0x3FAD] =	sst s3  }
0xc: {  	[smem:$0x3FAE] =	sst s4  }
0xd: {  	[smem:$0x3FAF] =	sst s5  }
0xe: {  	[smem:$0x3FB0] =	sst s6  }
0xf: {  	[smem:$0x3FB1] =	sst s7  }
0x10: {  	[smem:$0x3FB2] =	sst s8  }
0x11: {  	[smem:$0x3FB3] =	sst s9;
	s0 =	simm.s32 @!p0 $0x0  }
0x12: {  	s1 =	sld [smem:$0x3F99];
	s0 =	simm.s32 @p0 $0x1  }
0x13: {  	[smem:$0x3FB4] =	sst s0;
	s0 =	simm.s32 @!p1 $0x0  }
0x14: {  	s2 =	sld [smem:$0x3F98];
	s0 =	simm.s32 @p1 $0x1  }
0x15: {  	[smem:$0x3FB5] =	sst s0;
	s0 =	simm.s32 @!p2 $0x0  }
0x16: {  	s3 =	sld [smem:$0x3FDB];
	s0 =	simm.s32 @p2 $0x1  }
0x17: {  	s4 =	simm.s32 $0x1BF5;
	[smem:$0x3FB7] =	sst s0  }
0x18: {  	s0 =	sld [smem:$0x3F9A];
	_ =	swait.ge [sflag:s4], $0x0  }
0x19: {  	s7 =	sld [smem:$0x3F9B]  }
0x1a: {  	s8 =	sadd.s32 $0xFFFFE003, lr  }
0x1b: {  	s9 =	sadd.s32 $0xFFFFFEF7, lr;
	s5 =	simm.s32 $0xFFFFFFFF;
	p2 =	slt.u32 s8, $0xFFFFF086  }
0x1c: {  	p1 =	slt.u32 s9, $0xF7A;
	s5 =	simm.s32 @!p2 $0x0  }
0x1d: {  	s5 =	simm.s32 @p1 $0x1;
	p0 =	seq.s32 s7, s2  }
0x1e: {  	s7 =	smul.u32 @!p0 $0xF7A, s2;
	p2 =	seq.s32 @!p0 s5, $0x0  }
0x1f: {  	s9 =	smul.u32 $0xF7A, s1;
	s8 =	simm.s32 @!p0 $0x1BF5;
	p2 =	por !p2, p0  }
0x20: {  	[sflag:s8] =	ssyncset.s32 @!p0 $0xFFFFF086;
	s6 =	sadd.s32 @!p0 s3, s7;
	s7 =	simm.s32 @!p0 $0x108  }
0x21: {  	s3 =	sadd.s32 s3, s9;
	s6 =	sadd.s32 @!p0 $0x88, s6;
	s7 =	simm.s32 @p2 $0x1082  }
0x22: {  	[simem:s7], [sflag:s8] =	dma.local @!p0 [hbm:s6], $0xF7A  }
0x23: {  	s9 =	sor.u32 $0xD0000000, s2;
	s6 =	simm.s32 $0x108;
	_ =	swait.ge @!p0 [sflag:s8], $0x0  }
0x24: {  	s3 =	sadd.s32 $0x88, s3;
	s6 =	simm.s32 @!p1 $0x1082;
	[sflag:s4] =	ssyncset.s32 $0xFFFFF086  }
0x25: {  	[simem:s6], [sflag:s4] =	dma.local [hbm:s3], $0xF7A  }
0x26: {  	[smem:$0x3F9B] =	sst s1;
	(tag) =	ssettag s2;
	_ =	strace s9  }
0x27: {  	s1 =	sld [smem:$0x3FAB]  }
0x28: {  	s2 =	sld [smem:$0x3FAC]  }
0x29: {  	s4 =	sld [smem:$0x3FAE]  }
0x2a: {  	p0 =	seq.s32 s5, $0x0;
	s5 =	sld [smem:$0x3FAF]  }
0x2b: {  	s6 =	sld [smem:$0x3FB0]  }
0x2c: {  	s7 =	sld [smem:$0x3FB1]  }
0x2d: {  	s3 =	simm.s32 $0x108;
	s8 =	sld [smem:$0x3FB2]  }
0x2e: {  	s3 =	simm.s32 @!p0 $0x1082;
	s9 =	sld [smem:$0x3FB3]  }
0x2f: {  	lr =	sadd.s32 s0, s3;
	s0 =	sld [smem:$0x3FAA]  }
0x30: {  	s3 =	sld [smem:$0x3FAD]  }
0x31: {  	[smem:$0x3FB6] =	sst s10  }
0x32: {  	s10 =	sld [smem:$0x3FB4];
	_ =	sdelay $0x3  }
0x33: {  	p0 =	seq.s32 s10, $0x1;
	s10 =	sld [smem:$0x3FB6];
	_ =	sdelay $0x3  }
0x34: {  	[smem:$0x3FB6] =	sst s10  }
0x35: {  	s10 =	sld [smem:$0x3FB5];
	_ =	sdelay $0x3  }
0x36: {  	p1 =	seq.s32 s10, $0x1;
	s10 =	sld [smem:$0x3FB6];
	_ =	sdelay $0x3  }
0x37: {  	[smem:$0x3FB6] =	sst s10  }
0x38: {  	s10 =	sld [smem:$0x3FB7]  }
0x39: {  	_ = 	snop;
	(pc) =	sbr.ind lr, $3  }
0x3a: {  	_ = 	snop  }
0x3b: {  	_ = 	snop  }
0x3c: {  	p2 =	seq.s32 s10, $0x1;
	s10 =	sld [smem:$0x3FB6]  }
0x3d: {  	_ =	shalt  }
0x3e: {  	_ =	shalt  }
0x3f: {  	_ =	shalt  }
0x40: {  	_ =	shalt  }
0x41: {  	_ =	shalt  }
0x42: {  	_ =	shalt  }
0x43: {  	_ =	shalt  }
0x44: {  	_ =	shalt  }
0x45: {  	_ =	shalt  }
0x46: {  	_ =	shalt  }
0x47: {  	_ =	shalt  }
0x48: {  	_ =	shalt  }
0x49: {  	_ =	shalt  }
0x4a: {  	_ =	shalt  }
0x4b: {  	_ =	shalt  }
0x4c: {  	_ =	shalt  }
0x4d: {  	_ =	shalt  }
0x4e: {  	_ =	shalt  }
0x4f: {  	_ =	shalt  }
0x50: {  	_ =	shalt  }
0x51: {  	_ =	shalt  }
0x52: {  	_ =	shalt  }
0x53: {  	_ =	shalt  }
0x54: {  	_ =	shalt  }
0x55: {  	_ =	shalt  }
0x56: {  	_ =	shalt  }
0x57: {  	_ =	shalt  }
0x58: {  	_ =	shalt  }
0x59: {  	_ =	shalt  }
0x5a: {  	_ =	shalt  }
0x5b: {  	_ =	shalt  }
0x5c: {  	_ =	shalt  }
0x5d: {  	_ =	shalt  }
0x5e: {  	_ =	shalt  }
0x5f: {  	_ =	shalt  }
0x60: {  	_ =	shalt  }
0x61: {  	_ =	shalt  }
0x62: {  	_ =	shalt  }
0x63: {  	_ =	shalt  }
0x64: {  	_ =	shalt  }
0x65: {  	_ =	shalt  }
0x66: {  	_ =	shalt  }
0x67: {  	_ =	shalt  }
0x68: {  	_ =	shalt  }
0x69: {  	_ =	shalt  }
0x6a: {  	_ =	shalt  }
0x6b: {  	_ =	shalt  }
0x6c: {  	_ =	shalt  }
0x6d: {  	_ =	shalt  }
0x6e: {  	_ =	shalt  }
0x6f: {  	_ =	shalt  }
0x70: {  	_ =	shalt  }
0x71: {  	_ =	shalt  }
0x72: {  	_ =	shalt  }
0x73: {  	_ =	shalt  }
0x74: {  	_ =	shalt  }
0x75: {  	_ =	shalt  }
0x76: {  	_ =	shalt  }
0x77: {  	_ =	shalt  }
0x78: {  	_ =	shalt  }
0x79: {  	_ =	shalt  }
0x7a: {  	_ =	shalt  }
0x7b: {  	_ =	shalt  }
0x7c: {  	_ =	shalt  }
0x7d: {  	_ =	shalt  }
0x7e: {  	_ =	shalt  }
0x7f: {  	_ =	shalt  }
0x80: {  	_ =	shalt  }
0x81: {  	_ =	shalt  }
0x82: {  	_ =	shalt  }
0x83: {  	_ =	shalt  }
0x84: {  	_ =	shalt  }
0x85: {  	_ =	shalt  }
0x86: {  	_ =	shalt  }
0x87: {  	_ =	shalt  }
.Lfunc_end0:
.L_simem_size_0:
called_computation.2_lowered:
.L_overlay_start_0:
0x88: {  	s2 =	sld [smem:$0x3FD9]  }
0x89: {  	s3 =	sld [smem:$0x3FFE];
	_ =	sdelay $0x1  }
0x8a: {  	s1 =	srdreg.scid  }
0x8b: {  	s0 =	sand.u32 $0x1, s1  }
0x8c: {  	s16 =	sshll.u32 s0, $0xA;
	s2 =	sadd.s32 s3, s2  }
0x8d: {  	s2 =	sadd.s32 s2, s16  }
0x8e: {  	[smem:$0x3FC2] =	sst s2  }
0x8f: {  	_ = 	snop  }
0x90: {  	(tm) =	ssettm $0x1  }
0x91: {  	s17 =	sld [smem:$0x3FFB];
	_ =	sdelay $0x3  }
0x92: {  	_ =	strace s17  }
0x93: {  	s2 =	sld [smem:$0x3FFC];
	_ =	sdelay $0x3  }
0x94: {  	_ =	strace s2  }
0x95: {  	s2 =	sld [smem:$0x3FFD];
	_ =	sdelay $0x3  }
0x96: {  	_ =	strace s2  }
0x97: {  	_ =	strace $0x8FFFFFFF  }
0x98: {  	s18 =	sld [smem:$0x3FDB];
	_ =	sdelay $0x1  }
0x99: {  	s19 =	simm.s32 $_scs_section_size  }
0x9a: {  	s4 =	simm.s32 $_size__tile_overlayer_lowered;
	s5 =	simm.s32 $_tile_overlayer_lowered  }
0x9b: {  	s22 =	simm.s32 $0x1BFF;
	s21 =	sshll.u32 s5, $0x1;
	s2 =	sadd.s32 s19, s18  }
0x9c: {  	s6 =	simm.s32 $0x0;
	s20 =	sshll.u32 s4, $0x1;
	s4 =	sadd.s32 s21, s2  }
0x9d: {  	[timem:s6], [sflag:s22] =	dma.local [hbm:s4], s20  }
0x9e: {  	_ =	swait.ge [sflag:s22], s20  }
0x9f: {  	s3 =	ssub.s32 $0x0, s20;
	[sflag:s22] =	ssyncset.done $0x0  }
0xa0: {  	[sflag:s22] =	ssyncadd.s32 s3;
	_ =	sdelay $0x1  }
0xa1: {  	s23 =	simm.s32 $0x1B8B  }
0xa2: {  	_ =	swait.ge [sflag:s23], $0x1  }
0xa3: {  	[sflag:s23] =	ssyncset.done $0x0  }
0xa4: {  	s25 =	simm.s32 $0x1B8E;
	s24 =	sld [smem:$0x3FFE];
	[sflag:s23] =	ssyncadd.s32 $0xFFFFFFFF  }
0xa5: {  	s26 =	simm.s32 $execute0_lowered;
	[smem:$0x3FD2] =	sst s25  }
0xa6: {  	s4 =	sshll.u32 s26, $0x1;
	_ =	strace $0x8000004C;
	[dreg:$0x1] =	wrdreg $0xFFFFFFFF  }
0xa7: {  	s28 =	simm.s32 $_size_execute0_lowered;
	s2 =	sadd.s32 s2, s4;
	[dreg:$0x0] =	wrdreg $0x0  }
0xa8: {  	s4 =	sshll.u32 s28, $0x1;
	[dreg:$0x2] =	wrdreg s2  }
0xa9: {  	[dreg:$0x3] =	wrdreg s4  }
0xaa: {  	[dreg:$0x4] =	wrdreg $0xC0  }
0xab: {  	_ =	task [dreg:s6], $0x5FFFF  }
0xac: {  	[dreg:$0x1] =	wrdreg $0xFFFFFFFF  }
0xad: {  	[dreg:$0x0] =	wrdreg $0x60  }
0xae: {  	[dreg:$0x2] =	wrdreg s24  }
0xaf: {  	[dreg:$0x3] =	wrdreg $0x82000  }
0xb0: {  	[dreg:$0x4] =	wrdreg $0x9  }
0xb1: {  	_ =	task.clear_ibuf [dreg:s6], $0x5FFFF;
	_ =	strace $0x9000004C  }
0xb2: {  	s29 =	simm.s32 $0x9;
	_ =	strace $0x8000004E  }
0xb3: {  	_ =	swait.ge [sflag:s29], $0x1  }
0xb4: {  	[sflag:s29] =	ssyncadd.s32 $0xFFFFFFFF  }
0xb5: {  	_ =	strace $0x9000004E  }
0xb6: {  	_ =	sfence  }
0xb7: {  	s30 =	sld [smem:$0x0];
	_ =	sdelay $0x2  }
0xb8: {  	s31 =	sshll.u32 s1, $0xD;
	s1 =	sshrl.u32 s1, $0x2  }
0xb9: {  	s3 =	sand.u32 $0x4000, s31;
	s1 =	sadd.s32 s1, s30  }
0xba: {  	s0 =	sor.u32 s3, s0;
	s1 =	sshll.u32 s1, $0x11  }
0xbb: {  	s0 =	sor.u32 s1, s0  }
0xbc: {  	s0 =	sadd.s32 $0x8F2B, s0  }
0xbd: {  	[sflag:s0] =	ssyncadd.remote.s32 $0x1  }
0xbe: {  	_ =	sfence.sel $0xFFFF  }
0xbf: {  	[dreg:$0x0] =	wrdreg $0xFFFFFFFF;
	(pc) =	sbr.abs _section_cstart, $3  }
0xc0: {  	[dreg:$0x1] =	wrdreg $0xFFFFFFFF  }
0xc1: {  	_ =	task.clear_ibuf [dreg:s6], $0x2FFFF;
	_ =	strace $0x9FFFFFFF  }
0xc2: {  	(tm) =	ssettm $0x7FFFFFFF  }
0xc3: {  	_ =	shalt  }
tec
execute0_lowered:
.L_overlay_start_1:
0x0: {  	(tag) =	ssettag $0x1  }
0x1: {  	s6 =	rddreg [dreg:$0x0]  }
0x2: {  	s1 =	rddreg [dreg:$0x1]  }
0x3: {  	s0 =	rddreg [dreg:$0x2];
	s3 =	simm.s32 $0x0  }
0x4: {  	s4 =	srdreg.scid;
	s2 =	stileid.u32;
	s12 =	simm.s32 $0x47  }
0x5: {  	s16 =	simm.s32 $0x200;
	s17 =	simm.s32 $0x5;
	s18 =	simm.s32 $0x80  }
0x6: {  	s19 =	simm.s32 $0x100;
	s20 =	simm.s32 $0x4;
	s21 =	simm.s32 $0x4200  }
0x7: {  	s22 =	simm.s32 $0x1;
	s23 =	simm.s32 $0x2;
	s24 =	simm.s32 $0x180  }
0x8: {  	s25 =	simm.s32 $0x3;
	s5 =	sand.u32 $0x1, s4;
	s4 =	smul.u32 $0x90, s2  }
0x9: {  	s26 =	simm.s32 $0x0;
	[smem:$0x7FF] =	sst s3;
	s8 =	smul.u32 $0x2800, s2  }
0xa: {  	s7 =	sshll.u32 s2, $0x4;
	s9 =	smul.u32 $0x50000, s2;
	p0 =	seq.s32 s5, $0x0  }
0xb: {  	s7 =	sor.u32 $0x900, s7;
	_ =	strace $0x8000004D;
	s10 =	smul.u32 $0x28000, s5  }
0xc: {  	s29 =	ssub.s32 $0x2, s5;
	s7 =	smov.u32 @p0 s4;
	s4 =	sadd.s32 $0x21000, s6  }
0xd: {  	s30 =	sshrl.u32 s9, $0x2;
	s31 =	sshrl.u32 s29, $0x1;
	s12 =	simm.s32 @!p0 $0x7  }
0xe: {  	s7 =	sshll.u32 s7, $0x5;
	s8 =	sadd.s32 s8, s10;
	s5 =	sadd.s32 s30, s1  }
0xf: {  	s14 =	ssub.s32 s29, s31;
	s15 =	sadd.s32 s7, s6;
	s13 =	sadd.s32 s8, s6  }
0x10: {  	s6 =	sadd.s32 $0x4000, s5;
	s7 =	sadd.s32 $0x8000, s5;
	s8 =	sadd.s32 $0xC000, s5  }
0x11: {  	s9 =	sadd.s32 $0x10000, s5;
	s14 =	smax.u32 s14, $0x1;
	s10 =	sadd.s32 $0xD000, s15  }
0x12: {  	v0 =	vimm.f32 $0.0e+00;
	s11 =	sadd.s32 $0xD020, s15;
	s13 =	sadd.s32 $0x48200, s13;
	s15 =	sadd.s32 $0xD060, s15  }
.LBB2_1:
0x13: {  	s28 =	simm.s32 $0x0;
	s29 =	simm.s32 $0x200  }
.LBB2_2:
0x14: {  	p0 =	sne.s32 s29, $0xFE00;
	[tilespmem:s28+$0x270] =	vst v0  }
0x15: {  	[tilespmem:s28+$0x200] =	vst v0  }
0x16: {  	[tilespmem:s28+$0x210] =	vst v0  }
.Ltmp0:
0x17: {  	[tilespmem:s28+$0x220] =	vst v0;
	(pc) =	sbr.rel @p0 .LBB2_2-.Ltmp0, $4  }
0x18: {  	[tilespmem:s28+$0x230] =	vst v0  }
0x19: {  	[tilespmem:s28+$0x240] =	vst v0  }
0x1a: {  	[tilespmem:s28+$0x250] =	vst v0  }
0x1b: {  	[tilespmem:s28+$0x260] =	vst v0;
	s28 =	sshra.s32 s29, $0x2;
	s29 =	sadd.s32 $0x200, s29  }
0x1c: {  	[tilespmem:s28+$0x270] =	vst v0  }
0x1d: {  	[tilespmem:s28+$0x200] =	vst v0  }
0x1e: {  	[tilespmem:s28+$0x210] =	vst v0  }
0x1f: {  	[tilespmem:s28+$0x220] =	vst v0  }
0x20: {  	[tilespmem:s28+$0x230] =	vst v0  }
0x21: {  	[tilespmem:s28+$0x240] =	vst v0  }
0x22: {  	[tilespmem:s28+$0x250] =	vst v0  }
0x23: {  	[tilespmem:s28+$0x260] =	vst v0  }
0x24: {  	[spmem:s5] =	stream.linear.scatter [tilespmem:s16], [sflag:$0x5], $0x4000, $0x38;
	[tilespmem:$0x1C200] =	vst v63  }
0x25: {  	_ =	swait.ge [sflag:s17], $0x4000  }
0x26: {  	[sflag:s17] =	ssyncset.done $0x0  }
0x27: {  	[sflag:s17] =	ssyncadd.s32 $0xFFFFC000  }
0x28: {  	[spmem:s6] =	stream.linear.scatter [tilespmem:s16], [sflag:$0x5], $0x4000, $0x38;
	[tilespmem:$0x1C200] =	vst v63  }
0x29: {  	_ =	swait.ge [sflag:s17], $0x4000  }
0x2a: {  	[sflag:s17] =	ssyncset.done $0x0  }
0x2b: {  	[sflag:s17] =	ssyncadd.s32 $0xFFFFC000  }
0x2c: {  	[spmem:s7] =	stream.linear.scatter [tilespmem:s16], [sflag:$0x5], $0x4000, $0x38;
	[tilespmem:$0x1C200] =	vst v63  }
0x2d: {  	_ =	swait.ge [sflag:s17], $0x4000  }
0x2e: {  	[sflag:s17] =	ssyncset.done $0x0  }
0x2f: {  	[sflag:s17] =	ssyncadd.s32 $0xFFFFC000  }
0x30: {  	[spmem:s8] =	stream.linear.scatter [tilespmem:s16], [sflag:$0x5], $0x4000, $0x38;
	[tilespmem:$0x1C200] =	vst v63  }
0x31: {  	_ =	swait.ge [sflag:s17], $0x4000  }
0x32: {  	[sflag:s17] =	ssyncset.done $0x0  }
0x33: {  	[sflag:s17] =	ssyncadd.s32 $0xFFFFC000  }
0x34: {  	[spmem:s9] =	stream.linear.scatter [tilespmem:s16], [sflag:$0x5], $0x4000, $0x38;
	[tilespmem:$0x1C200] =	vst v63  }
0x35: {  	_ =	swait.ge [sflag:s17], $0x4000  }
0x36: {  	[sflag:s17] =	ssyncset.done $0x0  }
0x37: {  	[sflag:s17] =	ssyncadd.s32 $0xFFFFC000  }
0x38: {  	[bflag:$0x0] =	sbarrier.arrive $0xFFFF  }
0x39: {  	[tilespmem:s3], [sflag:$0x5] =	stream.linear.gather [hbm4b:s10+s3], $0x100, $0x38;
	[tilespmem:$0x1C200] =	vst v63  }
0x3a: {  	_ =	swait.ge [sflag:s17], $0x100  }
0x3b: {  	[sflag:s17] =	ssyncset.done $0x0  }
0x3c: {  	[sflag:s17] =	ssyncadd.s32 $0xFFFFFF00  }
0x3d: {  	[tilespmem:s16], [sflag:$0x1] =	stream.indirect.gather [hbm4b:s4+s18], $0x80, s3, s18, $0xb8;
	[tilespmem:$0x1C200] =	vst v63  }
0x3e: {  	_ = 	snop  }
0x3f: {  	[tilespmem:s19], [sflag:$0x4] =	stream.linear.gather [hbm4b:s11+s3], $0x100, $0x38;
	[tilespmem:$0x1C200] =	vst v63  }
0x40: {  	_ =	swait.ge [sflag:s20], $0x100  }
0x41: {  	[sflag:s20] =	ssyncset.done $0x0  }
0x42: {  	[sflag:s20] =	ssyncadd.s32 $0xFFFFFF00  }
0x43: {  	[tilespmem:s21], [sflag:$0x2] =	stream.indirect.gather [hbm4b:s4+s18], $0x80, s19, s18, $0xb8;
	[tilespmem:$0x1C200] =	vst v63  }
0x44: {  	_ =	swait.ge [sflag:s22], $0x4000  }
0x45: {  	[sflag:s22] =	ssyncset.done $0x0  }
0x46: {  	[sflag:s22] =	ssyncadd.s32 $0xFFFFC000  }
0x47: {  	[spmem:s1] =	stream.indirect.scatter.add.f32 [tilespmem:s16], [sflag:$0x5], $0x80, s18, s18, $0xb8;
	[tilespmem:$0x1C200] =	vst v63  }
0x48: {  	_ =	swait.ge [sflag:s17], $0x4000  }
0x49: {  	[sflag:s17] =	ssyncset.done $0x0  }
0x4a: {  	s28 =	sadd.s32 $0xFFFFFFE0, s15;
	[sflag:s17] =	ssyncadd.s32 $0xFFFFC000  }
0x4b: {  	[tilespmem:s3], [sflag:$0x3] =	stream.linear.gather [hbm4b:s28+s3], $0x100, $0x38;
	[tilespmem:$0x1C200] =	vst v63  }
0x4c: {  	_ =	swait.ge [sflag:s23], $0x4000  }
0x4d: {  	[sflag:s23] =	ssyncset.done $0x0  }
0x4e: {  	[sflag:s23] =	ssyncadd.s32 $0xFFFFC000  }
0x4f: {  	[spmem:s1] =	stream.indirect.scatter.add.f32 [tilespmem:s21], [sflag:$0x5], $0x80, s24, s18, $0xb8;
	[tilespmem:$0x1C200] =	vst v63  }
0x50: {  	_ =	swait.ge [sflag:s17], $0x4000  }
0x51: {  	p0 =	sne.s32 s12, $0x1;
	[sflag:s17] =	ssyncset.done $0x0  }
.Ltmp1:
0x52: {  	[sflag:s17] =	ssyncadd.s32 $0xFFFFC000;
	(pc) =	sbr.rel @!p0 .LBB2_5-.Ltmp1, $4  }
0x53: {  	_ =	swait.ge [sflag:s25], $0x100  }
0x54: {  	s29 =	sadd.s32 $0x40, s15;
	[sflag:s25] =	ssyncset.done $0x0  }
0x55: {  	s30 =	smov.u32 s15;
	s28 =	sadd.s32 $0xFFFFFFFF, s12;
	[sflag:s25] =	ssyncadd.s32 $0xFFFFFF00  }
0x56: {  	[tilespmem:s16], [sflag:$0x1] =	stream.indirect.gather [hbm4b:s4+s18], $0x80, s3, s18, $0xb8;
	[tilespmem:$0x1C200] =	vst v63  }
.LBB2_4:
0x57: {  	[tilespmem:s19], [sflag:$0x4] =	stream.linear.gather [hbm4b:s30+s3], $0x100, $0x38;
	[tilespmem:$0x1C200] =	vst v63  }
0x58: {  	p0 =	sne.s32 s28, $0x1;
	s28 =	sadd.s32 $0xFFFFFFFF, s28;
	_ =	swait.ge [sflag:s20], $0x100  }
0x59: {  	s30 =	smov.u32 s29;
	[sflag:s20] =	ssyncset.done $0x0  }
0x5a: {  	[sflag:s20] =	ssyncadd.s32 $0xFFFFFF00  }
0x5b: {  	[tilespmem:s21], [sflag:$0x2] =	stream.indirect.gather [hbm4b:s4+s18], $0x80, s19, s18, $0xb8;
	[tilespmem:$0x1C200] =	vst v63  }
0x5c: {  	_ =	swait.ge [sflag:s22], $0x4000  }
0x5d: {  	[sflag:s22] =	ssyncset.done $0x0  }
0x5e: {  	[sflag:s22] =	ssyncadd.s32 $0xFFFFC000  }
0x5f: {  	[spmem:s1] =	stream.indirect.scatter.add.f32 [tilespmem:s16], [sflag:$0x5], $0x80, s18, s18, $0xb8;
	[tilespmem:$0x1C200] =	vst v63  }
0x60: {  	_ =	swait.ge [sflag:s17], $0x4000  }
0x61: {  	[sflag:s17] =	ssyncset.done $0x0  }
0x62: {  	s31 =	sadd.s32 $0xFFFFFFE0, s29;
	[sflag:s17] =	ssyncadd.s32 $0xFFFFC000  }
0x63: {  	[tilespmem:s3], [sflag:$0x3] =	stream.linear.gather [hbm4b:s31+s3], $0x100, $0x38;
	[tilespmem:$0x1C200] =	vst v63  }
0x64: {  	_ =	swait.ge [sflag:s23], $0x4000  }
0x65: {  	[sflag:s23] =	ssyncset.done $0x0  }
0x66: {  	[sflag:s23] =	ssyncadd.s32 $0xFFFFC000  }
0x67: {  	[spmem:s1] =	stream.indirect.scatter.add.f32 [tilespmem:s21], [sflag:$0x5], $0x80, s24, s18, $0xb8;
	[tilespmem:$0x1C200] =	vst v63  }
0x68: {  	_ =	swait.ge [sflag:s17], $0x4000  }
0x69: {  	[sflag:s17] =	ssyncset.done $0x0  }
0x6a: {  	[sflag:s17] =	ssyncadd.s32 $0xFFFFC000  }
.Ltmp2:
0x6b: {  	_ =	swait.ge [sflag:s25], $0x100;
	(pc) =	sbr.rel @p0 .LBB2_4-.Ltmp2, $4  }
0x6c: {  	[sflag:s25] =	ssyncset.done $0x0  }
0x6d: {  	[sflag:s25] =	ssyncadd.s32 $0xFFFFFF00  }
0x6e: {  	[tilespmem:s16], [sflag:$0x1] =	stream.indirect.gather [hbm4b:s4+s18], $0x80, s3, s18, $0xb8;
	[tilespmem:$0x1C200] =	vst v63  }
0x6f: {  	s29 =	sadd.s32 $0x40, s29  }
.LBB2_5:
0x70: {  	[tilespmem:s19], [sflag:$0x4] =	stream.linear.gather [hbm4b:s30+s3], $0x100, $0x38;
	[tilespmem:$0x1C200] =	vst v63  }
0x71: {  	_ =	swait.ge [sflag:s20], $0x100  }
0x72: {  	[sflag:s20] =	ssyncset.done $0x0  }
0x73: {  	[sflag:s20] =	ssyncadd.s32 $0xFFFFFF00  }
0x74: {  	[tilespmem:s21], [sflag:$0x2] =	stream.indirect.gather [hbm4b:s4+s18], $0x80, s19, s18, $0xb8;
	[tilespmem:$0x1C200] =	vst v63  }
0x75: {  	_ =	swait.ge [sflag:s22], $0x4000  }
0x76: {  	[sflag:s22] =	ssyncset.done $0x0  }
0x77: {  	[sflag:s22] =	ssyncadd.s32 $0xFFFFC000  }
0x78: {  	[spmem:s1] =	stream.indirect.scatter.add.f32 [tilespmem:s16], [sflag:$0x5], $0x80, s18, s18, $0xb8;
	[tilespmem:$0x1C200] =	vst v63  }
0x79: {  	_ =	swait.ge [sflag:s17], $0x4000  }
0x7a: {  	[sflag:s17] =	ssyncset.done $0x0  }
0x7b: {  	[sflag:s17] =	ssyncadd.s32 $0xFFFFC000  }
0x7c: {  	_ =	swait.ge [sflag:s23], $0x4000  }
0x7d: {  	[sflag:s23] =	ssyncset.done $0x0  }
0x7e: {  	[sflag:s23] =	ssyncadd.s32 $0xFFFFC000  }
0x7f: {  	[spmem:s1] =	stream.indirect.scatter.add.f32 [tilespmem:s21], [sflag:$0x5], $0x80, s24, s18, $0xb8;
	[tilespmem:$0x1C200] =	vst v63  }
0x80: {  	_ =	swait.ge [sflag:s17], $0x4000  }
0x81: {  	s28 =	sshll.u32 s2, $0x6;
	s26 =	sadd.s32 $0x1, s26;
	[sflag:s17] =	ssyncset.done $0x0  }
0x82: {  	s29 =	sshrl.u32 s5, $0x3;
	p0 =	sne.s32 s26, s14;
	[sflag:s17] =	ssyncadd.s32 $0xFFFFC000  }
.Ltmp3:
0x83: {  	s28 =	sor.u32 $0x1C05, s28;
	[bflag:$0x0] =	sbarrier.arrive $0xFFFF;
	(pc) =	sbr.rel @p0 .LBB2_1-.Ltmp3, $4  }
0x84: {  	[hbm:s13], [sflag:s28] =	dma.local [spmem:s29], $0x2800  }
0x85: {  	_ =	swait.ge [sflag:s17], $0x2800  }
0x86: {  	[sflag:s17] =	ssyncset.done $0x0  }
0x87: {  	[sflag:s17] =	ssyncadd.s32 $0xFFFFD800  }
0x88: {  	_ =	sfence.sel $0x180000  }
0x89: {  	[bflag:$0x0] =	sbarrier.arrive $0xFFFF  }
0x8a: {  	p0 =	sne.s32 s2, $0x0;
	_ =	strace $0x9000004D  }
0x8b: {  	s0 =	sadd.s32 @!p0 $0x100000, s0;
	[bflag:$0x2] =	sbarrier.arrive $0xFFFF  }
0x8c: {  	[sflag:s0] =	ssyncadd.tile.s32 @!p0 $0x1;
	_ =	shalt  }
.Lfunc_end2:
_tile_overlayer_lowered:
.L_overlay_start_2:
0x8d: {  	(tag) =	ssettag $0x2  }
0x8e: {  	s0 =	rddreg [dreg:$0x0];
	s2 =	stileid.u32  }
0x8f: {  	s1 =	rddreg [dreg:$0x1];
	p0 =	sne.s32 s2, $0x0  }
0x90: {  	s3 =	rddreg [dreg:$0x2];
	[bflag:$0x3] =	sbarrier.arrive $0xFFFF;
	s2 =	simm.s32 @!p0 $0x1C05  }
0x91: {  	[timem:s3], [sflag:s2] =	dma.local @!p0 [hbm:s0], s1  }
0x92: {  	s0 =	simm.s32 @!p0 $0x5  }
0x93: {  	_ =	swait.ge @!p0 [sflag:s0], s1  }
0x94: {  	s1 =	ssub.s32 @!p0 $0x0, s1;
	[sflag:s0] =	ssyncset.done @!p0 $0x0  }
0x95: {  	[sflag:s0] =	ssyncadd.s32 @!p0 s1  }
0x96: {  	[bflag:$0x3] =	sbarrier.arrive $0xFFFF  }
0x97: {  	_ =	shalt  }

// kernel: kernel.8.cloned.1.call-start
scs
__scs_entry_jumppad:
0x0: {  	(pc) =	sbr.rel $0x88, $3  }
0x1: {  	(tag) =	ssettag $0x0;
	lr =	simm.s32 $0x1  }
0x2: {  	[smem:$0x3F9B] =	sst lr;
	_ =	strace $0xD0000000  }
0x3: {  	_ = 	snop  }
0x4: {  	_ = 	snop  }
0x5: {  	_ = 	snop  }
0x6: {  	_ = 	snop  }
0x7: {  	_ = 	snop  }
__scs_overlays_trampoline_lowered:
0x8: {  	[smem:$0x3FAA] =	sst s0  }
0x9: {  	[smem:$0x3FAB] =	sst s1  }
0xa: {  	[smem:$0x3FAC] =	sst s2  }
0xb: {  	[smem:$0x3FAD] =	sst s3  }
0xc: {  	[smem:$0x3FAE] =	sst s4  }
0xd: {  	[smem:$0x3FAF] =	sst s5  }
0xe: {  	[smem:$0x3FB0] =	sst s6  }
0xf: {  	[smem:$0x3FB1] =	sst s7  }
0x10: {  	[smem:$0x3FB2] =	sst s8  }
0x11: {  	[smem:$0x3FB3] =	sst s9;
	s0 =	simm.s32 @!p0 $0x0  }
0x12: {  	s1 =	sld [smem:$0x3F99];
	s0 =	simm.s32 @p0 $0x1  }
0x13: {  	[smem:$0x3FB4] =	sst s0;
	s0 =	simm.s32 @!p1 $0x0  }
0x14: {  	s2 =	sld [smem:$0x3F98];
	s0 =	simm.s32 @p1 $0x1  }
0x15: {  	[smem:$0x3FB5] =	sst s0;
	s0 =	simm.s32 @!p2 $0x0  }
0x16: {  	s3 =	sld [smem:$0x3FDB];
	s0 =	simm.s32 @p2 $0x1  }
0x17: {  	s4 =	simm.s32 $0x1BF5;
	[smem:$0x3FB7] =	sst s0  }
0x18: {  	s0 =	sld [smem:$0x3F9A];
	_ =	swait.ge [sflag:s4], $0x0  }
0x19: {  	s7 =	sld [smem:$0x3F9B]  }
0x1a: {  	s8 =	sadd.s32 $0xFFFFE003, lr  }
0x1b: {  	s9 =	sadd.s32 $0xFFFFFEF7, lr;
	s5 =	simm.s32 $0xFFFFFFFF;
	p2 =	slt.u32 s8, $0xFFFFF086  }
0x1c: {  	p1 =	slt.u32 s9, $0xF7A;
	s5 =	simm.s32 @!p2 $0x0  }
0x1d: {  	s5 =	simm.s32 @p1 $0x1;
	p0 =	seq.s32 s7, s2  }
0x1e: {  	s7 =	smul.u32 @!p0 $0xF7A, s2;
	p2 =	seq.s32 @!p0 s5, $0x0  }
0x1f: {  	s9 =	smul.u32 $0xF7A, s1;
	s8 =	simm.s32 @!p0 $0x1BF5;
	p2 =	por !p2, p0  }
0x20: {  	[sflag:s8] =	ssyncset.s32 @!p0 $0xFFFFF086;
	s6 =	sadd.s32 @!p0 s3, s7;
	s7 =	simm.s32 @!p0 $0x108  }
0x21: {  	s3 =	sadd.s32 s3, s9;
	s6 =	sadd.s32 @!p0 $0x88, s6;
	s7 =	simm.s32 @p2 $0x1082  }
0x22: {  	[simem:s7], [sflag:s8] =	dma.local @!p0 [hbm:s6], $0xF7A  }
0x23: {  	s9 =	sor.u32 $0xD0000000, s2;
	s6 =	simm.s32 $0x108;
	_ =	swait.ge @!p0 [sflag:s8], $0x0  }
0x24: {  	s3 =	sadd.s32 $0x88, s3;
	s6 =	simm.s32 @!p1 $0x1082;
	[sflag:s4] =	ssyncset.s32 $0xFFFFF086  }
0x25: {  	[simem:s6], [sflag:s4] =	dma.local [hbm:s3], $0xF7A  }
0x26: {  	[smem:$0x3F9B] =	sst s1;
	(tag) =	ssettag s2;
	_ =	strace s9  }
0x27: {  	s1 =	sld [smem:$0x3FAB]  }
0x28: {  	s2 =	sld [smem:$0x3FAC]  }
0x29: {  	s4 =	sld [smem:$0x3FAE]  }
0x2a: {  	p0 =	seq.s32 s5, $0x0;
	s5 =	sld [smem:$0x3FAF]  }
0x2b: {  	s6 =	sld [smem:$0x3FB0]  }
0x2c: {  	s7 =	sld [smem:$0x3FB1]  }
0x2d: {  	s3 =	simm.s32 $0x108;
	s8 =	sld [smem:$0x3FB2]  }
0x2e: {  	s3 =	simm.s32 @!p0 $0x1082;
	s9 =	sld [smem:$0x3FB3]  }
0x2f: {  	lr =	sadd.s32 s0, s3;
	s0 =	sld [smem:$0x3FAA]  }
0x30: {  	s3 =	sld [smem:$0x3FAD]  }
0x31: {  	[smem:$0x3FB6] =	sst s10  }
0x32: {  	s10 =	sld [smem:$0x3FB4];
	_ =	sdelay $0x3  }
0x33: {  	p0 =	seq.s32 s10, $0x1;
	s10 =	sld [smem:$0x3FB6];
	_ =	sdelay $0x3  }
0x34: {  	[smem:$0x3FB6] =	sst s10  }
0x35: {  	s10 =	sld [smem:$0x3FB5];
	_ =	sdelay $0x3  }
0x36: {  	p1 =	seq.s32 s10, $0x1;
	s10 =	sld [smem:$0x3FB6];
	_ =	sdelay $0x3  }
0x37: {  	[smem:$0x3FB6] =	sst s10  }
0x38: {  	s10 =	sld [smem:$0x3FB7]  }
0x39: {  	_ = 	snop;
	(pc) =	sbr.ind lr, $3  }
0x3a: {  	_ = 	snop  }
0x3b: {  	_ = 	snop  }
0x3c: {  	p2 =	seq.s32 s10, $0x1;
	s10 =	sld [smem:$0x3FB6]  }
0x3d: {  	_ =	shalt  }
0x3e: {  	_ =	shalt  }
0x3f: {  	_ =	shalt  }
0x40: {  	_ =	shalt  }
0x41: {  	_ =	shalt  }
0x42: {  	_ =	shalt  }
0x43: {  	_ =	shalt  }
0x44: {  	_ =	shalt  }
0x45: {  	_ =	shalt  }
0x46: {  	_ =	shalt  }
0x47: {  	_ =	shalt  }
0x48: {  	_ =	shalt  }
0x49: {  	_ =	shalt  }
0x4a: {  	_ =	shalt  }
0x4b: {  	_ =	shalt  }
0x4c: {  	_ =	shalt  }
0x4d: {  	_ =	shalt  }
0x4e: {  	_ =	shalt  }
0x4f: {  	_ =	shalt  }
0x50: {  	_ =	shalt  }
0x51: {  	_ =	shalt  }
0x52: {  	_ =	shalt  }
0x53: {  	_ =	shalt  }
0x54: {  	_ =	shalt  }
0x55: {  	_ =	shalt  }
0x56: {  	_ =	shalt  }
0x57: {  	_ =	shalt  }
0x58: {  	_ =	shalt  }
0x59: {  	_ =	shalt  }
0x5a: {  	_ =	shalt  }
0x5b: {  	_ =	shalt  }
0x5c: {  	_ =	shalt  }
0x5d: {  	_ =	shalt  }
0x5e: {  	_ =	shalt  }
0x5f: {  	_ =	shalt  }
0x60: {  	_ =	shalt  }
0x61: {  	_ =	shalt  }
0x62: {  	_ =	shalt  }
0x63: {  	_ =	shalt  }
0x64: {  	_ =	shalt  }
0x65: {  	_ =	shalt  }
0x66: {  	_ =	shalt  }
0x67: {  	_ =	shalt  }
0x68: {  	_ =	shalt  }
0x69: {  	_ =	shalt  }
0x6a: {  	_ =	shalt  }
0x6b: {  	_ =	shalt  }
0x6c: {  	_ =	shalt  }
0x6d: {  	_ =	shalt  }
0x6e: {  	_ =	shalt  }
0x6f: {  	_ =	shalt  }
0x70: {  	_ =	shalt  }
0x71: {  	_ =	shalt  }
0x72: {  	_ =	shalt  }
0x73: {  	_ =	shalt  }
0x74: {  	_ =	shalt  }
0x75: {  	_ =	shalt  }
0x76: {  	_ =	shalt  }
0x77: {  	_ =	shalt  }
0x78: {  	_ =	shalt  }
0x79: {  	_ =	shalt  }
0x7a: {  	_ =	shalt  }
0x7b: {  	_ =	shalt  }
0x7c: {  	_ =	shalt  }
0x7d: {  	_ =	shalt  }
0x7e: {  	_ =	shalt  }
0x7f: {  	_ =	shalt  }
0x80: {  	_ =	shalt  }
0x81: {  	_ =	shalt  }
0x82: {  	_ =	shalt  }
0x83: {  	_ =	shalt  }
0x84: {  	_ =	shalt  }
0x85: {  	_ =	shalt  }
0x86: {  	_ =	shalt  }
0x87: {  	_ =	shalt  }
.Lfunc_end0:
.L_simem_size_0:
called_computation_lowered:
.L_overlay_start_0:
0x88: {  	s2 =	sld [smem:$0x3FD9]  }
0x89: {  	s3 =	sld [smem:$0x3FFE];
	_ =	sdelay $0x1  }
0x8a: {  	s1 =	srdreg.scid  }
0x8b: {  	s0 =	sand.u32 $0x1, s1  }
0x8c: {  	s16 =	sshll.u32 s0, $0xA;
	s2 =	sadd.s32 s3, s2  }
0x8d: {  	s2 =	sadd.s32 s2, s16  }
0x8e: {  	[smem:$0x3FC2] =	sst s2  }
0x8f: {  	_ = 	snop  }
0x90: {  	(tm) =	ssettm $0x1  }
0x91: {  	s17 =	sld [smem:$0x3FFB];
	_ =	sdelay $0x3  }
0x92: {  	_ =	strace s17  }
0x93: {  	s2 =	sld [smem:$0x3FFC];
	_ =	sdelay $0x3  }
0x94: {  	_ =	strace s2  }
0x95: {  	s2 =	sld [smem:$0x3FFD];
	_ =	sdelay $0x3  }
0x96: {  	_ =	strace s2  }
0x97: {  	_ =	strace $0x8FFFFFFF  }
0x98: {  	s18 =	sld [smem:$0x3FDB];
	_ =	sdelay $0x1  }
0x99: {  	s19 =	simm.s32 $_scs_section_size  }
0x9a: {  	s4 =	simm.s32 $_size__tile_overlayer_lowered;
	s5 =	simm.s32 $_tile_overlayer_lowered  }
0x9b: {  	s22 =	simm.s32 $0x1BFF;
	s21 =	sshll.u32 s5, $0x1;
	s2 =	sadd.s32 s19, s18  }
0x9c: {  	s6 =	simm.s32 $0x0;
	s20 =	sshll.u32 s4, $0x1;
	s4 =	sadd.s32 s21, s2  }
0x9d: {  	[timem:s6], [sflag:s22] =	dma.local [hbm:s4], s20  }
0x9e: {  	_ =	swait.ge [sflag:s22], s20  }
0x9f: {  	s3 =	ssub.s32 $0x0, s20;
	[sflag:s22] =	ssyncset.done $0x0  }
0xa0: {  	[sflag:s22] =	ssyncadd.s32 s3;
	_ =	sdelay $0x1  }
0xa1: {  	s23 =	simm.s32 $0x1B8B  }
0xa2: {  	_ =	swait.ge [sflag:s23], $0x1  }
0xa3: {  	[sflag:s23] =	ssyncset.done $0x0  }
0xa4: {  	s25 =	simm.s32 $0x1B8E;
	s24 =	sld [smem:$0x3FFE];
	[sflag:s23] =	ssyncadd.s32 $0xFFFFFFFF  }
0xa5: {  	s26 =	simm.s32 $execute0_lowered;
	[smem:$0x3FD2] =	sst s25  }
0xa6: {  	s4 =	sshll.u32 s26, $0x1;
	_ =	strace $0x80000046;
	[dreg:$0x1] =	wrdreg $0xFFFFFFFF  }
0xa7: {  	s28 =	simm.s32 $_size_execute0_lowered;
	s2 =	sadd.s32 s2, s4;
	[dreg:$0x0] =	wrdreg $0x0  }
0xa8: {  	s4 =	sshll.u32 s28, $0x1;
	[dreg:$0x2] =	wrdreg s2  }
0xa9: {  	[dreg:$0x3] =	wrdreg s4  }
0xaa: {  	[dreg:$0x4] =	wrdreg $0xC0  }
0xab: {  	_ =	task [dreg:s6], $0x5FFFF  }
0xac: {  	[dreg:$0x1] =	wrdreg $0xFFFFFFFF  }
0xad: {  	[dreg:$0x0] =	wrdreg $0x60  }
0xae: {  	[dreg:$0x2] =	wrdreg s24  }
0xaf: {  	[dreg:$0x3] =	wrdreg $0x2B000  }
0xb0: {  	[dreg:$0x4] =	wrdreg $0x9  }
0xb1: {  	_ =	task.clear_ibuf [dreg:s6], $0x5FFFF;
	_ =	strace $0x90000046  }
0xb2: {  	s29 =	simm.s32 $0x9;
	_ =	strace $0x80000048  }
0xb3: {  	_ =	swait.ge [sflag:s29], $0x1  }
0xb4: {  	[sflag:s29] =	ssyncadd.s32 $0xFFFFFFFF  }
0xb5: {  	_ =	strace $0x90000048  }
0xb6: {  	_ =	sfence  }
0xb7: {  	s30 =	sld [smem:$0x0];
	_ =	sdelay $0x2  }
0xb8: {  	s31 =	sshll.u32 s1, $0xD;
	s1 =	sshrl.u32 s1, $0x2  }
0xb9: {  	s3 =	sand.u32 $0x4000, s31;
	s1 =	sadd.s32 s1, s30  }
0xba: {  	s0 =	sor.u32 s3, s0;
	s1 =	sshll.u32 s1, $0x11  }
0xbb: {  	s0 =	sor.u32 s1, s0  }
0xbc: {  	s0 =	sadd.s32 $0x8F2B, s0  }
0xbd: {  	[sflag:s0] =	ssyncadd.remote.s32 $0x1  }
0xbe: {  	_ =	sfence.sel $0xFFFF  }
0xbf: {  	[dreg:$0x0] =	wrdreg $0xFFFFFFFF;
	(pc) =	sbr.abs _section_cstart, $3  }
0xc0: {  	[dreg:$0x1] =	wrdreg $0xFFFFFFFF  }
0xc1: {  	_ =	task.clear_ibuf [dreg:s6], $0x2FFFF;
	_ =	strace $0x9FFFFFFF  }
0xc2: {  	(tm) =	ssettm $0x7FFFFFFF  }
0xc3: {  	_ =	shalt  }
tec
execute0_lowered:
.L_overlay_start_1:
0x0: {  	(tag) =	ssettag $0x1  }
0x1: {  	s4 =	rddreg [dreg:$0x0];
	s0 =	srdreg.scid  }
0x2: {  	s2 =	rddreg [dreg:$0x1];
	s1 =	stileid.u32  }
0x3: {  	s3 =	simm.s32 $0x0;
	s10 =	simm.s32 $0x80;
	s11 =	simm.s32 $0x2800  }
0x4: {  	s14 =	simm.s32 $0x20;
	s15 =	simm.s32 $0x10;
	s16 =	simm.s32 $0x0  }
0x5: {  	s5 =	sand.u32 $0x1, s0;
	s0 =	rddreg [dreg:$0x2];
	s7 =	smul.u32 $0x500, s1  }
0x6: {  	[smem:$0x7FF] =	sst s3;
	s30 =	smul.u32 $0xA00, s1;
	s12 =	sshll.u32 s1, $0x6  }
0x7: {  	s6 =	sshll.u32 s5, $0x4;
	s8 =	sshll.u32 s5, $0x7;
	_ =	strace $0x80000047  }
0x8: {  	s5 =	ssub.s32 $0x2, s5;
	s12 =	sor.u32 $0x1C01, s12;
	s6 =	sor.u32 s1, s6  }
0x9: {  	s7 =	sor.u32 s8, s7;
	s31 =	sshrl.u32 s5, $0x1;
	s6 =	smul.u32 $0x500, s6  }
0xa: {  	s8 =	sshrl.u32 s30, $0x2;
	s7 =	sshrl.u32 s7, $0x3;
	s9 =	ssub.s32 s5, s31  }
0xb: {  	s5 =	sadd.s32 s8, s2;
	s8 =	simm.s32 $0x1;
	s6 =	sadd.s32 s6, s4  }
0xc: {  	s7 =	sadd.s32 s7, s4;
	s13 =	sshrl.u32 s5, $0x3;
	s4 =	sadd.s32 $0x2600, s6  }
0xd: {  	v0 =	vimm.f32 $0.0e+00;
	v1 =	vimm.f32 $1.000000000e+00;
	s6 =	sadd.s32 $0xC600, s7;
	s7 =	smax.u32 s9, $0x1;
	s9 =	simm.s32 $0x2880  }
.LBB2_1:
0xe: {  	[tilespmem:s3], [sflag:$0x1] =	stream.linear.gather [hbm4b:s4+s3], $0x2800, $0x38;
	[tilespmem:$0x2D80] =	vst v63  }
0xf: {  	_ =	swait.ge [sflag:s8], $0x2800  }
0x10: {  	[sflag:s8] =	ssyncset.done $0x0  }
0x11: {  	[sflag:s8] =	ssyncadd.s32 $0xFFFFD800  }
0x12: {  	[tilespmem:$0x2880] =	vst v0  }
0x13: {  	[tilespmem:$0x2890] =	vst v0  }
0x14: {  	[tilespmem:$0x28A0] =	vst v0  }
0x15: {  	[tilespmem:$0x28B0] =	vst v0  }
0x16: {  	[tilespmem:$0x28C0] =	vst v0  }
0x17: {  	[tilespmem:$0x28D0] =	vst v0  }
0x18: {  	[tilespmem:$0x28E0] =	vst v0  }
0x19: {  	[tilespmem:$0x28F0] =	vst v0  }
0x1a: {  	[tilespmem:$0x2900] =	vst v0  }
0x1b: {  	[tilespmem:$0x2910] =	vst v0  }
0x1c: {  	[tilespmem:$0x2920] =	vst v0  }
0x1d: {  	[tilespmem:$0x2930] =	vst v0  }
0x1e: {  	[tilespmem:$0x2940] =	vst v0  }
0x1f: {  	[tilespmem:$0x2950] =	vst v0  }
0x20: {  	[tilespmem:$0x2960] =	vst v0  }
0x21: {  	[tilespmem:$0x2970] =	vst v0  }
0x22: {  	[tilespmem:$0x2980] =	vst v0  }
0x23: {  	[tilespmem:$0x2990] =	vst v0  }
0x24: {  	[tilespmem:$0x29A0] =	vst v0  }
0x25: {  	[tilespmem:$0x29B0] =	vst v0  }
0x26: {  	[tilespmem:$0x29C0] =	vst v0  }
0x27: {  	[tilespmem:$0x29D0] =	vst v0  }
0x28: {  	[tilespmem:$0x29E0] =	vst v0  }
0x29: {  	[tilespmem:$0x29F0] =	vst v0  }
0x2a: {  	[tilespmem:$0x2A00] =	vst v0  }
0x2b: {  	[tilespmem:$0x2A10] =	vst v0  }
0x2c: {  	[tilespmem:$0x2A20] =	vst v0  }
0x2d: {  	[tilespmem:$0x2A30] =	vst v0  }
0x2e: {  	[tilespmem:$0x2A40] =	vst v0  }
0x2f: {  	[tilespmem:$0x2A50] =	vst v0  }
0x30: {  	[tilespmem:$0x2A60] =	vst v0  }
0x31: {  	[tilespmem:$0x2A70] =	vst v0  }
0x32: {  	[tilespmem:$0x2A80] =	vst v0  }
0x33: {  	[tilespmem:$0x2A90] =	vst v0  }
0x34: {  	[tilespmem:$0x2AA0] =	vst v0  }
0x35: {  	[tilespmem:$0x2AB0] =	vst v0  }
0x36: {  	[tilespmem:$0x2AC0] =	vst v0  }
0x37: {  	[tilespmem:$0x2AD0] =	vst v0  }
0x38: {  	[tilespmem:$0x2AE0] =	vst v0  }
0x39: {  	[tilespmem:$0x2AF0] =	vst v0  }
0x3a: {  	[tilespmem:$0x2800] =	vst v1  }
0x3b: {  	[tilespmem:$0x2810] =	vst v1  }
0x3c: {  	[tilespmem:$0x2820] =	vst v1  }
0x3d: {  	[tilespmem:$0x2830] =	vst v1  }
0x3e: {  	[tilespmem:$0x2840] =	vst v1  }
0x3f: {  	[tilespmem:$0x2850] =	vst v1  }
0x40: {  	[tilespmem:$0x2860] =	vst v1  }
0x41: {  	[tilespmem:$0x2870] =	vst v1  }
0x42: {  	[spmem:s5] =	stream.linear.scatter [tilespmem:s9], [sflag:$0x1], $0x280, $0x38;
	[tilespmem:$0x2D80] =	vst v63  }
0x43: {  	_ =	swait.ge [sflag:s8], $0x280  }
0x44: {  	[sflag:s8] =	ssyncset.done $0x0  }
0x45: {  	[sflag:s8] =	ssyncadd.s32 $0xFFFFFD80  }
0x46: {  	s17 =	simm.s32 $0x0;
	[bflag:$0x0] =	sbarrier.arrive $0xFFFF  }
0x47: {  	[spmem:s2] =	stream.indirect.scatter.add.f32 [tilespmem:s11], [sflag:$0x1], $0x1, s17, s10, $0xb8;
	[tilespmem:$0x2D80] =	vst v63  }
0x48: {  	_ =	swait.ge [sflag:s8], $0x80  }
0x49: {  	s17 =	simm.s32 $0x200;
	[sflag:s8] =	ssyncset.done $0x0  }
.LBB2_2:
0x4a: {  	s18 =	sshra.s32 s17, $0x2;
	[sflag:s8] =	ssyncadd.s32 $0xFFFFFF80;
	p0 =	sne.s32 s17, $0x9E00  }
0x4b: {  	[spmem:s2] =	stream.indirect.scatter.add.f32 [tilespmem:s11], [sflag:$0x1], $0x1, s18, s10, $0xb8;
	[tilespmem:$0x2D80] =	vst v63  }
.Ltmp0:
0x4c: {  	_ = 	snop;
	(pc) =	sbr.rel @p0 .LBB2_2-.Ltmp0, $4  }
0x4d: {  	_ = 	snop  }
0x4e: {  	s17 =	sadd.s32 $0x200, s17  }
0x4f: {  	_ =	swait.ge [sflag:s8], $0x80  }
0x50: {  	[sflag:s8] =	ssyncset.done $0x0  }
0x51: {  	s16 =	sadd.s32 $0x1, s16  }
0x52: {  	[sflag:s8] =	ssyncadd.s32 $0xFFFFFF80;
	p0 =	sne.s32 s16, s7  }
.Ltmp1:
0x53: {  	[bflag:$0x0] =	sbarrier.arrive $0xFFFF;
	(pc) =	sbr.rel @p0 .LBB2_1-.Ltmp1, $4  }
0x54: {  	[hbm:s6@s14], [sflag:s12] =	dma.strided [spmem:s13@s15], $0x50, s8, $0x10   }
0x55: {  	_ =	swait.ge [sflag:s8], $0x50  }
0x56: {  	[sflag:s8] =	ssyncset.done $0x0  }
0x57: {  	[sflag:s8] =	ssyncadd.s32 $0xFFFFFFB0  }
0x58: {  	_ =	sfence.sel $0x180000  }
0x59: {  	[bflag:$0x0] =	sbarrier.arrive $0xFFFF  }
0x5a: {  	p0 =	sne.s32 s1, $0x0;
	_ =	strace $0x90000047  }
0x5b: {  	s0 =	sadd.s32 @!p0 $0x100000, s0;
	[bflag:$0x2] =	sbarrier.arrive $0xFFFF  }
0x5c: {  	[sflag:s0] =	ssyncadd.tile.s32 @!p0 $0x1;
	_ =	shalt  }
.Lfunc_end2:
_tile_overlayer_lowered:
.L_overlay_start_2:
0x5d: {  	(tag) =	ssettag $0x2  }
0x5e: {  	s0 =	rddreg [dreg:$0x0];
	s2 =	stileid.u32  }
0x5f: {  	s1 =	rddreg [dreg:$0x1];
	p0 =	sne.s32 s2, $0x0  }
0x60: {  	s3 =	rddreg [dreg:$0x2];
	[bflag:$0x3] =	sbarrier.arrive $0xFFFF;
	s2 =	simm.s32 @!p0 $0x1C01  }
0x61: {  	[timem:s3], [sflag:s2] =	dma.local @!p0 [hbm:s0], s1  }
0x62: {  	s0 =	simm.s32 @!p0 $0x1  }
0x63: {  	_ =	swait.ge @!p0 [sflag:s0], s1  }
0x64: {  	s1 =	ssub.s32 @!p0 $0x0, s1;
	[sflag:s0] =	ssyncset.done @!p0 $0x0  }
0x65: {  	[sflag:s0] =	ssyncadd.s32 @!p0 s1  }
0x66: {  	[bflag:$0x3] =	sbarrier.arrive $0xFFFF  }
0x67: {  	_ =	shalt  }

</sc_bundles>
